<compile_context>
chip_gen: v7x
topology: tpu7x:2x2x1
jax: 0.10.2.dev20260603
libtpu: 0.0.44.dev20260713+nightly
codegen_flags: <defaults>
</compile_context>

<pallas_src>
import functools

import jax
import jax.numpy as jnp
from jax import lax
from jax.experimental import pallas as pl
from jax.experimental.pallas import tpu as pltpu
from jax.experimental.pallas import tpu_sc as plsc

N_NODES = 10000
N_EDGES = 320000
D = 128
NUM_LAYERS = 3
BN_EPS = 1e-5

NC = 2
NS = 16
NW = NC * NS
EPT = N_EDGES // NW
K = 80
NCHUNK = EPT // K
NTRIP = (NCHUNK - 2) // 3
RPT = 624
REM = N_NODES - NS * RPT

BR = 5000
NB = N_NODES // BR


def _seg_sum_body(x_hbm, src_hbm, dst_hbm, zrows_hbm, out_hbm,
                  src_v, rows_a, rows_b, rows_c, da, db, dc,
                  sem_a, sem_b, sem_c, sem_da, sem_db, sem_dc, acc_sh):
    c = lax.axis_index("c")
    s = lax.axis_index("s")
    wid = c * NS + s

    zoff = pl.multiple_of(s * RPT, 8)
    pltpu.sync_copy(zrows_hbm, acc_sh.at[pl.ds(zoff, RPT)])

    @pl.when(s == NS - 1)
    def _():
        pltpu.sync_copy(zrows_hbm.at[pl.ds(0, REM)],
                        acc_sh.at[pl.ds(NS * RPT, REM)])

    pltpu.sync_copy(src_hbm.at[wid], src_v)

    plsc.subcore_barrier()

    def gather(j, rows, sem):
        return pltpu.async_copy(x_hbm.at[src_v.at[j]], rows, sem)

    def didx(j, buf, sem):
        return pltpu.async_copy(dst_hbm.at[wid, pl.ds(j, 1)], buf, sem)

    def scatter(rows, buf):
        pltpu.sync_copy(rows, acc_sh.at[buf.at[0]], add=True)

    def wait_gather(j, rows, sem):
        pltpu.make_async_copy(x_hbm.at[src_v.at[j]], rows, sem).wait()

    def wait_didx(j, buf, sem):
        pltpu.make_async_copy(dst_hbm.at[wid, pl.ds(j, 1)], buf, sem).wait()

    gather(0, rows_a, sem_a)
    didx(0, da, sem_da)
    gather(1, rows_b, sem_b)
    didx(1, db, sem_db)

    def body(jj, carry):
        j = jj * 3
        gather(j + 2, rows_c, sem_c)
        didx(j + 2, dc, sem_dc)
        wait_gather(j, rows_a, sem_a)
        wait_didx(j, da, sem_da)
        scatter(rows_a, da)

        gather(j + 3, rows_a, sem_a)
        didx(j + 3, da, sem_da)
        wait_gather(j + 1, rows_b, sem_b)
        wait_didx(j + 1, db, sem_db)
        scatter(rows_b, db)

        gather(j + 4, rows_b, sem_b)
        didx(j + 4, db, sem_db)
        wait_gather(j + 2, rows_c, sem_c)
        wait_didx(j + 2, dc, sem_dc)
        scatter(rows_c, dc)
        return carry

    lax.fori_loop(0, NTRIP, body, 0)

    t0 = NCHUNK - 2
    t1 = NCHUNK - 1
    wait_gather(t0, rows_a, sem_a)
    wait_didx(t0, da, sem_da)
    scatter(rows_a, da)
    wait_gather(t1, rows_b, sem_b)
    wait_didx(t1, db, sem_db)
    scatter(rows_b, db)

    plsc.subcore_barrier()

    ooff = pl.multiple_of(c * N_NODES + s * RPT, 8)
    pltpu.sync_copy(acc_sh.at[pl.ds(zoff, RPT)], out_hbm.at[pl.ds(ooff, RPT)])

    @pl.when(s == NS - 1)
    def _():
        toff = pl.multiple_of(c * N_NODES + NS * RPT, 8)
        pltpu.sync_copy(acc_sh.at[pl.ds(NS * RPT, REM)],
                        out_hbm.at[pl.ds(toff, REM)])


@functools.cache
def _seg_sum_kernel():
    return pl.kernel(
        _seg_sum_body,
        out_type=jax.ShapeDtypeStruct((2 * N_NODES, D), jnp.float32),
        mesh=plsc.VectorSubcoreMesh(core_axis_name="c", subcore_axis_name="s"),
        scratch_types=[
            pltpu.VMEM((NCHUNK, K), jnp.int32),
            pltpu.VMEM((K, D), jnp.float32),
            pltpu.VMEM((K, D), jnp.float32),
            pltpu.VMEM((K, D), jnp.float32),
            pltpu.VMEM((1, K), jnp.int32),
            pltpu.VMEM((1, K), jnp.int32),
            pltpu.VMEM((1, K), jnp.int32),
            pltpu.SemaphoreType.DMA,
            pltpu.SemaphoreType.DMA,
            pltpu.SemaphoreType.DMA,
            pltpu.SemaphoreType.DMA,
            pltpu.SemaphoreType.DMA,
            pltpu.SemaphoreType.DMA,
            pltpu.VMEM_SHARED((N_NODES, D), jnp.float32),
        ],
    )


def _layer_body(x_ref, alo_ref, ahi_ref, w1_ref, b1_ref, w2_ref, b2_ref,
                g_ref, bt_ref, y_ref, z2_scr, st_scr):
    p = pl.program_id(0)
    b = pl.program_id(1)

    @pl.when(p == 0)
    def _():
        h = x_ref[...] + alo_ref[...] + ahi_ref[...]
        z1 = jnp.maximum(
            jnp.dot(h, w1_ref[...], preferred_element_type=jnp.float32,
                    precision=lax.Precision.DEFAULT)
            + b1_ref[...], 0.0)
        z2 = (jnp.dot(z1, w2_ref[...], preferred_element_type=jnp.float32,
                      precision=lax.Precision.DEFAULT)
              + b2_ref[...])
        z2_scr[pl.ds(b * BR, BR), :] = z2
        ps = jnp.sum(z2, axis=0, keepdims=True)
        pq = jnp.sum(z2 * z2, axis=0, keepdims=True)
        blk = jnp.concatenate([ps, pq], axis=0)

        @pl.when(b == 0)
        def _():
            st_scr[...] = blk

        @pl.when(b > 0)
        def _():
            st_scr[...] = st_scr[...] + blk

    @pl.when(p == 1)
    def _():
        inv_n = 1.0 / N_NODES
        mean = st_scr[0:1, :] * inv_n
        ex2 = st_scr[1:2, :] * inv_n
        var = jnp.maximum(ex2 - mean * mean, 0.0)
        inv = lax.rsqrt(var + BN_EPS)
        z2 = z2_scr[pl.ds(b * BR, BR), :]
        y_ref[...] = jnp.maximum(
            (z2 - mean) * (inv * g_ref[...]) + bt_ref[...], 0.0)


_layer = pl.pallas_call(
    _layer_body,
    grid=(2, NB),
    in_specs=[
        pl.BlockSpec((BR, D), lambda p, b: (b * (1 - p), 0)),
        pl.BlockSpec((BR, D), lambda p, b: (b * (1 - p), 0)),
        pl.BlockSpec((BR, D), lambda p, b: (b * (1 - p) + NB, 0)),
        pl.BlockSpec((D, D), lambda p, b: (0, 0)),
        pl.BlockSpec((1, D), lambda p, b: (0, 0)),
        pl.BlockSpec((D, D), lambda p, b: (0, 0)),
        pl.BlockSpec((1, D), lambda p, b: (0, 0)),
        pl.BlockSpec((1, D), lambda p, b: (0, 0)),
        pl.BlockSpec((1, D), lambda p, b: (0, 0)),
    ],
    out_specs=pl.BlockSpec((BR, D), lambda p, b: (b * p, 0)),
    out_shape=jax.ShapeDtypeStruct((N_NODES, D), jnp.float32),
    scratch_shapes=[
        pltpu.VMEM((N_NODES, D), jnp.float32),
        pltpu.VMEM((2, D), jnp.float32),
    ],
)


def kernel(x, edge_index, batch, W1, b1, W2, b2, gamma, beta):
    del batch
    src = edge_index[0].astype(jnp.int32).reshape(NW, NCHUNK, K)
    dst = edge_index[1].astype(jnp.int32).reshape(NW, NCHUNK, K)
    zrows = jnp.zeros((RPT, D), jnp.float32)
    x = x.astype(jnp.float32)
    for i in range(NUM_LAYERS):
        part = _seg_sum_kernel()(x, src, dst, zrows)
        x = _layer(x, part, part, W1[i], b1[i].reshape(1, D),
                   W2[i], b2[i].reshape(1, D),
                   gamma[i].reshape(1, D), beta[i].reshape(1, D))
    return x

# --- scband reference (transcript-rebuilt; emitter-appended) ---
"""Pipeline reference for scband-atom-feature-extractor-53060025975178 (READ-ONLY COPY).

The authoritative reference and input builder live on the scoring server;
editing this copy changes nothing except your own understanding.
"""

import jax, jax.numpy as jnp
import numpy as np

N_NODES = 10000
N_EDGES = 320000
D = 128
NUM_LAYERS = 3
BN_EPS = 1e-5


def setup_inputs(seed: int = 0) -> dict:
    key = jax.random.key(seed)
    ks = jax.random.split(key, 10)
    x = jax.random.normal(ks[0], (N_NODES, D), dtype=jnp.float32)
    edge_index = jax.random.randint(ks[1], (2, N_EDGES), 0, N_NODES, dtype=jnp.int64)
    batch = jnp.zeros((N_NODES,), dtype=jnp.int64)
    s1 = 1.0 / np.sqrt(D)
    W1 = jax.random.uniform(ks[2], (NUM_LAYERS, D, D), jnp.float32, -s1, s1)
    b1 = jax.random.uniform(ks[3], (NUM_LAYERS, D), jnp.float32, -s1, s1)
    W2 = jax.random.uniform(ks[4], (NUM_LAYERS, D, D), jnp.float32, -s1, s1)
    b2 = jax.random.uniform(ks[5], (NUM_LAYERS, D), jnp.float32, -s1, s1)
    gamma = jnp.ones((NUM_LAYERS, D), dtype=jnp.float32)
    beta = jnp.zeros((NUM_LAYERS, D), dtype=jnp.float32)
    return {"x": x, "edge_index": edge_index, "batch": batch,
            "W1": W1, "b1": b1, "W2": W2, "b2": b2,
            "gamma": gamma, "beta": beta}


def reference(x, edge_index, batch, W1, b1, W2, b2, gamma, beta):
    # AtomFeatureExtractor.forward: run each GINConv layer, BN (training-mode
    # batch stats since N>1), ReLU; return abs of the last layer's output.
    n = x.shape[0]
    src = edge_index[0]
    dst = edge_index[1]
    for i in range(NUM_LAYERS):
        # GINConv (eps=0): h = MLP(x + sum_{j in N(i)} x_j)
        agg = jax.ops.segment_sum(x[src], dst, num_segments=n)
        h = x + agg
        h = jax.nn.relu(h @ W1[i] + b1[i])
        h = h @ W2[i] + b2[i]
        # BatchNorm1d, training-mode statistics (biased variance)
        mean = jnp.mean(h, axis=0)
        var = jnp.mean((h - mean) ** 2, axis=0)
        h = (h - mean) / jnp.sqrt(var + BN_EPS) * gamma[i] + beta[i]
        x = jax.nn.relu(h)
    return jnp.abs(x)

if __name__ == "__main__":
    import jax
    _d = setup_inputs()
    print(jax.jit(kernel)(*tuple(_d.values())))

</pallas_src>

<mosaic_0001>
#map = affine_map<(d0, d1) -> (0, 0)>
#map1 = affine_map<(d0, d1) -> (0, 0, 0)>
module attributes {stable_mosaic.version = 14 : i64} {
  func.func @_seg_sum_body(%arg0: i32, %arg1: i32, %arg2: memref<10000x128xf32, #tpu.memory_space<hbm>>, %arg3: memref<32x125x80xi32, #tpu.memory_space<hbm>>, %arg4: memref<32x125x80xi32, #tpu.memory_space<hbm>>, %arg5: memref<624x128xf32, #tpu.memory_space<hbm>>, %arg6: memref<20000x128xf32, #tpu.memory_space<hbm>>, %arg7: memref<125x80xi32, #tpu.memory_space<vmem>>, %arg8: memref<80x128xf32, #tpu.memory_space<vmem>>, %arg9: memref<80x128xf32, #tpu.memory_space<vmem>>, %arg10: memref<80x128xf32, #tpu.memory_space<vmem>>, %arg11: memref<1x80xi32, #tpu.memory_space<vmem>>, %arg12: memref<1x80xi32, #tpu.memory_space<vmem>>, %arg13: memref<1x80xi32, #tpu.memory_space<vmem>>, %arg14: memref<!tpu.dma_semaphore, #tpu.memory_space<semaphore_mem>>, %arg15: memref<!tpu.dma_semaphore, #tpu.memory_space<semaphore_mem>>, %arg16: memref<!tpu.dma_semaphore, #tpu.memory_space<semaphore_mem>>, %arg17: memref<!tpu.dma_semaphore, #tpu.memory_space<semaphore_mem>>, %arg18: memref<!tpu.dma_semaphore, #tpu.memory_space<semaphore_mem>>, %arg19: memref<!tpu.dma_semaphore, #tpu.memory_space<semaphore_mem>>, %arg20: memref<10000x128xf32, #tpu.memory_space<vmem_shared>>) attributes {dimension_semantics = [#tpu.dimension_semantics<core_parallel>, #tpu.dimension_semantics<subcore_parallel>], iteration_bounds = array<i64: 2, 16>, scalar_prefetch = 0 : i64, scratch_operands = 14 : i64, tpu.core_type = #tpu.core_type<sc_vector_subcore>, window_params = [{transform_indices = #map}, {transform_indices = #map1}, {transform_indices = #map1}, {transform_indices = #map}, {transform_indices = #map}]} {
    %mul3A = arith.constant 16 : i32
    %mul3A_0 = arith.muli %arg0, %mul3A : i32
    %add3A = arith.addi %mul3A_0, %arg1 : i32
    %mul3A_1 = arith.constant 624 : i32
    %mul3A_2 = arith.muli %arg1, %mul3A_1 : i32
    %multiple_of3A = tpu.assume_multiple %mul3A_2, 8 : i32
    "tpu.region"() ({
      %run_scoped3A_81 = tpu.sem_alloc : memref<!tpu.dma_semaphore, #tpu.memory_space<semaphore_mem>>
      %dma_start3A_82 = arith.constant 0 : i32
      %dma_start3A_83 = tpu.memref_slice %arg20[%multiple_of3A, %dma_start3A_82] : memref<10000x128xf32, #tpu.memory_space<vmem_shared>> -> memref<624x128xf32, #tpu.memory_space<vmem_shared>>
      tpu.enqueue_dma source(%arg5 : memref<624x128xf32, #tpu.memory_space<hbm>>) target(%dma_start3A_83 : memref<624x128xf32, #tpu.memory_space<vmem_shared>>) target_semaphore(%run_scoped3A_81 : memref<!tpu.dma_semaphore, #tpu.memory_space<semaphore_mem>>)
      %dma_wait3A_84 = arith.constant 0 : i32
      %dma_wait3A_85 = tpu.memref_slice %arg20[%multiple_of3A, %dma_wait3A_84] : memref<10000x128xf32, #tpu.memory_space<vmem_shared>> -> memref<624x128xf32, #tpu.memory_space<vmem_shared>>
      tpu.wait_dma2 semaphore(%run_scoped3A_81 : memref<!tpu.dma_semaphore, #tpu.memory_space<semaphore_mem>>) src(%arg5 : memref<624x128xf32, #tpu.memory_space<hbm>>) dst(%dma_wait3A_85 : memref<624x128xf32, #tpu.memory_space<vmem_shared>>)
      tpu.yield
    }) : () -> ()
    %eq3A = arith.constant 15 : i32
    %eq3A_3 = arith.cmpi eq, %arg1, %eq3A : i32
    %convert_element_type3A = arith.extui %eq3A_3 : i1 to i32
    %cond3A = arith.constant 0 : i32
    %cond3A_4 = arith.cmpi ne, %convert_element_type3A, %cond3A : i32
    scf.if %cond3A_4 {
      "tpu.region"() ({
        %run_scoped3A_81 = tpu.sem_alloc : memref<!tpu.dma_semaphore, #tpu.memory_space<semaphore_mem>>
        %dma_start3A_82 = arith.constant 9984 : i32
        %dma_start3A_83 = arith.constant 0 : i32
        %dma_start3A_84 = tpu.memref_slice %arg20[%dma_start3A_82, %dma_start3A_83] : memref<10000x128xf32, #tpu.memory_space<vmem_shared>> -> memref<16x128xf32, #tpu.memory_space<vmem_shared>>
        %dma_start3A_85 = arith.constant 0 : i32
        %dma_start3A_86 = arith.constant 0 : i32
        %dma_start3A_87 = tpu.memref_slice %arg5[%dma_start3A_85, %dma_start3A_86] : memref<624x128xf32, #tpu.memory_space<hbm>> -> memref<16x128xf32, #tpu.memory_space<hbm>>
        tpu.enqueue_dma source(%dma_start3A_87 : memref<16x128xf32, #tpu.memory_space<hbm>>) target(%dma_start3A_84 : memref<16x128xf32, #tpu.memory_space<vmem_shared>>) target_semaphore(%run_scoped3A_81 : memref<!tpu.dma_semaphore, #tpu.memory_space<semaphore_mem>>)
        %dma_wait3A_88 = arith.constant 9984 : i32
        %dma_wait3A_89 = arith.constant 0 : i32
        %dma_wait3A_90 = tpu.memref_slice %arg20[%dma_wait3A_88, %dma_wait3A_89] : memref<10000x128xf32, #tpu.memory_space<vmem_shared>> -> memref<16x128xf32, #tpu.memory_space<vmem_shared>>
        %dma_wait3A_91 = arith.constant 0 : i32
        %dma_wait3A_92 = arith.constant 0 : i32
        %dma_wait3A_93 = tpu.memref_slice %arg5[%dma_wait3A_91, %dma_wait3A_92] : memref<624x128xf32, #tpu.memory_space<hbm>> -> memref<16x128xf32, #tpu.memory_space<hbm>>
        tpu.wait_dma2 semaphore(%run_scoped3A_81 : memref<!tpu.dma_semaphore, #tpu.memory_space<semaphore_mem>>) src(%dma_wait3A_93 : memref<16x128xf32, #tpu.memory_space<hbm>>) dst(%dma_wait3A_90 : memref<16x128xf32, #tpu.memory_space<vmem_shared>>)
        tpu.yield
      }) : () -> ()
    } else {
    }
    "tpu.region"() ({
      %run_scoped3A_81 = tpu.sem_alloc : memref<!tpu.dma_semaphore, #tpu.memory_space<semaphore_mem>>
      %dma_start3A_82 = arith.constant 0 : i32
      %dma_start3A_83 = arith.constant 0 : i32
      %dma_start3A_84 = tpu.memref_slice %arg3[%add3A, %dma_start3A_82, %dma_start3A_83] : memref<32x125x80xi32, #tpu.memory_space<hbm>> -> memref<1x125x80xi32, #tpu.memory_space<hbm>>
      %dma_start3A_85 = tpu.memref_squeeze %dma_start3A_84 : memref<1x125x80xi32, #tpu.memory_space<hbm>> -> memref<125x80xi32, #tpu.memory_space<hbm>>
      %dma_start3A_86 = arith.constant 0 : i32
      %dma_start3A_87 = arith.constant 0 : i32
      %dma_start3A_88 = tpu.memref_slice %arg3[%add3A, %dma_start3A_86, %dma_start3A_87] : memref<32x125x80xi32, #tpu.memory_space<hbm>> -> memref<1x125x80xi32, #tpu.memory_space<hbm>>
      %dma_start3A_89 = tpu.memref_squeeze %dma_start3A_88 : memref<1x125x80xi32, #tpu.memory_space<hbm>> -> memref<125x80xi32, #tpu.memory_space<hbm>>
      tpu.enqueue_dma source(%dma_start3A_89 : memref<125x80xi32, #tpu.memory_space<hbm>>) target(%arg7 : memref<125x80xi32, #tpu.memory_space<vmem>>) target_semaphore(%run_scoped3A_81 : memref<!tpu.dma_semaphore, #tpu.memory_space<semaphore_mem>>)
      %dma_wait3A_90 = arith.constant 0 : i32
      %dma_wait3A_91 = arith.constant 0 : i32
      %dma_wait3A_92 = tpu.memref_slice %arg3[%add3A, %dma_wait3A_90, %dma_wait3A_91] : memref<32x125x80xi32, #tpu.memory_space<hbm>> -> memref<1x125x80xi32, #tpu.memory_space<hbm>>
      %dma_wait3A_93 = tpu.memref_squeeze %dma_wait3A_92 : memref<1x125x80xi32, #tpu.memory_space<hbm>> -> memref<125x80xi32, #tpu.memory_space<hbm>>
      %dma_wait3A_94 = arith.constant 0 : i32
      %dma_wait3A_95 = arith.constant 0 : i32
      %dma_wait3A_96 = tpu.memref_slice %arg3[%add3A, %dma_wait3A_94, %dma_wait3A_95] : memref<32x125x80xi32, #tpu.memory_space<hbm>> -> memref<1x125x80xi32, #tpu.memory_space<hbm>>
      %dma_wait3A_97 = tpu.memref_squeeze %dma_wait3A_96 : memref<1x125x80xi32, #tpu.memory_space<hbm>> -> memref<125x80xi32, #tpu.memory_space<hbm>>
      tpu.wait_dma2 semaphore(%run_scoped3A_81 : memref<!tpu.dma_semaphore, #tpu.memory_space<semaphore_mem>>) src(%dma_wait3A_97 : memref<125x80xi32, #tpu.memory_space<hbm>>) dst(%arg7 : memref<125x80xi32, #tpu.memory_space<vmem>>)
      tpu.yield
    }) : () -> ()
    %barrier3A = arith.constant 0 : index
    tpu.barrier barrier_id(%barrier3A)
    %dma_start3A = arith.constant 0 : i32
    %dma_start3A_5 = arith.constant 0 : i32
    %dma_start3A_6 = tpu.memref_slice %arg7[%dma_start3A, %dma_start3A_5] : memref<125x80xi32, #tpu.memory_space<vmem>> -> memref<1x80xi32, #tpu.memory_space<vmem>>
    %dma_start3A_7 = tpu.memref_squeeze %dma_start3A_6 : memref<1x80xi32, #tpu.memory_space<vmem>> -> memref<80xi32, #tpu.memory_space<vmem>>
    %dma_start3A_8 = arith.constant 0 : i32
    %dma_start3A_9 = arith.constant 0 : i32
    %dma_start3A_10 = tpu.memref_slice %arg2[%dma_start3A_8, %dma_start3A_9] : memref<10000x128xf32, #tpu.memory_space<hbm>> -> memref<10000x128xf32, #tpu.memory_space<hbm>>
    tpu.enqueue_indirect_dma source(%dma_start3A_10 : memref<10000x128xf32, #tpu.memory_space<hbm>>) target(%arg8 : memref<80x128xf32, #tpu.memory_space<vmem>>) offsets(%dma_start3A_7 : memref<80xi32, #tpu.memory_space<vmem>>) semaphore(%arg14 : memref<!tpu.dma_semaphore, #tpu.memory_space<semaphore_mem>>)
    %dma_start3A_11 = arith.constant 0 : i32
    %dma_start3A_12 = arith.constant 0 : i32
    %dma_start3A_13 = tpu.memref_slice %arg4[%add3A, %dma_start3A_11, %dma_start3A_12] : memref<32x125x80xi32, #tpu.memory_space<hbm>> -> memref<1x1x80xi32, #tpu.memory_space<hbm>>
    %dma_start3A_14 = tpu.memref_squeeze %dma_start3A_13 : memref<1x1x80xi32, #tpu.memory_space<hbm>> -> memref<1x80xi32, #tpu.memory_space<hbm>>
    %dma_start3A_15 = arith.constant 0 : i32
    %dma_start3A_16 = arith.constant 0 : i32
    %dma_start3A_17 = tpu.memref_slice %arg4[%add3A, %dma_start3A_15, %dma_start3A_16] : memref<32x125x80xi32, #tpu.memory_space<hbm>> -> memref<1x1x80xi32, #tpu.memory_space<hbm>>
    %dma_start3A_18 = tpu.memref_squeeze %dma_start3A_17 : memref<1x1x80xi32, #tpu.memory_space<hbm>> -> memref<1x80xi32, #tpu.memory_space<hbm>>
    tpu.enqueue_dma source(%dma_start3A_18 : memref<1x80xi32, #tpu.memory_space<hbm>>) target(%arg11 : memref<1x80xi32, #tpu.memory_space<vmem>>) target_semaphore(%arg17 : memref<!tpu.dma_semaphore, #tpu.memory_space<semaphore_mem>>)
    %dma_start3A_19 = arith.constant 1 : i32
    %dma_start3A_20 = arith.constant 0 : i32
    %dma_start3A_21 = tpu.memref_slice %arg7[%dma_start3A_19, %dma_start3A_20] : memref<125x80xi32, #tpu.memory_space<vmem>> -> memref<1x80xi32, #tpu.memory_space<vmem>>
    %dma_start3A_22 = tpu.memref_squeeze %dma_start3A_21 : memref<1x80xi32, #tpu.memory_space<vmem>> -> memref<80xi32, #tpu.memory_space<vmem>>
    %dma_start3A_23 = arith.constant 0 : i32
    %dma_start3A_24 = arith.constant 0 : i32
    %dma_start3A_25 = tpu.memref_slice %arg2[%dma_start3A_23, %dma_start3A_24] : memref<10000x128xf32, #tpu.memory_space<hbm>> -> memref<10000x128xf32, #tpu.memory_space<hbm>>
    tpu.enqueue_indirect_dma source(%dma_start3A_25 : memref<10000x128xf32, #tpu.memory_space<hbm>>) target(%arg9 : memref<80x128xf32, #tpu.memory_space<vmem>>) offsets(%dma_start3A_22 : memref<80xi32, #tpu.memory_space<vmem>>) semaphore(%arg15 : memref<!tpu.dma_semaphore, #tpu.memory_space<semaphore_mem>>)
    %dma_start3A_26 = arith.constant 1 : i32
    %dma_start3A_27 = arith.constant 0 : i32
    %dma_start3A_28 = tpu.memref_slice %arg4[%add3A, %dma_start3A_26, %dma_start3A_27] : memref<32x125x80xi32, #tpu.memory_space<hbm>> -> memref<1x1x80xi32, #tpu.memory_space<hbm>>
    %dma_start3A_29 = tpu.memref_squeeze %dma_start3A_28 : memref<1x1x80xi32, #tpu.memory_space<hbm>> -> memref<1x80xi32, #tpu.memory_space<hbm>>
    %dma_start3A_30 = arith.constant 1 : i32
    %dma_start3A_31 = arith.constant 0 : i32
    %dma_start3A_32 = tpu.memref_slice %arg4[%add3A, %dma_start3A_30, %dma_start3A_31] : memref<32x125x80xi32, #tpu.memory_space<hbm>> -> memref<1x1x80xi32, #tpu.memory_space<hbm>>
    %dma_start3A_33 = tpu.memref_squeeze %dma_start3A_32 : memref<1x1x80xi32, #tpu.memory_space<hbm>> -> memref<1x80xi32, #tpu.memory_space<hbm>>
    tpu.enqueue_dma source(%dma_start3A_33 : memref<1x80xi32, #tpu.memory_space<hbm>>) target(%arg12 : memref<1x80xi32, #tpu.memory_space<vmem>>) target_semaphore(%arg18 : memref<!tpu.dma_semaphore, #tpu.memory_space<semaphore_mem>>)
    %scan3A = arith.constant 0 : i32
    %scan3A_34 = arith.constant 0 : i32
    %scan3A_35 = arith.constant 41 : i32
    %scan3A_36 = arith.addi %scan3A_34, %scan3A_35 : i32
    %scan3A_37 = arith.constant 1 : i32
    scf.for %scan3A_81 = %scan3A_34 to %scan3A_36 step %scan3A_37  : i32 {
      %mul3A_82 = arith.constant 3 : i32
      %mul3A_83 = arith.muli %scan3A_81, %mul3A_82 : i32
      %add3A_84 = arith.constant 2 : i32
      %add3A_85 = arith.addi %mul3A_83, %add3A_84 : i32
      %dma_start3A_86 = arith.constant 0 : i32
      %dma_start3A_87 = tpu.memref_slice %arg7[%add3A_85, %dma_start3A_86] : memref<125x80xi32, #tpu.memory_space<vmem>> -> memref<1x80xi32, #tpu.memory_space<vmem>>
      %dma_start3A_88 = tpu.memref_squeeze %dma_start3A_87 : memref<1x80xi32, #tpu.memory_space<vmem>> -> memref<80xi32, #tpu.memory_space<vmem>>
      %dma_start3A_89 = arith.constant 0 : i32
      %dma_start3A_90 = arith.constant 0 : i32
      %dma_start3A_91 = tpu.memref_slice %arg2[%dma_start3A_89, %dma_start3A_90] : memref<10000x128xf32, #tpu.memory_space<hbm>> -> memref<10000x128xf32, #tpu.memory_space<hbm>>
      tpu.enqueue_indirect_dma source(%dma_start3A_91 : memref<10000x128xf32, #tpu.memory_space<hbm>>) target(%arg10 : memref<80x128xf32, #tpu.memory_space<vmem>>) offsets(%dma_start3A_88 : memref<80xi32, #tpu.memory_space<vmem>>) semaphore(%arg16 : memref<!tpu.dma_semaphore, #tpu.memory_space<semaphore_mem>>)
      %add3A_92 = arith.constant 2 : i32
      %add3A_93 = arith.addi %mul3A_83, %add3A_92 : i32
      %dma_start3A_94 = arith.constant 0 : i32
      %dma_start3A_95 = tpu.memref_slice %arg4[%add3A, %add3A_93, %dma_start3A_94] : memref<32x125x80xi32, #tpu.memory_space<hbm>> -> memref<1x1x80xi32, #tpu.memory_space<hbm>>
      %dma_start3A_96 = tpu.memref_squeeze %dma_start3A_95 : memref<1x1x80xi32, #tpu.memory_space<hbm>> -> memref<1x80xi32, #tpu.memory_space<hbm>>
      %dma_start3A_97 = arith.constant 0 : i32
      %dma_start3A_98 = tpu.memref_slice %arg4[%add3A, %add3A_93, %dma_start3A_97] : memref<32x125x80xi32, #tpu.memory_space<hbm>> -> memref<1x1x80xi32, #tpu.memory_space<hbm>>
      %dma_start3A_99 = tpu.memref_squeeze %dma_start3A_98 : memref<1x1x80xi32, #tpu.memory_space<hbm>> -> memref<1x80xi32, #tpu.memory_space<hbm>>
      tpu.enqueue_dma source(%dma_start3A_99 : memref<1x80xi32, #tpu.memory_space<hbm>>) target(%arg13 : memref<1x80xi32, #tpu.memory_space<vmem>>) target_semaphore(%arg19 : memref<!tpu.dma_semaphore, #tpu.memory_space<semaphore_mem>>)
      %dma_wait3A_100 = arith.constant 0 : i32
      %dma_wait3A_101 = tpu.memref_slice %arg7[%mul3A_83, %dma_wait3A_100] : memref<125x80xi32, #tpu.memory_space<vmem>> -> memref<1x80xi32, #tpu.memory_space<vmem>>
      %dma_wait3A_102 = tpu.memref_squeeze %dma_wait3A_101 : memref<1x80xi32, #tpu.memory_space<vmem>> -> memref<80xi32, #tpu.memory_space<vmem>>
      %dma_wait3A_103 = arith.constant 0 : i32
      %dma_wait3A_104 = arith.constant 0 : i32
      %dma_wait3A_105 = tpu.memref_slice %arg2[%dma_wait3A_103, %dma_wait3A_104] : memref<10000x128xf32, #tpu.memory_space<hbm>> -> memref<10000x128xf32, #tpu.memory_space<hbm>>
      tpu.wait_indirect_dma semaphore(%arg14 : memref<!tpu.dma_semaphore, #tpu.memory_space<semaphore_mem>>) src(%dma_wait3A_105 : memref<10000x128xf32, #tpu.memory_space<hbm>>) dst(%arg8 : memref<80x128xf32, #tpu.memory_space<vmem>>)
      %dma_wait3A_106 = arith.constant 0 : i32
      %dma_wait3A_107 = tpu.memref_slice %arg4[%add3A, %mul3A_83, %dma_wait3A_106] : memref<32x125x80xi32, #tpu.memory_space<hbm>> -> memref<1x1x80xi32, #tpu.memory_space<hbm>>
      %dma_wait3A_108 = tpu.memref_squeeze %dma_wait3A_107 : memref<1x1x80xi32, #tpu.memory_space<hbm>> -> memref<1x80xi32, #tpu.memory_space<hbm>>
      %dma_wait3A_109 = arith.constant 0 : i32
      %dma_wait3A_110 = tpu.memref_slice %arg4[%add3A, %mul3A_83, %dma_wait3A_109] : memref<32x125x80xi32, #tpu.memory_space<hbm>> -> memref<1x1x80xi32, #tpu.memory_space<hbm>>
      %dma_wait3A_111 = tpu.memref_squeeze %dma_wait3A_110 : memref<1x1x80xi32, #tpu.memory_space<hbm>> -> memref<1x80xi32, #tpu.memory_space<hbm>>
      tpu.wait_dma2 semaphore(%arg17 : memref<!tpu.dma_semaphore, #tpu.memory_space<semaphore_mem>>) src(%dma_wait3A_111 : memref<1x80xi32, #tpu.memory_space<hbm>>) dst(%arg11 : memref<1x80xi32, #tpu.memory_space<vmem>>)
      %run_scoped3A_112 = arith.constant 0 : i32
      "tpu.region"() ({
        %run_scoped3A_179 = tpu.sem_alloc : memref<!tpu.dma_semaphore, #tpu.memory_space<semaphore_mem>>
        %dma_start3A_180 = arith.constant 0 : i32
        %dma_start3A_181 = tpu.memref_slice %arg11[%run_scoped3A_112, %dma_start3A_180] : memref<1x80xi32, #tpu.memory_space<vmem>> -> memref<1x80xi32, #tpu.memory_space<vmem>>
        %dma_start3A_182 = tpu.memref_squeeze %dma_start3A_181 : memref<1x80xi32, #tpu.memory_space<vmem>> -> memref<80xi32, #tpu.memory_space<vmem>>
        %dma_start3A_183 = arith.constant 0 : i32
        %dma_start3A_184 = arith.constant 0 : i32
        %dma_start3A_185 = tpu.memref_slice %arg20[%dma_start3A_183, %dma_start3A_184] : memref<10000x128xf32, #tpu.memory_space<vmem_shared>> -> memref<10000x128xf32, #tpu.memory_space<vmem_shared>>
        tpu.enqueue_indirect_dma source(%arg8 : memref<80x128xf32, #tpu.memory_space<vmem>>) target(%dma_start3A_185 : memref<10000x128xf32, #tpu.memory_space<vmem_shared>>) offsets(%dma_start3A_182 : memref<80xi32, #tpu.memory_space<vmem>>) semaphore(%run_scoped3A_179 : memref<!tpu.dma_semaphore, #tpu.memory_space<semaphore_mem>>) {add = true}
        %dma_wait3A_186 = arith.constant 0 : i32
        %dma_wait3A_187 = tpu.memref_slice %arg11[%run_scoped3A_112, %dma_wait3A_186] : memref<1x80xi32, #tpu.memory_space<vmem>> -> memref<1x80xi32, #tpu.memory_space<vmem>>
        %dma_wait3A_188 = tpu.memref_squeeze %dma_wait3A_187 : memref<1x80xi32, #tpu.memory_space<vmem>> -> memref<80xi32, #tpu.memory_space<vmem>>
        %dma_wait3A_189 = arith.constant 0 : i32
        %dma_wait3A_190 = arith.constant 0 : i32
        %dma_wait3A_191 = tpu.memref_slice %arg20[%dma_wait3A_189, %dma_wait3A_190] : memref<10000x128xf32, #tpu.memory_space<vmem_shared>> -> memref<10000x128xf32, #tpu.memory_space<vmem_shared>>
        tpu.wait_indirect_dma semaphore(%run_scoped3A_179 : memref<!tpu.dma_semaphore, #tpu.memory_space<semaphore_mem>>) src(%arg8 : memref<80x128xf32, #tpu.memory_space<vmem>>) dst(%dma_wait3A_191 : memref<10000x128xf32, #tpu.memory_space<vmem_shared>>)
        tpu.yield
      }) : () -> ()
      %add3A_113 = arith.constant 3 : i32
      %add3A_114 = arith.addi %mul3A_83, %add3A_113 : i32
      %dma_start3A_115 = arith.constant 0 : i32
      %dma_start3A_116 = tpu.memref_slice %arg7[%add3A_114, %dma_start3A_115] : memref<125x80xi32, #tpu.memory_space<vmem>> -> memref<1x80xi32, #tpu.memory_space<vmem>>
      %dma_start3A_117 = tpu.memref_squeeze %dma_start3A_116 : memref<1x80xi32, #tpu.memory_space<vmem>> -> memref<80xi32, #tpu.memory_space<vmem>>
      %dma_start3A_118 = arith.constant 0 : i32
      %dma_start3A_119 = arith.constant 0 : i32
      %dma_start3A_120 = tpu.memref_slice %arg2[%dma_start3A_118, %dma_start3A_119] : memref<10000x128xf32, #tpu.memory_space<hbm>> -> memref<10000x128xf32, #tpu.memory_space<hbm>>
      tpu.enqueue_indirect_dma source(%dma_start3A_120 : memref<10000x128xf32, #tpu.memory_space<hbm>>) target(%arg8 : memref<80x128xf32, #tpu.memory_space<vmem>>) offsets(%dma_start3A_117 : memref<80xi32, #tpu.memory_space<vmem>>) semaphore(%arg14 : memref<!tpu.dma_semaphore, #tpu.memory_space<semaphore_mem>>)
      %add3A_121 = arith.constant 3 : i32
      %add3A_122 = arith.addi %mul3A_83, %add3A_121 : i32
      %dma_start3A_123 = arith.constant 0 : i32
      %dma_start3A_124 = tpu.memref_slice %arg4[%add3A, %add3A_122, %dma_start3A_123] : memref<32x125x80xi32, #tpu.memory_space<hbm>> -> memref<1x1x80xi32, #tpu.memory_space<hbm>>
      %dma_start3A_125 = tpu.memref_squeeze %dma_start3A_124 : memref<1x1x80xi32, #tpu.memory_space<hbm>> -> memref<1x80xi32, #tpu.memory_space<hbm>>
      %dma_start3A_126 = arith.constant 0 : i32
      %dma_start3A_127 = tpu.memref_slice %arg4[%add3A, %add3A_122, %dma_start3A_126] : memref<32x125x80xi32, #tpu.memory_space<hbm>> -> memref<1x1x80xi32, #tpu.memory_space<hbm>>
      %dma_start3A_128 = tpu.memref_squeeze %dma_start3A_127 : memref<1x1x80xi32, #tpu.memory_space<hbm>> -> memref<1x80xi32, #tpu.memory_space<hbm>>
      tpu.enqueue_dma source(%dma_start3A_128 : memref<1x80xi32, #tpu.memory_space<hbm>>) target(%arg11 : memref<1x80xi32, #tpu.memory_space<vmem>>) target_semaphore(%arg17 : memref<!tpu.dma_semaphore, #tpu.memory_space<semaphore_mem>>)
      %add3A_129 = arith.constant 1 : i32
      %add3A_130 = arith.addi %mul3A_83, %add3A_129 : i32
      %dma_wait3A_131 = arith.constant 0 : i32
      %dma_wait3A_132 = tpu.memref_slice %arg7[%add3A_130, %dma_wait3A_131] : memref<125x80xi32, #tpu.memory_space<vmem>> -> memref<1x80xi32, #tpu.memory_space<vmem>>
      %dma_wait3A_133 = tpu.memref_squeeze %dma_wait3A_132 : memref<1x80xi32, #tpu.memory_space<vmem>> -> memref<80xi32, #tpu.memory_space<vmem>>
      %dma_wait3A_134 = arith.constant 0 : i32
      %dma_wait3A_135 = arith.constant 0 : i32
      %dma_wait3A_136 = tpu.memref_slice %arg2[%dma_wait3A_134, %dma_wait3A_135] : memref<10000x128xf32, #tpu.memory_space<hbm>> -> memref<10000x128xf32, #tpu.memory_space<hbm>>
      tpu.wait_indirect_dma semaphore(%arg15 : memref<!tpu.dma_semaphore, #tpu.memory_space<semaphore_mem>>) src(%dma_wait3A_136 : memref<10000x128xf32, #tpu.memory_space<hbm>>) dst(%arg9 : memref<80x128xf32, #tpu.memory_space<vmem>>)
      %add3A_137 = arith.constant 1 : i32
      %add3A_138 = arith.addi %mul3A_83, %add3A_137 : i32
      %dma_wait3A_139 = arith.constant 0 : i32
      %dma_wait3A_140 = tpu.memref_slice %arg4[%add3A, %add3A_138, %dma_wait3A_139] : memref<32x125x80xi32, #tpu.memory_space<hbm>> -> memref<1x1x80xi32, #tpu.memory_space<hbm>>
      %dma_wait3A_141 = tpu.memref_squeeze %dma_wait3A_140 : memref<1x1x80xi32, #tpu.memory_space<hbm>> -> memref<1x80xi32, #tpu.memory_space<hbm>>
      %dma_wait3A_142 = arith.constant 0 : i32
      %dma_wait3A_143 = tpu.memref_slice %arg4[%add3A, %add3A_138, %dma_wait3A_142] : memref<32x125x80xi32, #tpu.memory_space<hbm>> -> memref<1x1x80xi32, #tpu.memory_space<hbm>>
      %dma_wait3A_144 = tpu.memref_squeeze %dma_wait3A_143 : memref<1x1x80xi32, #tpu.memory_space<hbm>> -> memref<1x80xi32, #tpu.memory_space<hbm>>
      tpu.wait_dma2 semaphore(%arg18 : memref<!tpu.dma_semaphore, #tpu.memory_space<semaphore_mem>>) src(%dma_wait3A_144 : memref<1x80xi32, #tpu.memory_space<hbm>>) dst(%arg12 : memref<1x80xi32, #tpu.memory_space<vmem>>)
      %run_scoped3A_145 = arith.constant 0 : i32
      "tpu.region"() ({
        %run_scoped3A_179 = tpu.sem_alloc : memref<!tpu.dma_semaphore, #tpu.memory_space<semaphore_mem>>
        %dma_start3A_180 = arith.constant 0 : i32
        %dma_start3A_181 = tpu.memref_slice %arg12[%run_scoped3A_145, %dma_start3A_180] : memref<1x80xi32, #tpu.memory_space<vmem>> -> memref<1x80xi32, #tpu.memory_space<vmem>>
        %dma_start3A_182 = tpu.memref_squeeze %dma_start3A_181 : memref<1x80xi32, #tpu.memory_space<vmem>> -> memref<80xi32, #tpu.memory_space<vmem>>
        %dma_start3A_183 = arith.constant 0 : i32
        %dma_start3A_184 = arith.constant 0 : i32
        %dma_start3A_185 = tpu.memref_slice %arg20[%dma_start3A_183, %dma_start3A_184] : memref<10000x128xf32, #tpu.memory_space<vmem_shared>> -> memref<10000x128xf32, #tpu.memory_space<vmem_shared>>
        tpu.enqueue_indirect_dma source(%arg9 : memref<80x128xf32, #tpu.memory_space<vmem>>) target(%dma_start3A_185 : memref<10000x128xf32, #tpu.memory_space<vmem_shared>>) offsets(%dma_start3A_182 : memref<80xi32, #tpu.memory_space<vmem>>) semaphore(%run_scoped3A_179 : memref<!tpu.dma_semaphore, #tpu.memory_space<semaphore_mem>>) {add = true}
        %dma_wait3A_186 = arith.constant 0 : i32
        %dma_wait3A_187 = tpu.memref_slice %arg12[%run_scoped3A_145, %dma_wait3A_186] : memref<1x80xi32, #tpu.memory_space<vmem>> -> memref<1x80xi32, #tpu.memory_space<vmem>>
        %dma_wait3A_188 = tpu.memref_squeeze %dma_wait3A_187 : memref<1x80xi32, #tpu.memory_space<vmem>> -> memref<80xi32, #tpu.memory_space<vmem>>
        %dma_wait3A_189 = arith.constant 0 : i32
        %dma_wait3A_190 = arith.constant 0 : i32
        %dma_wait3A_191 = tpu.memref_slice %arg20[%dma_wait3A_189, %dma_wait3A_190] : memref<10000x128xf32, #tpu.memory_space<vmem_shared>> -> memref<10000x128xf32, #tpu.memory_space<vmem_shared>>
        tpu.wait_indirect_dma semaphore(%run_scoped3A_179 : memref<!tpu.dma_semaphore, #tpu.memory_space<semaphore_mem>>) src(%arg9 : memref<80x128xf32, #tpu.memory_space<vmem>>) dst(%dma_wait3A_191 : memref<10000x128xf32, #tpu.memory_space<vmem_shared>>)
        tpu.yield
      }) : () -> ()
      %add3A_146 = arith.constant 4 : i32
      %add3A_147 = arith.addi %mul3A_83, %add3A_146 : i32
      %dma_start3A_148 = arith.constant 0 : i32
      %dma_start3A_149 = tpu.memref_slice %arg7[%add3A_147, %dma_start3A_148] : memref<125x80xi32, #tpu.memory_space<vmem>> -> memref<1x80xi32, #tpu.memory_space<vmem>>
      %dma_start3A_150 = tpu.memref_squeeze %dma_start3A_149 : memref<1x80xi32, #tpu.memory_space<vmem>> -> memref<80xi32, #tpu.memory_space<vmem>>
      %dma_start3A_151 = arith.constant 0 : i32
      %dma_start3A_152 = arith.constant 0 : i32
      %dma_start3A_153 = tpu.memref_slice %arg2[%dma_start3A_151, %dma_start3A_152] : memref<10000x128xf32, #tpu.memory_space<hbm>> -> memref<10000x128xf32, #tpu.memory_space<hbm>>
      tpu.enqueue_indirect_dma source(%dma_start3A_153 : memref<10000x128xf32, #tpu.memory_space<hbm>>) target(%arg9 : memref<80x128xf32, #tpu.memory_space<vmem>>) offsets(%dma_start3A_150 : memref<80xi32, #tpu.memory_space<vmem>>) semaphore(%arg15 : memref<!tpu.dma_semaphore, #tpu.memory_space<semaphore_mem>>)
      %add3A_154 = arith.constant 4 : i32
      %add3A_155 = arith.addi %mul3A_83, %add3A_154 : i32
      %dma_start3A_156 = arith.constant 0 : i32
      %dma_start3A_157 = tpu.memref_slice %arg4[%add3A, %add3A_155, %dma_start3A_156] : memref<32x125x80xi32, #tpu.memory_space<hbm>> -> memref<1x1x80xi32, #tpu.memory_space<hbm>>
      %dma_start3A_158 = tpu.memref_squeeze %dma_start3A_157 : memref<1x1x80xi32, #tpu.memory_space<hbm>> -> memref<1x80xi32, #tpu.memory_space<hbm>>
      %dma_start3A_159 = arith.constant 0 : i32
      %dma_start3A_160 = tpu.memref_slice %arg4[%add3A, %add3A_155, %dma_start3A_159] : memref<32x125x80xi32, #tpu.memory_space<hbm>> -> memref<1x1x80xi32, #tpu.memory_space<hbm>>
      %dma_start3A_161 = tpu.memref_squeeze %dma_start3A_160 : memref<1x1x80xi32, #tpu.memory_space<hbm>> -> memref<1x80xi32, #tpu.memory_space<hbm>>
      tpu.enqueue_dma source(%dma_start3A_161 : memref<1x80xi32, #tpu.memory_space<hbm>>) target(%arg12 : memref<1x80xi32, #tpu.memory_space<vmem>>) target_semaphore(%arg18 : memref<!tpu.dma_semaphore, #tpu.memory_space<semaphore_mem>>)
      %add3A_162 = arith.constant 2 : i32
      %add3A_163 = arith.addi %mul3A_83, %add3A_162 : i32
      %dma_wait3A_164 = arith.constant 0 : i32
      %dma_wait3A_165 = tpu.memref_slice %arg7[%add3A_163, %dma_wait3A_164] : memref<125x80xi32, #tpu.memory_space<vmem>> -> memref<1x80xi32, #tpu.memory_space<vmem>>
      %dma_wait3A_166 = tpu.memref_squeeze %dma_wait3A_165 : memref<1x80xi32, #tpu.memory_space<vmem>> -> memref<80xi32, #tpu.memory_space<vmem>>
      %dma_wait3A_167 = arith.constant 0 : i32
      %dma_wait3A_168 = arith.constant 0 : i32
      %dma_wait3A_169 = tpu.memref_slice %arg2[%dma_wait3A_167, %dma_wait3A_168] : memref<10000x128xf32, #tpu.memory_space<hbm>> -> memref<10000x128xf32, #tpu.memory_space<hbm>>
      tpu.wait_indirect_dma semaphore(%arg16 : memref<!tpu.dma_semaphore, #tpu.memory_space<semaphore_mem>>) src(%dma_wait3A_169 : memref<10000x128xf32, #tpu.memory_space<hbm>>) dst(%arg10 : memref<80x128xf32, #tpu.memory_space<vmem>>)
      %add3A_170 = arith.constant 2 : i32
      %add3A_171 = arith.addi %mul3A_83, %add3A_170 : i32
      %dma_wait3A_172 = arith.constant 0 : i32
      %dma_wait3A_173 = tpu.memref_slice %arg4[%add3A, %add3A_171, %dma_wait3A_172] : memref<32x125x80xi32, #tpu.memory_space<hbm>> -> memref<1x1x80xi32, #tpu.memory_space<hbm>>
      %dma_wait3A_174 = tpu.memref_squeeze %dma_wait3A_173 : memref<1x1x80xi32, #tpu.memory_space<hbm>> -> memref<1x80xi32, #tpu.memory_space<hbm>>
      %dma_wait3A_175 = arith.constant 0 : i32
      %dma_wait3A_176 = tpu.memref_slice %arg4[%add3A, %add3A_171, %dma_wait3A_175] : memref<32x125x80xi32, #tpu.memory_space<hbm>> -> memref<1x1x80xi32, #tpu.memory_space<hbm>>
      %dma_wait3A_177 = tpu.memref_squeeze %dma_wait3A_176 : memref<1x1x80xi32, #tpu.memory_space<hbm>> -> memref<1x80xi32, #tpu.memory_space<hbm>>
      tpu.wait_dma2 semaphore(%arg19 : memref<!tpu.dma_semaphore, #tpu.memory_space<semaphore_mem>>) src(%dma_wait3A_177 : memref<1x80xi32, #tpu.memory_space<hbm>>) dst(%arg13 : memref<1x80xi32, #tpu.memory_space<vmem>>)
      %run_scoped3A_178 = arith.constant 0 : i32
      "tpu.region"() ({
        %run_scoped3A_179 = tpu.sem_alloc : memref<!tpu.dma_semaphore, #tpu.memory_space<semaphore_mem>>
        %dma_start3A_180 = arith.constant 0 : i32
        %dma_start3A_181 = tpu.memref_slice %arg13[%run_scoped3A_178, %dma_start3A_180] : memref<1x80xi32, #tpu.memory_space<vmem>> -> memref<1x80xi32, #tpu.memory_space<vmem>>
        %dma_start3A_182 = tpu.memref_squeeze %dma_start3A_181 : memref<1x80xi32, #tpu.memory_space<vmem>> -> memref<80xi32, #tpu.memory_space<vmem>>
        %dma_start3A_183 = arith.constant 0 : i32
        %dma_start3A_184 = arith.constant 0 : i32
        %dma_start3A_185 = tpu.memref_slice %arg20[%dma_start3A_183, %dma_start3A_184] : memref<10000x128xf32, #tpu.memory_space<vmem_shared>> -> memref<10000x128xf32, #tpu.memory_space<vmem_shared>>
        tpu.enqueue_indirect_dma source(%arg10 : memref<80x128xf32, #tpu.memory_space<vmem>>) target(%dma_start3A_185 : memref<10000x128xf32, #tpu.memory_space<vmem_shared>>) offsets(%dma_start3A_182 : memref<80xi32, #tpu.memory_space<vmem>>) semaphore(%run_scoped3A_179 : memref<!tpu.dma_semaphore, #tpu.memory_space<semaphore_mem>>) {add = true}
        %dma_wait3A_186 = arith.constant 0 : i32
        %dma_wait3A_187 = tpu.memref_slice %arg13[%run_scoped3A_178, %dma_wait3A_186] : memref<1x80xi32, #tpu.memory_space<vmem>> -> memref<1x80xi32, #tpu.memory_space<vmem>>
        %dma_wait3A_188 = tpu.memref_squeeze %dma_wait3A_187 : memref<1x80xi32, #tpu.memory_space<vmem>> -> memref<80xi32, #tpu.memory_space<vmem>>
        %dma_wait3A_189 = arith.constant 0 : i32
        %dma_wait3A_190 = arith.constant 0 : i32
        %dma_wait3A_191 = tpu.memref_slice %arg20[%dma_wait3A_189, %dma_wait3A_190] : memref<10000x128xf32, #tpu.memory_space<vmem_shared>> -> memref<10000x128xf32, #tpu.memory_space<vmem_shared>>
        tpu.wait_indirect_dma semaphore(%run_scoped3A_179 : memref<!tpu.dma_semaphore, #tpu.memory_space<semaphore_mem>>) src(%arg10 : memref<80x128xf32, #tpu.memory_space<vmem>>) dst(%dma_wait3A_191 : memref<10000x128xf32, #tpu.memory_space<vmem_shared>>)
        tpu.yield
      }) : () -> ()
    }
    %scan3A_38 = arith.constant 41 : i32
    %dma_wait3A = arith.constant 123 : i32
    %dma_wait3A_39 = arith.constant 0 : i32
    %dma_wait3A_40 = tpu.memref_slice %arg7[%dma_wait3A, %dma_wait3A_39] : memref<125x80xi32, #tpu.memory_space<vmem>> -> memref<1x80xi32, #tpu.memory_space<vmem>>
    %dma_wait3A_41 = tpu.memref_squeeze %dma_wait3A_40 : memref<1x80xi32, #tpu.memory_space<vmem>> -> memref<80xi32, #tpu.memory_space<vmem>>
    %dma_wait3A_42 = arith.constant 0 : i32
    %dma_wait3A_43 = arith.constant 0 : i32
    %dma_wait3A_44 = tpu.memref_slice %arg2[%dma_wait3A_42, %dma_wait3A_43] : memref<10000x128xf32, #tpu.memory_space<hbm>> -> memref<10000x128xf32, #tpu.memory_space<hbm>>
    tpu.wait_indirect_dma semaphore(%arg14 : memref<!tpu.dma_semaphore, #tpu.memory_space<semaphore_mem>>) src(%dma_wait3A_44 : memref<10000x128xf32, #tpu.memory_space<hbm>>) dst(%arg8 : memref<80x128xf32, #tpu.memory_space<vmem>>)
    %dma_wait3A_45 = arith.constant 123 : i32
    %dma_wait3A_46 = arith.constant 0 : i32
    %dma_wait3A_47 = tpu.memref_slice %arg4[%add3A, %dma_wait3A_45, %dma_wait3A_46] : memref<32x125x80xi32, #tpu.memory_space<hbm>> -> memref<1x1x80xi32, #tpu.memory_space<hbm>>
    %dma_wait3A_48 = tpu.memref_squeeze %dma_wait3A_47 : memref<1x1x80xi32, #tpu.memory_space<hbm>> -> memref<1x80xi32, #tpu.memory_space<hbm>>
    %dma_wait3A_49 = arith.constant 123 : i32
    %dma_wait3A_50 = arith.constant 0 : i32
    %dma_wait3A_51 = tpu.memref_slice %arg4[%add3A, %dma_wait3A_49, %dma_wait3A_50] : memref<32x125x80xi32, #tpu.memory_space<hbm>> -> memref<1x1x80xi32, #tpu.memory_space<hbm>>
    %dma_wait3A_52 = tpu.memref_squeeze %dma_wait3A_51 : memref<1x1x80xi32, #tpu.memory_space<hbm>> -> memref<1x80xi32, #tpu.memory_space<hbm>>
    tpu.wait_dma2 semaphore(%arg17 : memref<!tpu.dma_semaphore, #tpu.memory_space<semaphore_mem>>) src(%dma_wait3A_52 : memref<1x80xi32, #tpu.memory_space<hbm>>) dst(%arg11 : memref<1x80xi32, #tpu.memory_space<vmem>>)
    %run_scoped3A = arith.constant 0 : i32
    "tpu.region"() ({
      %run_scoped3A_81 = tpu.sem_alloc : memref<!tpu.dma_semaphore, #tpu.memory_space<semaphore_mem>>
      %dma_start3A_82 = arith.constant 0 : i32
      %dma_start3A_83 = tpu.memref_slice %arg11[%run_scoped3A, %dma_start3A_82] : memref<1x80xi32, #tpu.memory_space<vmem>> -> memref<1x80xi32, #tpu.memory_space<vmem>>
      %dma_start3A_84 = tpu.memref_squeeze %dma_start3A_83 : memref<1x80xi32, #tpu.memory_space<vmem>> -> memref<80xi32, #tpu.memory_space<vmem>>
      %dma_start3A_85 = arith.constant 0 : i32
      %dma_start3A_86 = arith.constant 0 : i32
      %dma_start3A_87 = tpu.memref_slice %arg20[%dma_start3A_85, %dma_start3A_86] : memref<10000x128xf32, #tpu.memory_space<vmem_shared>> -> memref<10000x128xf32, #tpu.memory_space<vmem_shared>>
      tpu.enqueue_indirect_dma source(%arg8 : memref<80x128xf32, #tpu.memory_space<vmem>>) target(%dma_start3A_87 : memref<10000x128xf32, #tpu.memory_space<vmem_shared>>) offsets(%dma_start3A_84 : memref<80xi32, #tpu.memory_space<vmem>>) semaphore(%run_scoped3A_81 : memref<!tpu.dma_semaphore, #tpu.memory_space<semaphore_mem>>) {add = true}
      %dma_wait3A_88 = arith.constant 0 : i32
      %dma_wait3A_89 = tpu.memref_slice %arg11[%run_scoped3A, %dma_wait3A_88] : memref<1x80xi32, #tpu.memory_space<vmem>> -> memref<1x80xi32, #tpu.memory_space<vmem>>
      %dma_wait3A_90 = tpu.memref_squeeze %dma_wait3A_89 : memref<1x80xi32, #tpu.memory_space<vmem>> -> memref<80xi32, #tpu.memory_space<vmem>>
      %dma_wait3A_91 = arith.constant 0 : i32
      %dma_wait3A_92 = arith.constant 0 : i32
      %dma_wait3A_93 = tpu.memref_slice %arg20[%dma_wait3A_91, %dma_wait3A_92] : memref<10000x128xf32, #tpu.memory_space<vmem_shared>> -> memref<10000x128xf32, #tpu.memory_space<vmem_shared>>
      tpu.wait_indirect_dma semaphore(%run_scoped3A_81 : memref<!tpu.dma_semaphore, #tpu.memory_space<semaphore_mem>>) src(%arg8 : memref<80x128xf32, #tpu.memory_space<vmem>>) dst(%dma_wait3A_93 : memref<10000x128xf32, #tpu.memory_space<vmem_shared>>)
      tpu.yield
    }) : () -> ()
    %dma_wait3A_53 = arith.constant 124 : i32
    %dma_wait3A_54 = arith.constant 0 : i32
    %dma_wait3A_55 = tpu.memref_slice %arg7[%dma_wait3A_53, %dma_wait3A_54] : memref<125x80xi32, #tpu.memory_space<vmem>> -> memref<1x80xi32, #tpu.memory_space<vmem>>
    %dma_wait3A_56 = tpu.memref_squeeze %dma_wait3A_55 : memref<1x80xi32, #tpu.memory_space<vmem>> -> memref<80xi32, #tpu.memory_space<vmem>>
    %dma_wait3A_57 = arith.constant 0 : i32
    %dma_wait3A_58 = arith.constant 0 : i32
    %dma_wait3A_59 = tpu.memref_slice %arg2[%dma_wait3A_57, %dma_wait3A_58] : memref<10000x128xf32, #tpu.memory_space<hbm>> -> memref<10000x128xf32, #tpu.memory_space<hbm>>
    tpu.wait_indirect_dma semaphore(%arg15 : memref<!tpu.dma_semaphore, #tpu.memory_space<semaphore_mem>>) src(%dma_wait3A_59 : memref<10000x128xf32, #tpu.memory_space<hbm>>) dst(%arg9 : memref<80x128xf32, #tpu.memory_space<vmem>>)
    %dma_wait3A_60 = arith.constant 124 : i32
    %dma_wait3A_61 = arith.constant 0 : i32
    %dma_wait3A_62 = tpu.memref_slice %arg4[%add3A, %dma_wait3A_60, %dma_wait3A_61] : memref<32x125x80xi32, #tpu.memory_space<hbm>> -> memref<1x1x80xi32, #tpu.memory_space<hbm>>
    %dma_wait3A_63 = tpu.memref_squeeze %dma_wait3A_62 : memref<1x1x80xi32, #tpu.memory_space<hbm>> -> memref<1x80xi32, #tpu.memory_space<hbm>>
    %dma_wait3A_64 = arith.constant 124 : i32
    %dma_wait3A_65 = arith.constant 0 : i32
    %dma_wait3A_66 = tpu.memref_slice %arg4[%add3A, %dma_wait3A_64, %dma_wait3A_65] : memref<32x125x80xi32, #tpu.memory_space<hbm>> -> memref<1x1x80xi32, #tpu.memory_space<hbm>>
    %dma_wait3A_67 = tpu.memref_squeeze %dma_wait3A_66 : memref<1x1x80xi32, #tpu.memory_space<hbm>> -> memref<1x80xi32, #tpu.memory_space<hbm>>
    tpu.wait_dma2 semaphore(%arg18 : memref<!tpu.dma_semaphore, #tpu.memory_space<semaphore_mem>>) src(%dma_wait3A_67 : memref<1x80xi32, #tpu.memory_space<hbm>>) dst(%arg12 : memref<1x80xi32, #tpu.memory_space<vmem>>)
    %run_scoped3A_68 = arith.constant 0 : i32
    "tpu.region"() ({
      %run_scoped3A_81 = tpu.sem_alloc : memref<!tpu.dma_semaphore, #tpu.memory_space<semaphore_mem>>
      %dma_start3A_82 = arith.constant 0 : i32
      %dma_start3A_83 = tpu.memref_slice %arg12[%run_scoped3A_68, %dma_start3A_82] : memref<1x80xi32, #tpu.memory_space<vmem>> -> memref<1x80xi32, #tpu.memory_space<vmem>>
      %dma_start3A_84 = tpu.memref_squeeze %dma_start3A_83 : memref<1x80xi32, #tpu.memory_space<vmem>> -> memref<80xi32, #tpu.memory_space<vmem>>
      %dma_start3A_85 = arith.constant 0 : i32
      %dma_start3A_86 = arith.constant 0 : i32
      %dma_start3A_87 = tpu.memref_slice %arg20[%dma_start3A_85, %dma_start3A_86] : memref<10000x128xf32, #tpu.memory_space<vmem_shared>> -> memref<10000x128xf32, #tpu.memory_space<vmem_shared>>
      tpu.enqueue_indirect_dma source(%arg9 : memref<80x128xf32, #tpu.memory_space<vmem>>) target(%dma_start3A_87 : memref<10000x128xf32, #tpu.memory_space<vmem_shared>>) offsets(%dma_start3A_84 : memref<80xi32, #tpu.memory_space<vmem>>) semaphore(%run_scoped3A_81 : memref<!tpu.dma_semaphore, #tpu.memory_space<semaphore_mem>>) {add = true}
      %dma_wait3A_88 = arith.constant 0 : i32
      %dma_wait3A_89 = tpu.memref_slice %arg12[%run_scoped3A_68, %dma_wait3A_88] : memref<1x80xi32, #tpu.memory_space<vmem>> -> memref<1x80xi32, #tpu.memory_space<vmem>>
      %dma_wait3A_90 = tpu.memref_squeeze %dma_wait3A_89 : memref<1x80xi32, #tpu.memory_space<vmem>> -> memref<80xi32, #tpu.memory_space<vmem>>
      %dma_wait3A_91 = arith.constant 0 : i32
      %dma_wait3A_92 = arith.constant 0 : i32
      %dma_wait3A_93 = tpu.memref_slice %arg20[%dma_wait3A_91, %dma_wait3A_92] : memref<10000x128xf32, #tpu.memory_space<vmem_shared>> -> memref<10000x128xf32, #tpu.memory_space<vmem_shared>>
      tpu.wait_indirect_dma semaphore(%run_scoped3A_81 : memref<!tpu.dma_semaphore, #tpu.memory_space<semaphore_mem>>) src(%arg9 : memref<80x128xf32, #tpu.memory_space<vmem>>) dst(%dma_wait3A_93 : memref<10000x128xf32, #tpu.memory_space<vmem_shared>>)
      tpu.yield
    }) : () -> ()
    %barrier3A_69 = arith.constant 0 : index
    tpu.barrier barrier_id(%barrier3A_69)
    %mul3A_70 = arith.constant 10000 : i32
    %mul3A_71 = arith.muli %arg0, %mul3A_70 : i32
    %mul3A_72 = arith.constant 624 : i32
    %mul3A_73 = arith.muli %arg1, %mul3A_72 : i32
    %add3A_74 = arith.addi %mul3A_71, %mul3A_73 : i32
    %multiple_of3A_75 = tpu.assume_multiple %add3A_74, 8 : i32
    "tpu.region"() ({
      %run_scoped3A_81 = tpu.sem_alloc : memref<!tpu.dma_semaphore, #tpu.memory_space<semaphore_mem>>
      %dma_start3A_82 = arith.constant 0 : i32
      %dma_start3A_83 = tpu.memref_slice %arg6[%multiple_of3A_75, %dma_start3A_82] : memref<20000x128xf32, #tpu.memory_space<hbm>> -> memref<624x128xf32, #tpu.memory_space<hbm>>
      %dma_start3A_84 = arith.constant 0 : i32
      %dma_start3A_85 = tpu.memref_slice %arg20[%multiple_of3A, %dma_start3A_84] : memref<10000x128xf32, #tpu.memory_space<vmem_shared>> -> memref<624x128xf32, #tpu.memory_space<vmem_shared>>
      tpu.enqueue_dma source(%dma_start3A_85 : memref<624x128xf32, #tpu.memory_space<vmem_shared>>) target(%dma_start3A_83 : memref<624x128xf32, #tpu.memory_space<hbm>>) target_semaphore(%run_scoped3A_81 : memref<!tpu.dma_semaphore, #tpu.memory_space<semaphore_mem>>)
      %dma_wait3A_86 = arith.constant 0 : i32
      %dma_wait3A_87 = tpu.memref_slice %arg6[%multiple_of3A_75, %dma_wait3A_86] : memref<20000x128xf32, #tpu.memory_space<hbm>> -> memref<624x128xf32, #tpu.memory_space<hbm>>
      %dma_wait3A_88 = arith.constant 0 : i32
      %dma_wait3A_89 = tpu.memref_slice %arg20[%multiple_of3A, %dma_wait3A_88] : memref<10000x128xf32, #tpu.memory_space<vmem_shared>> -> memref<624x128xf32, #tpu.memory_space<vmem_shared>>
      tpu.wait_dma2 semaphore(%run_scoped3A_81 : memref<!tpu.dma_semaphore, #tpu.memory_space<semaphore_mem>>) src(%dma_wait3A_89 : memref<624x128xf32, #tpu.memory_space<vmem_shared>>) dst(%dma_wait3A_87 : memref<624x128xf32, #tpu.memory_space<hbm>>)
      tpu.yield
    }) : () -> ()
    %eq3A_76 = arith.constant 15 : i32
    %eq3A_77 = arith.cmpi eq, %arg1, %eq3A_76 : i32
    %convert_element_type3A_78 = arith.extui %eq3A_77 : i1 to i32
    %cond3A_79 = arith.constant 0 : i32
    %cond3A_80 = arith.cmpi ne, %convert_element_type3A_78, %cond3A_79 : i32
    scf.if %cond3A_80 {
      %mul3A_81 = arith.constant 10000 : i32
      %mul3A_82 = arith.muli %arg0, %mul3A_81 : i32
      %add3A_83 = arith.constant 9984 : i32
      %add3A_84 = arith.addi %mul3A_82, %add3A_83 : i32
      %multiple_of3A_85 = tpu.assume_multiple %add3A_84, 8 : i32
      "tpu.region"() ({
        %run_scoped3A_86 = tpu.sem_alloc : memref<!tpu.dma_semaphore, #tpu.memory_space<semaphore_mem>>
        %dma_start3A_87 = arith.constant 0 : i32
        %dma_start3A_88 = tpu.memref_slice %arg6[%multiple_of3A_85, %dma_start3A_87] : memref<20000x128xf32, #tpu.memory_space<hbm>> -> memref<16x128xf32, #tpu.memory_space<hbm>>
        %dma_start3A_89 = arith.constant 9984 : i32
        %dma_start3A_90 = arith.constant 0 : i32
        %dma_start3A_91 = tpu.memref_slice %arg20[%dma_start3A_89, %dma_start3A_90] : memref<10000x128xf32, #tpu.memory_space<vmem_shared>> -> memref<16x128xf32, #tpu.memory_space<vmem_shared>>
        tpu.enqueue_dma source(%dma_start3A_91 : memref<16x128xf32, #tpu.memory_space<vmem_shared>>) target(%dma_start3A_88 : memref<16x128xf32, #tpu.memory_space<hbm>>) target_semaphore(%run_scoped3A_86 : memref<!tpu.dma_semaphore, #tpu.memory_space<semaphore_mem>>)
        %dma_wait3A_92 = arith.constant 0 : i32
        %dma_wait3A_93 = tpu.memref_slice %arg6[%multiple_of3A_85, %dma_wait3A_92] : memref<20000x128xf32, #tpu.memory_space<hbm>> -> memref<16x128xf32, #tpu.memory_space<hbm>>
        %dma_wait3A_94 = arith.constant 9984 : i32
        %dma_wait3A_95 = arith.constant 0 : i32
        %dma_wait3A_96 = tpu.memref_slice %arg20[%dma_wait3A_94, %dma_wait3A_95] : memref<10000x128xf32, #tpu.memory_space<vmem_shared>> -> memref<16x128xf32, #tpu.memory_space<vmem_shared>>
        tpu.wait_dma2 semaphore(%run_scoped3A_86 : memref<!tpu.dma_semaphore, #tpu.memory_space<semaphore_mem>>) src(%dma_wait3A_96 : memref<16x128xf32, #tpu.memory_space<vmem_shared>>) dst(%dma_wait3A_93 : memref<16x128xf32, #tpu.memory_space<hbm>>)
        tpu.yield
      }) : () -> ()
    } else {
    }
    return
  }
}

#map = affine_map<(d0, d1) -> (0, 0)>
#map1 = affine_map<(d0, d1) -> (0, 0, 0)>
module attributes {stable_mosaic.version = 14 : i64} {
  func.func @_seg_sum_body(%arg0: i32, %arg1: i32, %arg2: memref<10000x128xf32, #tpu.memory_space<hbm>>, %arg3: memref<32x125x80xi32, #tpu.memory_space<hbm>>, %arg4: memref<32x125x80xi32, #tpu.memory_space<hbm>>, %arg5: memref<624x128xf32, #tpu.memory_space<hbm>>, %arg6: memref<20000x128xf32, #tpu.memory_space<hbm>>, %arg7: memref<125x80xi32, #tpu.memory_space<vmem>>, %arg8: memref<80x128xf32, #tpu.memory_space<vmem>>, %arg9: memref<80x128xf32, #tpu.memory_space<vmem>>, %arg10: memref<80x128xf32, #tpu.memory_space<vmem>>, %arg11: memref<1x80xi32, #tpu.memory_space<vmem>>, %arg12: memref<1x80xi32, #tpu.memory_space<vmem>>, %arg13: memref<1x80xi32, #tpu.memory_space<vmem>>, %arg14: memref<!tpu.dma_semaphore, #tpu.memory_space<semaphore_mem>>, %arg15: memref<!tpu.dma_semaphore, #tpu.memory_space<semaphore_mem>>, %arg16: memref<!tpu.dma_semaphore, #tpu.memory_space<semaphore_mem>>, %arg17: memref<!tpu.dma_semaphore, #tpu.memory_space<semaphore_mem>>, %arg18: memref<!tpu.dma_semaphore, #tpu.memory_space<semaphore_mem>>, %arg19: memref<!tpu.dma_semaphore, #tpu.memory_space<semaphore_mem>>, %arg20: memref<10000x128xf32, #tpu.memory_space<vmem_shared>>) attributes {dimension_semantics = [#tpu.dimension_semantics<core_parallel>, #tpu.dimension_semantics<subcore_parallel>], iteration_bounds = array<i64: 2, 16>, scalar_prefetch = 0 : i64, scratch_operands = 14 : i64, tpu.core_type = #tpu.core_type<sc_vector_subcore>, window_params = [{transform_indices = #map}, {transform_indices = #map1}, {transform_indices = #map1}, {transform_indices = #map}, {transform_indices = #map}]} {
    %mul3A = arith.constant 16 : i32
    %mul3A_0 = arith.muli %arg0, %mul3A : i32
    %add3A = arith.addi %mul3A_0, %arg1 : i32
    %mul3A_1 = arith.constant 624 : i32
    %mul3A_2 = arith.muli %arg1, %mul3A_1 : i32
    %multiple_of3A = tpu.assume_multiple %mul3A_2, 8 : i32
    "tpu.region"() ({
      %run_scoped3A_81 = tpu.sem_alloc : memref<!tpu.dma_semaphore, #tpu.memory_space<semaphore_mem>>
      %dma_start3A_82 = arith.constant 0 : i32
      %dma_start3A_83 = tpu.memref_slice %arg20[%multiple_of3A, %dma_start3A_82] : memref<10000x128xf32, #tpu.memory_space<vmem_shared>> -> memref<624x128xf32, #tpu.memory_space<vmem_shared>>
      tpu.enqueue_dma source(%arg5 : memref<624x128xf32, #tpu.memory_space<hbm>>) target(%dma_start3A_83 : memref<624x128xf32, #tpu.memory_space<vmem_shared>>) target_semaphore(%run_scoped3A_81 : memref<!tpu.dma_semaphore, #tpu.memory_space<semaphore_mem>>)
      %dma_wait3A_84 = arith.constant 0 : i32
      %dma_wait3A_85 = tpu.memref_slice %arg20[%multiple_of3A, %dma_wait3A_84] : memref<10000x128xf32, #tpu.memory_space<vmem_shared>> -> memref<624x128xf32, #tpu.memory_space<vmem_shared>>
      tpu.wait_dma2 semaphore(%run_scoped3A_81 : memref<!tpu.dma_semaphore, #tpu.memory_space<semaphore_mem>>) src(%arg5 : memref<624x128xf32, #tpu.memory_space<hbm>>) dst(%dma_wait3A_85 : memref<624x128xf32, #tpu.memory_space<vmem_shared>>)
      tpu.yield
    }) : () -> ()
    %eq3A = arith.constant 15 : i32
    %eq3A_3 = arith.cmpi eq, %arg1, %eq3A : i32
    %convert_element_type3A = arith.extui %eq3A_3 : i1 to i32
    %cond3A = arith.constant 0 : i32
    %cond3A_4 = arith.cmpi ne, %convert_element_type3A, %cond3A : i32
    scf.if %cond3A_4 {
      "tpu.region"() ({
        %run_scoped3A_81 = tpu.sem_alloc : memref<!tpu.dma_semaphore, #tpu.memory_space<semaphore_mem>>
        %dma_start3A_82 = arith.constant 9984 : i32
        %dma_start3A_83 = arith.constant 0 : i32
        %dma_start3A_84 = tpu.memref_slice %arg20[%dma_start3A_82, %dma_start3A_83] : memref<10000x128xf32, #tpu.memory_space<vmem_shared>> -> memref<16x128xf32, #tpu.memory_space<vmem_shared>>
        %dma_start3A_85 = arith.constant 0 : i32
        %dma_start3A_86 = arith.constant 0 : i32
        %dma_start3A_87 = tpu.memref_slice %arg5[%dma_start3A_85, %dma_start3A_86] : memref<624x128xf32, #tpu.memory_space<hbm>> -> memref<16x128xf32, #tpu.memory_space<hbm>>
        tpu.enqueue_dma source(%dma_start3A_87 : memref<16x128xf32, #tpu.memory_space<hbm>>) target(%dma_start3A_84 : memref<16x128xf32, #tpu.memory_space<vmem_shared>>) target_semaphore(%run_scoped3A_81 : memref<!tpu.dma_semaphore, #tpu.memory_space<semaphore_mem>>)
        %dma_wait3A_88 = arith.constant 9984 : i32
        %dma_wait3A_89 = arith.constant 0 : i32
        %dma_wait3A_90 = tpu.memref_slice %arg20[%dma_wait3A_88, %dma_wait3A_89] : memref<10000x128xf32, #tpu.memory_space<vmem_shared>> -> memref<16x128xf32, #tpu.memory_space<vmem_shared>>
        %dma_wait3A_91 = arith.constant 0 : i32
        %dma_wait3A_92 = arith.constant 0 : i32
        %dma_wait3A_93 = tpu.memref_slice %arg5[%dma_wait3A_91, %dma_wait3A_92] : memref<624x128xf32, #tpu.memory_space<hbm>> -> memref<16x128xf32, #tpu.memory_space<hbm>>
        tpu.wait_dma2 semaphore(%run_scoped3A_81 : memref<!tpu.dma_semaphore, #tpu.memory_space<semaphore_mem>>) src(%dma_wait3A_93 : memref<16x128xf32, #tpu.memory_space<hbm>>) dst(%dma_wait3A_90 : memref<16x128xf32, #tpu.memory_space<vmem_shared>>)
        tpu.yield
      }) : () -> ()
    } else {
    }
    "tpu.region"() ({
      %run_scoped3A_81 = tpu.sem_alloc : memref<!tpu.dma_semaphore, #tpu.memory_space<semaphore_mem>>
      %dma_start3A_82 = arith.constant 0 : i32
      %dma_start3A_83 = arith.constant 0 : i32
      %dma_start3A_84 = tpu.memref_slice %arg3[%add3A, %dma_start3A_82, %dma_start3A_83] : memref<32x125x80xi32, #tpu.memory_space<hbm>> -> memref<1x125x80xi32, #tpu.memory_space<hbm>>
      %dma_start3A_85 = tpu.memref_squeeze %dma_start3A_84 : memref<1x125x80xi32, #tpu.memory_space<hbm>> -> memref<125x80xi32, #tpu.memory_space<hbm>>
      %dma_start3A_86 = arith.constant 0 : i32
      %dma_start3A_87 = arith.constant 0 : i32
      %dma_start3A_88 = tpu.memref_slice %arg3[%add3A, %dma_start3A_86, %dma_start3A_87] : memref<32x125x80xi32, #tpu.memory_space<hbm>> -> memref<1x125x80xi32, #tpu.memory_space<hbm>>
      %dma_start3A_89 = tpu.memref_squeeze %dma_start3A_88 : memref<1x125x80xi32, #tpu.memory_space<hbm>> -> memref<125x80xi32, #tpu.memory_space<hbm>>
      tpu.enqueue_dma source(%dma_start3A_89 : memref<125x80xi32, #tpu.memory_space<hbm>>) target(%arg7 : memref<125x80xi32, #tpu.memory_space<vmem>>) target_semaphore(%run_scoped3A_81 : memref<!tpu.dma_semaphore, #tpu.memory_space<semaphore_mem>>)
      %dma_wait3A_90 = arith.constant 0 : i32
      %dma_wait3A_91 = arith.constant 0 : i32
      %dma_wait3A_92 = tpu.memref_slice %arg3[%add3A, %dma_wait3A_90, %dma_wait3A_91] : memref<32x125x80xi32, #tpu.memory_space<hbm>> -> memref<1x125x80xi32, #tpu.memory_space<hbm>>
      %dma_wait3A_93 = tpu.memref_squeeze %dma_wait3A_92 : memref<1x125x80xi32, #tpu.memory_space<hbm>> -> memref<125x80xi32, #tpu.memory_space<hbm>>
      %dma_wait3A_94 = arith.constant 0 : i32
      %dma_wait3A_95 = arith.constant 0 : i32
      %dma_wait3A_96 = tpu.memref_slice %arg3[%add3A, %dma_wait3A_94, %dma_wait3A_95] : memref<32x125x80xi32, #tpu.memory_space<hbm>> -> memref<1x125x80xi32, #tpu.memory_space<hbm>>
      %dma_wait3A_97 = tpu.memref_squeeze %dma_wait3A_96 : memref<1x125x80xi32, #tpu.memory_space<hbm>> -> memref<125x80xi32, #tpu.memory_space<hbm>>
      tpu.wait_dma2 semaphore(%run_scoped3A_81 : memref<!tpu.dma_semaphore, #tpu.memory_space<semaphore_mem>>) src(%dma_wait3A_97 : memref<125x80xi32, #tpu.memory_space<hbm>>) dst(%arg7 : memref<125x80xi32, #tpu.memory_space<vmem>>)
      tpu.yield
    }) : () -> ()
    %barrier3A = arith.constant 0 : index
    tpu.barrier barrier_id(%barrier3A)
    %dma_start3A = arith.constant 0 : i32
    %dma_start3A_5 = arith.constant 0 : i32
    %dma_start3A_6 = tpu.memref_slice %arg7[%dma_start3A, %dma_start3A_5] : memref<125x80xi32, #tpu.memory_space<vmem>> -> memref<1x80xi32, #tpu.memory_space<vmem>>
    %dma_start3A_7 = tpu.memref_squeeze %dma_start3A_6 : memref<1x80xi32, #tpu.memory_space<vmem>> -> memref<80xi32, #tpu.memory_space<vmem>>
    %dma_start3A_8 = arith.constant 0 : i32
    %dma_start3A_9 = arith.constant 0 : i32
    %dma_start3A_10 = tpu.memref_slice %arg2[%dma_start3A_8, %dma_start3A_9] : memref<10000x128xf32, #tpu.memory_space<hbm>> -> memref<10000x128xf32, #tpu.memory_space<hbm>>
    tpu.enqueue_indirect_dma source(%dma_start3A_10 : memref<10000x128xf32, #tpu.memory_space<hbm>>) target(%arg8 : memref<80x128xf32, #tpu.memory_space<vmem>>) offsets(%dma_start3A_7 : memref<80xi32, #tpu.memory_space<vmem>>) semaphore(%arg14 : memref<!tpu.dma_semaphore, #tpu.memory_space<semaphore_mem>>)
    %dma_start3A_11 = arith.constant 0 : i32
    %dma_start3A_12 = arith.constant 0 : i32
    %dma_start3A_13 = tpu.memref_slice %arg4[%add3A, %dma_start3A_11, %dma_start3A_12] : memref<32x125x80xi32, #tpu.memory_space<hbm>> -> memref<1x1x80xi32, #tpu.memory_space<hbm>>
    %dma_start3A_14 = tpu.memref_squeeze %dma_start3A_13 : memref<1x1x80xi32, #tpu.memory_space<hbm>> -> memref<1x80xi32, #tpu.memory_space<hbm>>
    %dma_start3A_15 = arith.constant 0 : i32
    %dma_start3A_16 = arith.constant 0 : i32
    %dma_start3A_17 = tpu.memref_slice %arg4[%add3A, %dma_start3A_15, %dma_start3A_16] : memref<32x125x80xi32, #tpu.memory_space<hbm>> -> memref<1x1x80xi32, #tpu.memory_space<hbm>>
    %dma_start3A_18 = tpu.memref_squeeze %dma_start3A_17 : memref<1x1x80xi32, #tpu.memory_space<hbm>> -> memref<1x80xi32, #tpu.memory_space<hbm>>
    tpu.enqueue_dma source(%dma_start3A_18 : memref<1x80xi32, #tpu.memory_space<hbm>>) target(%arg11 : memref<1x80xi32, #tpu.memory_space<vmem>>) target_semaphore(%arg17 : memref<!tpu.dma_semaphore, #tpu.memory_space<semaphore_mem>>)
    %dma_start3A_19 = arith.constant 1 : i32
    %dma_start3A_20 = arith.constant 0 : i32
    %dma_start3A_21 = tpu.memref_slice %arg7[%dma_start3A_19, %dma_start3A_20] : memref<125x80xi32, #tpu.memory_space<vmem>> -> memref<1x80xi32, #tpu.memory_space<vmem>>
    %dma_start3A_22 = tpu.memref_squeeze %dma_start3A_21 : memref<1x80xi32, #tpu.memory_space<vmem>> -> memref<80xi32, #tpu.memory_space<vmem>>
    %dma_start3A_23 = arith.constant 0 : i32
    %dma_start3A_24 = arith.constant 0 : i32
    %dma_start3A_25 = tpu.memref_slice %arg2[%dma_start3A_23, %dma_start3A_24] : memref<10000x128xf32, #tpu.memory_space<hbm>> -> memref<10000x128xf32, #tpu.memory_space<hbm>>
    tpu.enqueue_indirect_dma source(%dma_start3A_25 : memref<10000x128xf32, #tpu.memory_space<hbm>>) target(%arg9 : memref<80x128xf32, #tpu.memory_space<vmem>>) offsets(%dma_start3A_22 : memref<80xi32, #tpu.memory_space<vmem>>) semaphore(%arg15 : memref<!tpu.dma_semaphore, #tpu.memory_space<semaphore_mem>>)
    %dma_start3A_26 = arith.constant 1 : i32
    %dma_start3A_27 = arith.constant 0 : i32
    %dma_start3A_28 = tpu.memref_slice %arg4[%add3A, %dma_start3A_26, %dma_start3A_27] : memref<32x125x80xi32, #tpu.memory_space<hbm>> -> memref<1x1x80xi32, #tpu.memory_space<hbm>>
    %dma_start3A_29 = tpu.memref_squeeze %dma_start3A_28 : memref<1x1x80xi32, #tpu.memory_space<hbm>> -> memref<1x80xi32, #tpu.memory_space<hbm>>
    %dma_start3A_30 = arith.constant 1 : i32
    %dma_start3A_31 = arith.constant 0 : i32
    %dma_start3A_32 = tpu.memref_slice %arg4[%add3A, %dma_start3A_30, %dma_start3A_31] : memref<32x125x80xi32, #tpu.memory_space<hbm>> -> memref<1x1x80xi32, #tpu.memory_space<hbm>>
    %dma_start3A_33 = tpu.memref_squeeze %dma_start3A_32 : memref<1x1x80xi32, #tpu.memory_space<hbm>> -> memref<1x80xi32, #tpu.memory_space<hbm>>
    tpu.enqueue_dma source(%dma_start3A_33 : memref<1x80xi32, #tpu.memory_space<hbm>>) target(%arg12 : memref<1x80xi32, #tpu.memory_space<vmem>>) target_semaphore(%arg18 : memref<!tpu.dma_semaphore, #tpu.memory_space<semaphore_mem>>)
    %scan3A = arith.constant 0 : i32
    %scan3A_34 = arith.constant 0 : i32
    %scan3A_35 = arith.constant 41 : i32
    %scan3A_36 = arith.addi %scan3A_34, %scan3A_35 : i32
    %scan3A_37 = arith.constant 1 : i32
    scf.for %scan3A_81 = %scan3A_34 to %scan3A_36 step %scan3A_37  : i32 {
      %mul3A_82 = arith.constant 3 : i32
      %mul3A_83 = arith.muli %scan3A_81, %mul3A_82 : i32
      %add3A_84 = arith.constant 2 : i32
      %add3A_85 = arith.addi %mul3A_83, %add3A_84 : i32
      %dma_start3A_86 = arith.constant 0 : i32
      %dma_start3A_87 = tpu.memref_slice %arg7[%add3A_85, %dma_start3A_86] : memref<125x80xi32, #tpu.memory_space<vmem>> -> memref<1x80xi32, #tpu.memory_space<vmem>>
      %dma_start3A_88 = tpu.memref_squeeze %dma_start3A_87 : memref<1x80xi32, #tpu.memory_space<vmem>> -> memref<80xi32, #tpu.memory_space<vmem>>
      %dma_start3A_89 = arith.constant 0 : i32
      %dma_start3A_90 = arith.constant 0 : i32
      %dma_start3A_91 = tpu.memref_slice %arg2[%dma_start3A_89, %dma_start3A_90] : memref<10000x128xf32, #tpu.memory_space<hbm>> -> memref<10000x128xf32, #tpu.memory_space<hbm>>
      tpu.enqueue_indirect_dma source(%dma_start3A_91 : memref<10000x128xf32, #tpu.memory_space<hbm>>) target(%arg10 : memref<80x128xf32, #tpu.memory_space<vmem>>) offsets(%dma_start3A_88 : memref<80xi32, #tpu.memory_space<vmem>>) semaphore(%arg16 : memref<!tpu.dma_semaphore, #tpu.memory_space<semaphore_mem>>)
      %add3A_92 = arith.constant 2 : i32
      %add3A_93 = arith.addi %mul3A_83, %add3A_92 : i32
      %dma_start3A_94 = arith.constant 0 : i32
      %dma_start3A_95 = tpu.memref_slice %arg4[%add3A, %add3A_93, %dma_start3A_94] : memref<32x125x80xi32, #tpu.memory_space<hbm>> -> memref<1x1x80xi32, #tpu.memory_space<hbm>>
      %dma_start3A_96 = tpu.memref_squeeze %dma_start3A_95 : memref<1x1x80xi32, #tpu.memory_space<hbm>> -> memref<1x80xi32, #tpu.memory_space<hbm>>
      %dma_start3A_97 = arith.constant 0 : i32
      %dma_start3A_98 = tpu.memref_slice %arg4[%add3A, %add3A_93, %dma_start3A_97] : memref<32x125x80xi32, #tpu.memory_space<hbm>> -> memref<1x1x80xi32, #tpu.memory_space<hbm>>
      %dma_start3A_99 = tpu.memref_squeeze %dma_start3A_98 : memref<1x1x80xi32, #tpu.memory_space<hbm>> -> memref<1x80xi32, #tpu.memory_space<hbm>>
      tpu.enqueue_dma source(%dma_start3A_99 : memref<1x80xi32, #tpu.memory_space<hbm>>) target(%arg13 : memref<1x80xi32, #tpu.memory_space<vmem>>) target_semaphore(%arg19 : memref<!tpu.dma_semaphore, #tpu.memory_space<semaphore_mem>>)
      %dma_wait3A_100 = arith.constant 0 : i32
      %dma_wait3A_101 = tpu.memref_slice %arg7[%mul3A_83, %dma_wait3A_100] : memref<125x80xi32, #tpu.memory_space<vmem>> -> memref<1x80xi32, #tpu.memory_space<vmem>>
      %dma_wait3A_102 = tpu.memref_squeeze %dma_wait3A_101 : memref<1x80xi32, #tpu.memory_space<vmem>> -> memref<80xi32, #tpu.memory_space<vmem>>
      %dma_wait3A_103 = arith.constant 0 : i32
      %dma_wait3A_104 = arith.constant 0 : i32
      %dma_wait3A_105 = tpu.memref_slice %arg2[%dma_wait3A_103, %dma_wait3A_104] : memref<10000x128xf32, #tpu.memory_space<hbm>> -> memref<10000x128xf32, #tpu.memory_space<hbm>>
      tpu.wait_indirect_dma semaphore(%arg14 : memref<!tpu.dma_semaphore, #tpu.memory_space<semaphore_mem>>) src(%dma_wait3A_105 : memref<10000x128xf32, #tpu.memory_space<hbm>>) dst(%arg8 : memref<80x128xf32, #tpu.memory_space<vmem>>)
      %dma_wait3A_106 = arith.constant 0 : i32
      %dma_wait3A_107 = tpu.memref_slice %arg4[%add3A, %mul3A_83, %dma_wait3A_106] : memref<32x125x80xi32, #tpu.memory_space<hbm>> -> memref<1x1x80xi32, #tpu.memory_space<hbm>>
      %dma_wait3A_108 = tpu.memref_squeeze %dma_wait3A_107 : memref<1x1x80xi32, #tpu.memory_space<hbm>> -> memref<1x80xi32, #tpu.memory_space<hbm>>
      %dma_wait3A_109 = arith.constant 0 : i32
      %dma_wait3A_110 = tpu.memref_slice %arg4[%add3A, %mul3A_83, %dma_wait3A_109] : memref<32x125x80xi32, #tpu.memory_space<hbm>> -> memref<1x1x80xi32, #tpu.memory_space<hbm>>
      %dma_wait3A_111 = tpu.memref_squeeze %dma_wait3A_110 : memref<1x1x80xi32, #tpu.memory_space<hbm>> -> memref<1x80xi32, #tpu.memory_space<hbm>>
      tpu.wait_dma2 semaphore(%arg17 : memref<!tpu.dma_semaphore, #tpu.memory_space<semaphore_mem>>) src(%dma_wait3A_111 : memref<1x80xi32, #tpu.memory_space<hbm>>) dst(%arg11 : memref<1x80xi32, #tpu.memory_space<vmem>>)
      %run_scoped3A_112 = arith.constant 0 : i32
      "tpu.region"() ({
        %run_scoped3A_179 = tpu.sem_alloc : memref<!tpu.dma_semaphore, #tpu.memory_space<semaphore_mem>>
        %dma_start3A_180 = arith.constant 0 : i32
        %dma_start3A_181 = tpu.memref_slice %arg11[%run_scoped3A_112, %dma_start3A_180] : memref<1x80xi32, #tpu.memory_space<vmem>> -> memref<1x80xi32, #tpu.memory_space<vmem>>
        %dma_start3A_182 = tpu.memref_squeeze %dma_start3A_181 : memref<1x80xi32, #tpu.memory_space<vmem>> -> memref<80xi32, #tpu.memory_space<vmem>>
        %dma_start3A_183 = arith.constant 0 : i32
        %dma_start3A_184 = arith.constant 0 : i32
        %dma_start3A_185 = tpu.memref_slice %arg20[%dma_start3A_183, %dma_start3A_184] : memref<10000x128xf32, #tpu.memory_space<vmem_shared>> -> memref<10000x128xf32, #tpu.memory_space<vmem_shared>>
        tpu.enqueue_indirect_dma source(%arg8 : memref<80x128xf32, #tpu.memory_space<vmem>>) target(%dma_start3A_185 : memref<10000x128xf32, #tpu.memory_space<vmem_shared>>) offsets(%dma_start3A_182 : memref<80xi32, #tpu.memory_space<vmem>>) semaphore(%run_scoped3A_179 : memref<!tpu.dma_semaphore, #tpu.memory_space<semaphore_mem>>) {add = true}
        %dma_wait3A_186 = arith.constant 0 : i32
        %dma_wait3A_187 = tpu.memref_slice %arg11[%run_scoped3A_112, %dma_wait3A_186] : memref<1x80xi32, #tpu.memory_space<vmem>> -> memref<1x80xi32, #tpu.memory_space<vmem>>
        %dma_wait3A_188 = tpu.memref_squeeze %dma_wait3A_187 : memref<1x80xi32, #tpu.memory_space<vmem>> -> memref<80xi32, #tpu.memory_space<vmem>>
        %dma_wait3A_189 = arith.constant 0 : i32
        %dma_wait3A_190 = arith.constant 0 : i32
        %dma_wait3A_191 = tpu.memref_slice %arg20[%dma_wait3A_189, %dma_wait3A_190] : memref<10000x128xf32, #tpu.memory_space<vmem_shared>> -> memref<10000x128xf32, #tpu.memory_space<vmem_shared>>
        tpu.wait_indirect_dma semaphore(%run_scoped3A_179 : memref<!tpu.dma_semaphore, #tpu.memory_space<semaphore_mem>>) src(%arg8 : memref<80x128xf32, #tpu.memory_space<vmem>>) dst(%dma_wait3A_191 : memref<10000x128xf32, #tpu.memory_space<vmem_shared>>)
        tpu.yield
      }) : () -> ()
      %add3A_113 = arith.constant 3 : i32
      %add3A_114 = arith.addi %mul3A_83, %add3A_113 : i32
      %dma_start3A_115 = arith.constant 0 : i32
      %dma_start3A_116 = tpu.memref_slice %arg7[%add3A_114, %dma_start3A_115] : memref<125x80xi32, #tpu.memory_space<vmem>> -> memref<1x80xi32, #tpu.memory_space<vmem>>
      %dma_start3A_117 = tpu.memref_squeeze %dma_start3A_116 : memref<1x80xi32, #tpu.memory_space<vmem>> -> memref<80xi32, #tpu.memory_space<vmem>>
      %dma_start3A_118 = arith.constant 0 : i32
      %dma_start3A_119 = arith.constant 0 : i32
      %dma_start3A_120 = tpu.memref_slice %arg2[%dma_start3A_118, %dma_start3A_119] : memref<10000x128xf32, #tpu.memory_space<hbm>> -> memref<10000x128xf32, #tpu.memory_space<hbm>>
      tpu.enqueue_indirect_dma source(%dma_start3A_120 : memref<10000x128xf32, #tpu.memory_space<hbm>>) target(%arg8 : memref<80x128xf32, #tpu.memory_space<vmem>>) offsets(%dma_start3A_117 : memref<80xi32, #tpu.memory_space<vmem>>) semaphore(%arg14 : memref<!tpu.dma_semaphore, #tpu.memory_space<semaphore_mem>>)
      %add3A_121 = arith.constant 3 : i32
      %add3A_122 = arith.addi %mul3A_83, %add3A_121 : i32
      %dma_start3A_123 = arith.constant 0 : i32
      %dma_start3A_124 = tpu.memref_slice %arg4[%add3A, %add3A_122, %dma_start3A_123] : memref<32x125x80xi32, #tpu.memory_space<hbm>> -> memref<1x1x80xi32, #tpu.memory_space<hbm>>
      %dma_start3A_125 = tpu.memref_squeeze %dma_start3A_124 : memref<1x1x80xi32, #tpu.memory_space<hbm>> -> memref<1x80xi32, #tpu.memory_space<hbm>>
      %dma_start3A_126 = arith.constant 0 : i32
      %dma_start3A_127 = tpu.memref_slice %arg4[%add3A, %add3A_122, %dma_start3A_126] : memref<32x125x80xi32, #tpu.memory_space<hbm>> -> memref<1x1x80xi32, #tpu.memory_space<hbm>>
      %dma_start3A_128 = tpu.memref_squeeze %dma_start3A_127 : memref<1x1x80xi32, #tpu.memory_space<hbm>> -> memref<1x80xi32, #tpu.memory_space<hbm>>
      tpu.enqueue_dma source(%dma_start3A_128 : memref<1x80xi32, #tpu.memory_space<hbm>>) target(%arg11 : memref<1x80xi32, #tpu.memory_space<vmem>>) target_semaphore(%arg17 : memref<!tpu.dma_semaphore, #tpu.memory_space<semaphore_mem>>)
      %add3A_129 = arith.constant 1 : i32
      %add3A_130 = arith.addi %mul3A_83, %add3A_129 : i32
      %dma_wait3A_131 = arith.constant 0 : i32
      %dma_wait3A_132 = tpu.memref_slice %arg7[%add3A_130, %dma_wait3A_131] : memref<125x80xi32, #tpu.memory_space<vmem>> -> memref<1x80xi32, #tpu.memory_space<vmem>>
      %dma_wait3A_133 = tpu.memref_squeeze %dma_wait3A_132 : memref<1x80xi32, #tpu.memory_space<vmem>> -> memref<80xi32, #tpu.memory_space<vmem>>
      %dma_wait3A_134 = arith.constant 0 : i32
      %dma_wait3A_135 = arith.constant 0 : i32
      %dma_wait3A_136 = tpu.memref_slice %arg2[%dma_wait3A_134, %dma_wait3A_135] : memref<10000x128xf32, #tpu.memory_space<hbm>> -> memref<10000x128xf32, #tpu.memory_space<hbm>>
      tpu.wait_indirect_dma semaphore(%arg15 : memref<!tpu.dma_semaphore, #tpu.memory_space<semaphore_mem>>) src(%dma_wait3A_136 : memref<10000x128xf32, #tpu.memory_space<hbm>>) dst(%arg9 : memref<80x128xf32, #tpu.memory_space<vmem>>)
      %add3A_137 = arith.constant 1 : i32
      %add3A_138 = arith.addi %mul3A_83, %add3A_137 : i32
      %dma_wait3A_139 = arith.constant 0 : i32
      %dma_wait3A_140 = tpu.memref_slice %arg4[%add3A, %add3A_138, %dma_wait3A_139] : memref<32x125x80xi32, #tpu.memory_space<hbm>> -> memref<1x1x80xi32, #tpu.memory_space<hbm>>
      %dma_wait3A_141 = tpu.memref_squeeze %dma_wait3A_140 : memref<1x1x80xi32, #tpu.memory_space<hbm>> -> memref<1x80xi32, #tpu.memory_space<hbm>>
      %dma_wait3A_142 = arith.constant 0 : i32
      %dma_wait3A_143 = tpu.memref_slice %arg4[%add3A, %add3A_138, %dma_wait3A_142] : memref<32x125x80xi32, #tpu.memory_space<hbm>> -> memref<1x1x80xi32, #tpu.memory_space<hbm>>
      %dma_wait3A_144 = tpu.memref_squeeze %dma_wait3A_143 : memref<1x1x80xi32, #tpu.memory_space<hbm>> -> memref<1x80xi32, #tpu.memory_space<hbm>>
      tpu.wait_dma2 semaphore(%arg18 : memref<!tpu.dma_semaphore, #tpu.memory_space<semaphore_mem>>) src(%dma_wait3A_144 : memref<1x80xi32, #tpu.memory_space<hbm>>) dst(%arg12 : memref<1x80xi32, #tpu.memory_space<vmem>>)
      %run_scoped3A_145 = arith.constant 0 : i32
      "tpu.region"() ({
        %run_scoped3A_179 = tpu.sem_alloc : memref<!tpu.dma_semaphore, #tpu.memory_space<semaphore_mem>>
        %dma_start3A_180 = arith.constant 0 : i32
        %dma_start3A_181 = tpu.memref_slice %arg12[%run_scoped3A_145, %dma_start3A_180] : memref<1x80xi32, #tpu.memory_space<vmem>> -> memref<1x80xi32, #tpu.memory_space<vmem>>
        %dma_start3A_182 = tpu.memref_squeeze %dma_start3A_181 : memref<1x80xi32, #tpu.memory_space<vmem>> -> memref<80xi32, #tpu.memory_space<vmem>>
        %dma_start3A_183 = arith.constant 0 : i32
        %dma_start3A_184 = arith.constant 0 : i32
        %dma_start3A_185 = tpu.memref_slice %arg20[%dma_start3A_183, %dma_start3A_184] : memref<10000x128xf32, #tpu.memory_space<vmem_shared>> -> memref<10000x128xf32, #tpu.memory_space<vmem_shared>>
        tpu.enqueue_indirect_dma source(%arg9 : memref<80x128xf32, #tpu.memory_space<vmem>>) target(%dma_start3A_185 : memref<10000x128xf32, #tpu.memory_space<vmem_shared>>) offsets(%dma_start3A_182 : memref<80xi32, #tpu.memory_space<vmem>>) semaphore(%run_scoped3A_179 : memref<!tpu.dma_semaphore, #tpu.memory_space<semaphore_mem>>) {add = true}
        %dma_wait3A_186 = arith.constant 0 : i32
        %dma_wait3A_187 = tpu.memref_slice %arg12[%run_scoped3A_145, %dma_wait3A_186] : memref<1x80xi32, #tpu.memory_space<vmem>> -> memref<1x80xi32, #tpu.memory_space<vmem>>
        %dma_wait3A_188 = tpu.memref_squeeze %dma_wait3A_187 : memref<1x80xi32, #tpu.memory_space<vmem>> -> memref<80xi32, #tpu.memory_space<vmem>>
        %dma_wait3A_189 = arith.constant 0 : i32
        %dma_wait3A_190 = arith.constant 0 : i32
        %dma_wait3A_191 = tpu.memref_slice %arg20[%dma_wait3A_189, %dma_wait3A_190] : memref<10000x128xf32, #tpu.memory_space<vmem_shared>> -> memref<10000x128xf32, #tpu.memory_space<vmem_shared>>
        tpu.wait_indirect_dma semaphore(%run_scoped3A_179 : memref<!tpu.dma_semaphore, #tpu.memory_space<semaphore_mem>>) src(%arg9 : memref<80x128xf32, #tpu.memory_space<vmem>>) dst(%dma_wait3A_191 : memref<10000x128xf32, #tpu.memory_space<vmem_shared>>)
        tpu.yield
      }) : () -> ()
      %add3A_146 = arith.constant 4 : i32
      %add3A_147 = arith.addi %mul3A_83, %add3A_146 : i32
      %dma_start3A_148 = arith.constant 0 : i32
      %dma_start3A_149 = tpu.memref_slice %arg7[%add3A_147, %dma_start3A_148] : memref<125x80xi32, #tpu.memory_space<vmem>> -> memref<1x80xi32, #tpu.memory_space<vmem>>
      %dma_start3A_150 = tpu.memref_squeeze %dma_start3A_149 : memref<1x80xi32, #tpu.memory_space<vmem>> -> memref<80xi32, #tpu.memory_space<vmem>>
      %dma_start3A_151 = arith.constant 0 : i32
      %dma_start3A_152 = arith.constant 0 : i32
      %dma_start3A_153 = tpu.memref_slice %arg2[%dma_start3A_151, %dma_start3A_152] : memref<10000x128xf32, #tpu.memory_space<hbm>> -> memref<10000x128xf32, #tpu.memory_space<hbm>>
      tpu.enqueue_indirect_dma source(%dma_start3A_153 : memref<10000x128xf32, #tpu.memory_space<hbm>>) target(%arg9 : memref<80x128xf32, #tpu.memory_space<vmem>>) offsets(%dma_start3A_150 : memref<80xi32, #tpu.memory_space<vmem>>) semaphore(%arg15 : memref<!tpu.dma_semaphore, #tpu.memory_space<semaphore_mem>>)
      %add3A_154 = arith.constant 4 : i32
      %add3A_155 = arith.addi %mul3A_83, %add3A_154 : i32
      %dma_start3A_156 = arith.constant 0 : i32
      %dma_start3A_157 = tpu.memref_slice %arg4[%add3A, %add3A_155, %dma_start3A_156] : memref<32x125x80xi32, #tpu.memory_space<hbm>> -> memref<1x1x80xi32, #tpu.memory_space<hbm>>
      %dma_start3A_158 = tpu.memref_squeeze %dma_start3A_157 : memref<1x1x80xi32, #tpu.memory_space<hbm>> -> memref<1x80xi32, #tpu.memory_space<hbm>>
      %dma_start3A_159 = arith.constant 0 : i32
      %dma_start3A_160 = tpu.memref_slice %arg4[%add3A, %add3A_155, %dma_start3A_159] : memref<32x125x80xi32, #tpu.memory_space<hbm>> -> memref<1x1x80xi32, #tpu.memory_space<hbm>>
      %dma_start3A_161 = tpu.memref_squeeze %dma_start3A_160 : memref<1x1x80xi32, #tpu.memory_space<hbm>> -> memref<1x80xi32, #tpu.memory_space<hbm>>
      tpu.enqueue_dma source(%dma_start3A_161 : memref<1x80xi32, #tpu.memory_space<hbm>>) target(%arg12 : memref<1x80xi32, #tpu.memory_space<vmem>>) target_semaphore(%arg18 : memref<!tpu.dma_semaphore, #tpu.memory_space<semaphore_mem>>)
      %add3A_162 = arith.constant 2 : i32
      %add3A_163 = arith.addi %mul3A_83, %add3A_162 : i32
      %dma_wait3A_164 = arith.constant 0 : i32
      %dma_wait3A_165 = tpu.memref_slice %arg7[%add3A_163, %dma_wait3A_164] : memref<125x80xi32, #tpu.memory_space<vmem>> -> memref<1x80xi32, #tpu.memory_space<vmem>>
      %dma_wait3A_166 = tpu.memref_squeeze %dma_wait3A_165 : memref<1x80xi32, #tpu.memory_space<vmem>> -> memref<80xi32, #tpu.memory_space<vmem>>
      %dma_wait3A_167 = arith.constant 0 : i32
      %dma_wait3A_168 = arith.constant 0 : i32
      %dma_wait3A_169 = tpu.memref_slice %arg2[%dma_wait3A_167, %dma_wait3A_168] : memref<10000x128xf32, #tpu.memory_space<hbm>> -> memref<10000x128xf32, #tpu.memory_space<hbm>>
      tpu.wait_indirect_dma semaphore(%arg16 : memref<!tpu.dma_semaphore, #tpu.memory_space<semaphore_mem>>) src(%dma_wait3A_169 : memref<10000x128xf32, #tpu.memory_space<hbm>>) dst(%arg10 : memref<80x128xf32, #tpu.memory_space<vmem>>)
      %add3A_170 = arith.constant 2 : i32
      %add3A_171 = arith.addi %mul3A_83, %add3A_170 : i32
      %dma_wait3A_172 = arith.constant 0 : i32
      %dma_wait3A_173 = tpu.memref_slice %arg4[%add3A, %add3A_171, %dma_wait3A_172] : memref<32x125x80xi32, #tpu.memory_space<hbm>> -> memref<1x1x80xi32, #tpu.memory_space<hbm>>
      %dma_wait3A_174 = tpu.memref_squeeze %dma_wait3A_173 : memref<1x1x80xi32, #tpu.memory_space<hbm>> -> memref<1x80xi32, #tpu.memory_space<hbm>>
      %dma_wait3A_175 = arith.constant 0 : i32
      %dma_wait3A_176 = tpu.memref_slice %arg4[%add3A, %add3A_171, %dma_wait3A_175] : memref<32x125x80xi32, #tpu.memory_space<hbm>> -> memref<1x1x80xi32, #tpu.memory_space<hbm>>
      %dma_wait3A_177 = tpu.memref_squeeze %dma_wait3A_176 : memref<1x1x80xi32, #tpu.memory_space<hbm>> -> memref<1x80xi32, #tpu.memory_space<hbm>>
      tpu.wait_dma2 semaphore(%arg19 : memref<!tpu.dma_semaphore, #tpu.memory_space<semaphore_mem>>) src(%dma_wait3A_177 : memref<1x80xi32, #tpu.memory_space<hbm>>) dst(%arg13 : memref<1x80xi32, #tpu.memory_space<vmem>>)
      %run_scoped3A_178 = arith.constant 0 : i32
      "tpu.region"() ({
        %run_scoped3A_179 = tpu.sem_alloc : memref<!tpu.dma_semaphore, #tpu.memory_space<semaphore_mem>>
        %dma_start3A_180 = arith.constant 0 : i32
        %dma_start3A_181 = tpu.memref_slice %arg13[%run_scoped3A_178, %dma_start3A_180] : memref<1x80xi32, #tpu.memory_space<vmem>> -> memref<1x80xi32, #tpu.memory_space<vmem>>
        %dma_start3A_182 = tpu.memref_squeeze %dma_start3A_181 : memref<1x80xi32, #tpu.memory_space<vmem>> -> memref<80xi32, #tpu.memory_space<vmem>>
        %dma_start3A_183 = arith.constant 0 : i32
        %dma_start3A_184 = arith.constant 0 : i32
        %dma_start3A_185 = tpu.memref_slice %arg20[%dma_start3A_183, %dma_start3A_184] : memref<10000x128xf32, #tpu.memory_space<vmem_shared>> -> memref<10000x128xf32, #tpu.memory_space<vmem_shared>>
        tpu.enqueue_indirect_dma source(%arg10 : memref<80x128xf32, #tpu.memory_space<vmem>>) target(%dma_start3A_185 : memref<10000x128xf32, #tpu.memory_space<vmem_shared>>) offsets(%dma_start3A_182 : memref<80xi32, #tpu.memory_space<vmem>>) semaphore(%run_scoped3A_179 : memref<!tpu.dma_semaphore, #tpu.memory_space<semaphore_mem>>) {add = true}
        %dma_wait3A_186 = arith.constant 0 : i32
        %dma_wait3A_187 = tpu.memref_slice %arg13[%run_scoped3A_178, %dma_wait3A_186] : memref<1x80xi32, #tpu.memory_space<vmem>> -> memref<1x80xi32, #tpu.memory_space<vmem>>
        %dma_wait3A_188 = tpu.memref_squeeze %dma_wait3A_187 : memref<1x80xi32, #tpu.memory_space<vmem>> -> memref<80xi32, #tpu.memory_space<vmem>>
        %dma_wait3A_189 = arith.constant 0 : i32
        %dma_wait3A_190 = arith.constant 0 : i32
        %dma_wait3A_191 = tpu.memref_slice %arg20[%dma_wait3A_189, %dma_wait3A_190] : memref<10000x128xf32, #tpu.memory_space<vmem_shared>> -> memref<10000x128xf32, #tpu.memory_space<vmem_shared>>
        tpu.wait_indirect_dma semaphore(%run_scoped3A_179 : memref<!tpu.dma_semaphore, #tpu.memory_space<semaphore_mem>>) src(%arg10 : memref<80x128xf32, #tpu.memory_space<vmem>>) dst(%dma_wait3A_191 : memref<10000x128xf32, #tpu.memory_space<vmem_shared>>)
        tpu.yield
      }) : () -> ()
    }
    %scan3A_38 = arith.constant 41 : i32
    %dma_wait3A = arith.constant 123 : i32
    %dma_wait3A_39 = arith.constant 0 : i32
    %dma_wait3A_40 = tpu.memref_slice %arg7[%dma_wait3A, %dma_wait3A_39] : memref<125x80xi32, #tpu.memory_space<vmem>> -> memref<1x80xi32, #tpu.memory_space<vmem>>
    %dma_wait3A_41 = tpu.memref_squeeze %dma_wait3A_40 : memref<1x80xi32, #tpu.memory_space<vmem>> -> memref<80xi32, #tpu.memory_space<vmem>>
    %dma_wait3A_42 = arith.constant 0 : i32
    %dma_wait3A_43 = arith.constant 0 : i32
    %dma_wait3A_44 = tpu.memref_slice %arg2[%dma_wait3A_42, %dma_wait3A_43] : memref<10000x128xf32, #tpu.memory_space<hbm>> -> memref<10000x128xf32, #tpu.memory_space<hbm>>
    tpu.wait_indirect_dma semaphore(%arg14 : memref<!tpu.dma_semaphore, #tpu.memory_space<semaphore_mem>>) src(%dma_wait3A_44 : memref<10000x128xf32, #tpu.memory_space<hbm>>) dst(%arg8 : memref<80x128xf32, #tpu.memory_space<vmem>>)
    %dma_wait3A_45 = arith.constant 123 : i32
    %dma_wait3A_46 = arith.constant 0 : i32
    %dma_wait3A_47 = tpu.memref_slice %arg4[%add3A, %dma_wait3A_45, %dma_wait3A_46] : memref<32x125x80xi32, #tpu.memory_space<hbm>> -> memref<1x1x80xi32, #tpu.memory_space<hbm>>
    %dma_wait3A_48 = tpu.memref_squeeze %dma_wait3A_47 : memref<1x1x80xi32, #tpu.memory_space<hbm>> -> memref<1x80xi32, #tpu.memory_space<hbm>>
    %dma_wait3A_49 = arith.constant 123 : i32
    %dma_wait3A_50 = arith.constant 0 : i32
    %dma_wait3A_51 = tpu.memref_slice %arg4[%add3A, %dma_wait3A_49, %dma_wait3A_50] : memref<32x125x80xi32, #tpu.memory_space<hbm>> -> memref<1x1x80xi32, #tpu.memory_space<hbm>>
    %dma_wait3A_52 = tpu.memref_squeeze %dma_wait3A_51 : memref<1x1x80xi32, #tpu.memory_space<hbm>> -> memref<1x80xi32, #tpu.memory_space<hbm>>
    tpu.wait_dma2 semaphore(%arg17 : memref<!tpu.dma_semaphore, #tpu.memory_space<semaphore_mem>>) src(%dma_wait3A_52 : memref<1x80xi32, #tpu.memory_space<hbm>>) dst(%arg11 : memref<1x80xi32, #tpu.memory_space<vmem>>)
    %run_scoped3A = arith.constant 0 : i32
    "tpu.region"() ({
      %run_scoped3A_81 = tpu.sem_alloc : memref<!tpu.dma_semaphore, #tpu.memory_space<semaphore_mem>>
      %dma_start3A_82 = arith.constant 0 : i32
      %dma_start3A_83 = tpu.memref_slice %arg11[%run_scoped3A, %dma_start3A_82] : memref<1x80xi32, #tpu.memory_space<vmem>> -> memref<1x80xi32, #tpu.memory_space<vmem>>
      %dma_start3A_84 = tpu.memref_squeeze %dma_start3A_83 : memref<1x80xi32, #tpu.memory_space<vmem>> -> memref<80xi32, #tpu.memory_space<vmem>>
      %dma_start3A_85 = arith.constant 0 : i32
      %dma_start3A_86 = arith.constant 0 : i32
      %dma_start3A_87 = tpu.memref_slice %arg20[%dma_start3A_85, %dma_start3A_86] : memref<10000x128xf32, #tpu.memory_space<vmem_shared>> -> memref<10000x128xf32, #tpu.memory_space<vmem_shared>>
      tpu.enqueue_indirect_dma source(%arg8 : memref<80x128xf32, #tpu.memory_space<vmem>>) target(%dma_start3A_87 : memref<10000x128xf32, #tpu.memory_space<vmem_shared>>) offsets(%dma_start3A_84 : memref<80xi32, #tpu.memory_space<vmem>>) semaphore(%run_scoped3A_81 : memref<!tpu.dma_semaphore, #tpu.memory_space<semaphore_mem>>) {add = true}
      %dma_wait3A_88 = arith.constant 0 : i32
      %dma_wait3A_89 = tpu.memref_slice %arg11[%run_scoped3A, %dma_wait3A_88] : memref<1x80xi32, #tpu.memory_space<vmem>> -> memref<1x80xi32, #tpu.memory_space<vmem>>
      %dma_wait3A_90 = tpu.memref_squeeze %dma_wait3A_89 : memref<1x80xi32, #tpu.memory_space<vmem>> -> memref<80xi32, #tpu.memory_space<vmem>>
      %dma_wait3A_91 = arith.constant 0 : i32
      %dma_wait3A_92 = arith.constant 0 : i32
      %dma_wait3A_93 = tpu.memref_slice %arg20[%dma_wait3A_91, %dma_wait3A_92] : memref<10000x128xf32, #tpu.memory_space<vmem_shared>> -> memref<10000x128xf32, #tpu.memory_space<vmem_shared>>
      tpu.wait_indirect_dma semaphore(%run_scoped3A_81 : memref<!tpu.dma_semaphore, #tpu.memory_space<semaphore_mem>>) src(%arg8 : memref<80x128xf32, #tpu.memory_space<vmem>>) dst(%dma_wait3A_93 : memref<10000x128xf32, #tpu.memory_space<vmem_shared>>)
      tpu.yield
    }) : () -> ()
    %dma_wait3A_53 = arith.constant 124 : i32
    %dma_wait3A_54 = arith.constant 0 : i32
    %dma_wait3A_55 = tpu.memref_slice %arg7[%dma_wait3A_53, %dma_wait3A_54] : memref<125x80xi32, #tpu.memory_space<vmem>> -> memref<1x80xi32, #tpu.memory_space<vmem>>
    %dma_wait3A_56 = tpu.memref_squeeze %dma_wait3A_55 : memref<1x80xi32, #tpu.memory_space<vmem>> -> memref<80xi32, #tpu.memory_space<vmem>>
    %dma_wait3A_57 = arith.constant 0 : i32
    %dma_wait3A_58 = arith.constant 0 : i32
    %dma_wait3A_59 = tpu.memref_slice %arg2[%dma_wait3A_57, %dma_wait3A_58] : memref<10000x128xf32, #tpu.memory_space<hbm>> -> memref<10000x128xf32, #tpu.memory_space<hbm>>
    tpu.wait_indirect_dma semaphore(%arg15 : memref<!tpu.dma_semaphore, #tpu.memory_space<semaphore_mem>>) src(%dma_wait3A_59 : memref<10000x128xf32, #tpu.memory_space<hbm>>) dst(%arg9 : memref<80x128xf32, #tpu.memory_space<vmem>>)
    %dma_wait3A_60 = arith.constant 124 : i32
    %dma_wait3A_61 = arith.constant 0 : i32
    %dma_wait3A_62 = tpu.memref_slice %arg4[%add3A, %dma_wait3A_60, %dma_wait3A_61] : memref<32x125x80xi32, #tpu.memory_space<hbm>> -> memref<1x1x80xi32, #tpu.memory_space<hbm>>
    %dma_wait3A_63 = tpu.memref_squeeze %dma_wait3A_62 : memref<1x1x80xi32, #tpu.memory_space<hbm>> -> memref<1x80xi32, #tpu.memory_space<hbm>>
    %dma_wait3A_64 = arith.constant 124 : i32
    %dma_wait3A_65 = arith.constant 0 : i32
    %dma_wait3A_66 = tpu.memref_slice %arg4[%add3A, %dma_wait3A_64, %dma_wait3A_65] : memref<32x125x80xi32, #tpu.memory_space<hbm>> -> memref<1x1x80xi32, #tpu.memory_space<hbm>>
    %dma_wait3A_67 = tpu.memref_squeeze %dma_wait3A_66 : memref<1x1x80xi32, #tpu.memory_space<hbm>> -> memref<1x80xi32, #tpu.memory_space<hbm>>
    tpu.wait_dma2 semaphore(%arg18 : memref<!tpu.dma_semaphore, #tpu.memory_space<semaphore_mem>>) src(%dma_wait3A_67 : memref<1x80xi32, #tpu.memory_space<hbm>>) dst(%arg12 : memref<1x80xi32, #tpu.memory_space<vmem>>)
    %run_scoped3A_68 = arith.constant 0 : i32
    "tpu.region"() ({
      %run_scoped3A_81 = tpu.sem_alloc : memref<!tpu.dma_semaphore, #tpu.memory_space<semaphore_mem>>
      %dma_start3A_82 = arith.constant 0 : i32
      %dma_start3A_83 = tpu.memref_slice %arg12[%run_scoped3A_68, %dma_start3A_82] : memref<1x80xi32, #tpu.memory_space<vmem>> -> memref<1x80xi32, #tpu.memory_space<vmem>>
      %dma_start3A_84 = tpu.memref_squeeze %dma_start3A_83 : memref<1x80xi32, #tpu.memory_space<vmem>> -> memref<80xi32, #tpu.memory_space<vmem>>
      %dma_start3A_85 = arith.constant 0 : i32
      %dma_start3A_86 = arith.constant 0 : i32
      %dma_start3A_87 = tpu.memref_slice %arg20[%dma_start3A_85, %dma_start3A_86] : memref<10000x128xf32, #tpu.memory_space<vmem_shared>> -> memref<10000x128xf32, #tpu.memory_space<vmem_shared>>
      tpu.enqueue_indirect_dma source(%arg9 : memref<80x128xf32, #tpu.memory_space<vmem>>) target(%dma_start3A_87 : memref<10000x128xf32, #tpu.memory_space<vmem_shared>>) offsets(%dma_start3A_84 : memref<80xi32, #tpu.memory_space<vmem>>) semaphore(%run_scoped3A_81 : memref<!tpu.dma_semaphore, #tpu.memory_space<semaphore_mem>>) {add = true}
      %dma_wait3A_88 = arith.constant 0 : i32
      %dma_wait3A_89 = tpu.memref_slice %arg12[%run_scoped3A_68, %dma_wait3A_88] : memref<1x80xi32, #tpu.memory_space<vmem>> -> memref<1x80xi32, #tpu.memory_space<vmem>>
      %dma_wait3A_90 = tpu.memref_squeeze %dma_wait3A_89 : memref<1x80xi32, #tpu.memory_space<vmem>> -> memref<80xi32, #tpu.memory_space<vmem>>
      %dma_wait3A_91 = arith.constant 0 : i32
      %dma_wait3A_92 = arith.constant 0 : i32
      %dma_wait3A_93 = tpu.memref_slice %arg20[%dma_wait3A_91, %dma_wait3A_92] : memref<10000x128xf32, #tpu.memory_space<vmem_shared>> -> memref<10000x128xf32, #tpu.memory_space<vmem_shared>>
      tpu.wait_indirect_dma semaphore(%run_scoped3A_81 : memref<!tpu.dma_semaphore, #tpu.memory_space<semaphore_mem>>) src(%arg9 : memref<80x128xf32, #tpu.memory_space<vmem>>) dst(%dma_wait3A_93 : memref<10000x128xf32, #tpu.memory_space<vmem_shared>>)
      tpu.yield
    }) : () -> ()
    %barrier3A_69 = arith.constant 0 : index
    tpu.barrier barrier_id(%barrier3A_69)
    %mul3A_70 = arith.constant 10000 : i32
    %mul3A_71 = arith.muli %arg0, %mul3A_70 : i32
    %mul3A_72 = arith.constant 624 : i32
    %mul3A_73 = arith.muli %arg1, %mul3A_72 : i32
    %add3A_74 = arith.addi %mul3A_71, %mul3A_73 : i32
    %multiple_of3A_75 = tpu.assume_multiple %add3A_74, 8 : i32
    "tpu.region"() ({
      %run_scoped3A_81 = tpu.sem_alloc : memref<!tpu.dma_semaphore, #tpu.memory_space<semaphore_mem>>
      %dma_start3A_82 = arith.constant 0 : i32
      %dma_start3A_83 = tpu.memref_slice %arg6[%multiple_of3A_75, %dma_start3A_82] : memref<20000x128xf32, #tpu.memory_space<hbm>> -> memref<624x128xf32, #tpu.memory_space<hbm>>
      %dma_start3A_84 = arith.constant 0 : i32
      %dma_start3A_85 = tpu.memref_slice %arg20[%multiple_of3A, %dma_start3A_84] : memref<10000x128xf32, #tpu.memory_space<vmem_shared>> -> memref<624x128xf32, #tpu.memory_space<vmem_shared>>
      tpu.enqueue_dma source(%dma_start3A_85 : memref<624x128xf32, #tpu.memory_space<vmem_shared>>) target(%dma_start3A_83 : memref<624x128xf32, #tpu.memory_space<hbm>>) target_semaphore(%run_scoped3A_81 : memref<!tpu.dma_semaphore, #tpu.memory_space<semaphore_mem>>)
      %dma_wait3A_86 = arith.constant 0 : i32
      %dma_wait3A_87 = tpu.memref_slice %arg6[%multiple_of3A_75, %dma_wait3A_86] : memref<20000x128xf32, #tpu.memory_space<hbm>> -> memref<624x128xf32, #tpu.memory_space<hbm>>
      %dma_wait3A_88 = arith.constant 0 : i32
      %dma_wait3A_89 = tpu.memref_slice %arg20[%multiple_of3A, %dma_wait3A_88] : memref<10000x128xf32, #tpu.memory_space<vmem_shared>> -> memref<624x128xf32, #tpu.memory_space<vmem_shared>>
      tpu.wait_dma2 semaphore(%run_scoped3A_81 : memref<!tpu.dma_semaphore, #tpu.memory_space<semaphore_mem>>) src(%dma_wait3A_89 : memref<624x128xf32, #tpu.memory_space<vmem_shared>>) dst(%dma_wait3A_87 : memref<624x128xf32, #tpu.memory_space<hbm>>)
      tpu.yield
    }) : () -> ()
    %eq3A_76 = arith.constant 15 : i32
    %eq3A_77 = arith.cmpi eq, %arg1, %eq3A_76 : i32
    %convert_element_type3A_78 = arith.extui %eq3A_77 : i1 to i32
    %cond3A_79 = arith.constant 0 : i32
    %cond3A_80 = arith.cmpi ne, %convert_element_type3A_78, %cond3A_79 : i32
    scf.if %cond3A_80 {
      %mul3A_81 = arith.constant 10000 : i32
      %mul3A_82 = arith.muli %arg0, %mul3A_81 : i32
      %add3A_83 = arith.constant 9984 : i32
      %add3A_84 = arith.addi %mul3A_82, %add3A_83 : i32
      %multiple_of3A_85 = tpu.assume_multiple %add3A_84, 8 : i32
      "tpu.region"() ({
        %run_scoped3A_86 = tpu.sem_alloc : memref<!tpu.dma_semaphore, #tpu.memory_space<semaphore_mem>>
        %dma_start3A_87 = arith.constant 0 : i32
        %dma_start3A_88 = tpu.memref_slice %arg6[%multiple_of3A_85, %dma_start3A_87] : memref<20000x128xf32, #tpu.memory_space<hbm>> -> memref<16x128xf32, #tpu.memory_space<hbm>>
        %dma_start3A_89 = arith.constant 9984 : i32
        %dma_start3A_90 = arith.constant 0 : i32
        %dma_start3A_91 = tpu.memref_slice %arg20[%dma_start3A_89, %dma_start3A_90] : memref<10000x128xf32, #tpu.memory_space<vmem_shared>> -> memref<16x128xf32, #tpu.memory_space<vmem_shared>>
        tpu.enqueue_dma source(%dma_start3A_91 : memref<16x128xf32, #tpu.memory_space<vmem_shared>>) target(%dma_start3A_88 : memref<16x128xf32, #tpu.memory_space<hbm>>) target_semaphore(%run_scoped3A_86 : memref<!tpu.dma_semaphore, #tpu.memory_space<semaphore_mem>>)
        %dma_wait3A_92 = arith.constant 0 : i32
        %dma_wait3A_93 = tpu.memref_slice %arg6[%multiple_of3A_85, %dma_wait3A_92] : memref<20000x128xf32, #tpu.memory_space<hbm>> -> memref<16x128xf32, #tpu.memory_space<hbm>>
        %dma_wait3A_94 = arith.constant 9984 : i32
        %dma_wait3A_95 = arith.constant 0 : i32
        %dma_wait3A_96 = tpu.memref_slice %arg20[%dma_wait3A_94, %dma_wait3A_95] : memref<10000x128xf32, #tpu.memory_space<vmem_shared>> -> memref<16x128xf32, #tpu.memory_space<vmem_shared>>
        tpu.wait_dma2 semaphore(%run_scoped3A_86 : memref<!tpu.dma_semaphore, #tpu.memory_space<semaphore_mem>>) src(%dma_wait3A_96 : memref<16x128xf32, #tpu.memory_space<vmem_shared>>) dst(%dma_wait3A_93 : memref<16x128xf32, #tpu.memory_space<hbm>>)
        tpu.yield
      }) : () -> ()
    } else {
    }
    return
  }
}

#map = affine_map<(d0, d1) -> (0, 0)>
#map1 = affine_map<(d0, d1) -> (0, 0, 0)>
module attributes {stable_mosaic.version = 14 : i64} {
  func.func @_seg_sum_body(%arg0: i32, %arg1: i32, %arg2: memref<10000x128xf32, #tpu.memory_space<hbm>>, %arg3: memref<32x125x80xi32, #tpu.memory_space<hbm>>, %arg4: memref<32x125x80xi32, #tpu.memory_space<hbm>>, %arg5: memref<624x128xf32, #tpu.memory_space<hbm>>, %arg6: memref<20000x128xf32, #tpu.memory_space<hbm>>, %arg7: memref<125x80xi32, #tpu.memory_space<vmem>>, %arg8: memref<80x128xf32, #tpu.memory_space<vmem>>, %arg9: memref<80x128xf32, #tpu.memory_space<vmem>>, %arg10: memref<80x128xf32, #tpu.memory_space<vmem>>, %arg11: memref<1x80xi32, #tpu.memory_space<vmem>>, %arg12: memref<1x80xi32, #tpu.memory_space<vmem>>, %arg13: memref<1x80xi32, #tpu.memory_space<vmem>>, %arg14: memref<!tpu.dma_semaphore, #tpu.memory_space<semaphore_mem>>, %arg15: memref<!tpu.dma_semaphore, #tpu.memory_space<semaphore_mem>>, %arg16: memref<!tpu.dma_semaphore, #tpu.memory_space<semaphore_mem>>, %arg17: memref<!tpu.dma_semaphore, #tpu.memory_space<semaphore_mem>>, %arg18: memref<!tpu.dma_semaphore, #tpu.memory_space<semaphore_mem>>, %arg19: memref<!tpu.dma_semaphore, #tpu.memory_space<semaphore_mem>>, %arg20: memref<10000x128xf32, #tpu.memory_space<vmem_shared>>) attributes {dimension_semantics = [#tpu.dimension_semantics<core_parallel>, #tpu.dimension_semantics<subcore_parallel>], iteration_bounds = array<i64: 2, 16>, scalar_prefetch = 0 : i64, scratch_operands = 14 : i64, tpu.core_type = #tpu.core_type<sc_vector_subcore>, window_params = [{transform_indices = #map}, {transform_indices = #map1}, {transform_indices = #map1}, {transform_indices = #map}, {transform_indices = #map}]} {
    %mul3A = arith.constant 16 : i32
    %mul3A_0 = arith.muli %arg0, %mul3A : i32
    %add3A = arith.addi %mul3A_0, %arg1 : i32
    %mul3A_1 = arith.constant 624 : i32
    %mul3A_2 = arith.muli %arg1, %mul3A_1 : i32
    %multiple_of3A = tpu.assume_multiple %mul3A_2, 8 : i32
    "tpu.region"() ({
      %run_scoped3A_81 = tpu.sem_alloc : memref<!tpu.dma_semaphore, #tpu.memory_space<semaphore_mem>>
      %dma_start3A_82 = arith.constant 0 : i32
      %dma_start3A_83 = tpu.memref_slice %arg20[%multiple_of3A, %dma_start3A_82] : memref<10000x128xf32, #tpu.memory_space<vmem_shared>> -> memref<624x128xf32, #tpu.memory_space<vmem_shared>>
      tpu.enqueue_dma source(%arg5 : memref<624x128xf32, #tpu.memory_space<hbm>>) target(%dma_start3A_83 : memref<624x128xf32, #tpu.memory_space<vmem_shared>>) target_semaphore(%run_scoped3A_81 : memref<!tpu.dma_semaphore, #tpu.memory_space<semaphore_mem>>)
      %dma_wait3A_84 = arith.constant 0 : i32
      %dma_wait3A_85 = tpu.memref_slice %arg20[%multiple_of3A, %dma_wait3A_84] : memref<10000x128xf32, #tpu.memory_space<vmem_shared>> -> memref<624x128xf32, #tpu.memory_space<vmem_shared>>
      tpu.wait_dma2 semaphore(%run_scoped3A_81 : memref<!tpu.dma_semaphore, #tpu.memory_space<semaphore_mem>>) src(%arg5 : memref<624x128xf32, #tpu.memory_space<hbm>>) dst(%dma_wait3A_85 : memref<624x128xf32, #tpu.memory_space<vmem_shared>>)
      tpu.yield
    }) : () -> ()
    %eq3A = arith.constant 15 : i32
    %eq3A_3 = arith.cmpi eq, %arg1, %eq3A : i32
    %convert_element_type3A = arith.extui %eq3A_3 : i1 to i32
    %cond3A = arith.constant 0 : i32
    %cond3A_4 = arith.cmpi ne, %convert_element_type3A, %cond3A : i32
    scf.if %cond3A_4 {
      "tpu.region"() ({
        %run_scoped3A_81 = tpu.sem_alloc : memref<!tpu.dma_semaphore, #tpu.memory_space<semaphore_mem>>
        %dma_start3A_82 = arith.constant 9984 : i32
        %dma_start3A_83 = arith.constant 0 : i32
        %dma_start3A_84 = tpu.memref_slice %arg20[%dma_start3A_82, %dma_start3A_83] : memref<10000x128xf32, #tpu.memory_space<vmem_shared>> -> memref<16x128xf32, #tpu.memory_space<vmem_shared>>
        %dma_start3A_85 = arith.constant 0 : i32
        %dma_start3A_86 = arith.constant 0 : i32
        %dma_start3A_87 = tpu.memref_slice %arg5[%dma_start3A_85, %dma_start3A_86] : memref<624x128xf32, #tpu.memory_space<hbm>> -> memref<16x128xf32, #tpu.memory_space<hbm>>
        tpu.enqueue_dma source(%dma_start3A_87 : memref<16x128xf32, #tpu.memory_space<hbm>>) target(%dma_start3A_84 : memref<16x128xf32, #tpu.memory_space<vmem_shared>>) target_semaphore(%run_scoped3A_81 : memref<!tpu.dma_semaphore, #tpu.memory_space<semaphore_mem>>)
        %dma_wait3A_88 = arith.constant 9984 : i32
        %dma_wait3A_89 = arith.constant 0 : i32
        %dma_wait3A_90 = tpu.memref_slice %arg20[%dma_wait3A_88, %dma_wait3A_89] : memref<10000x128xf32, #tpu.memory_space<vmem_shared>> -> memref<16x128xf32, #tpu.memory_space<vmem_shared>>
        %dma_wait3A_91 = arith.constant 0 : i32
        %dma_wait3A_92 = arith.constant 0 : i32
        %dma_wait3A_93 = tpu.memref_slice %arg5[%dma_wait3A_91, %dma_wait3A_92] : memref<624x128xf32, #tpu.memory_space<hbm>> -> memref<16x128xf32, #tpu.memory_space<hbm>>
        tpu.wait_dma2 semaphore(%run_scoped3A_81 : memref<!tpu.dma_semaphore, #tpu.memory_space<semaphore_mem>>) src(%dma_wait3A_93 : memref<16x128xf32, #tpu.memory_space<hbm>>) dst(%dma_wait3A_90 : memref<16x128xf32, #tpu.memory_space<vmem_shared>>)
        tpu.yield
      }) : () -> ()
    } else {
    }
    "tpu.region"() ({
      %run_scoped3A_81 = tpu.sem_alloc : memref<!tpu.dma_semaphore, #tpu.memory_space<semaphore_mem>>
      %dma_start3A_82 = arith.constant 0 : i32
      %dma_start3A_83 = arith.constant 0 : i32
      %dma_start3A_84 = tpu.memref_slice %arg3[%add3A, %dma_start3A_82, %dma_start3A_83] : memref<32x125x80xi32, #tpu.memory_space<hbm>> -> memref<1x125x80xi32, #tpu.memory_space<hbm>>
      %dma_start3A_85 = tpu.memref_squeeze %dma_start3A_84 : memref<1x125x80xi32, #tpu.memory_space<hbm>> -> memref<125x80xi32, #tpu.memory_space<hbm>>
      %dma_start3A_86 = arith.constant 0 : i32
      %dma_start3A_87 = arith.constant 0 : i32
      %dma_start3A_88 = tpu.memref_slice %arg3[%add3A, %dma_start3A_86, %dma_start3A_87] : memref<32x125x80xi32, #tpu.memory_space<hbm>> -> memref<1x125x80xi32, #tpu.memory_space<hbm>>
      %dma_start3A_89 = tpu.memref_squeeze %dma_start3A_88 : memref<1x125x80xi32, #tpu.memory_space<hbm>> -> memref<125x80xi32, #tpu.memory_space<hbm>>
      tpu.enqueue_dma source(%dma_start3A_89 : memref<125x80xi32, #tpu.memory_space<hbm>>) target(%arg7 : memref<125x80xi32, #tpu.memory_space<vmem>>) target_semaphore(%run_scoped3A_81 : memref<!tpu.dma_semaphore, #tpu.memory_space<semaphore_mem>>)
      %dma_wait3A_90 = arith.constant 0 : i32
      %dma_wait3A_91 = arith.constant 0 : i32
      %dma_wait3A_92 = tpu.memref_slice %arg3[%add3A, %dma_wait3A_90, %dma_wait3A_91] : memref<32x125x80xi32, #tpu.memory_space<hbm>> -> memref<1x125x80xi32, #tpu.memory_space<hbm>>
      %dma_wait3A_93 = tpu.memref_squeeze %dma_wait3A_92 : memref<1x125x80xi32, #tpu.memory_space<hbm>> -> memref<125x80xi32, #tpu.memory_space<hbm>>
      %dma_wait3A_94 = arith.constant 0 : i32
      %dma_wait3A_95 = arith.constant 0 : i32
      %dma_wait3A_96 = tpu.memref_slice %arg3[%add3A, %dma_wait3A_94, %dma_wait3A_95] : memref<32x125x80xi32, #tpu.memory_space<hbm>> -> memref<1x125x80xi32, #tpu.memory_space<hbm>>
      %dma_wait3A_97 = tpu.memref_squeeze %dma_wait3A_96 : memref<1x125x80xi32, #tpu.memory_space<hbm>> -> memref<125x80xi32, #tpu.memory_space<hbm>>
      tpu.wait_dma2 semaphore(%run_scoped3A_81 : memref<!tpu.dma_semaphore, #tpu.memory_space<semaphore_mem>>) src(%dma_wait3A_97 : memref<125x80xi32, #tpu.memory_space<hbm>>) dst(%arg7 : memref<125x80xi32, #tpu.memory_space<vmem>>)
      tpu.yield
    }) : () -> ()
    %barrier3A = arith.constant 0 : index
    tpu.barrier barrier_id(%barrier3A)
    %dma_start3A = arith.constant 0 : i32
    %dma_start3A_5 = arith.constant 0 : i32
    %dma_start3A_6 = tpu.memref_slice %arg7[%dma_start3A, %dma_start3A_5] : memref<125x80xi32, #tpu.memory_space<vmem>> -> memref<1x80xi32, #tpu.memory_space<vmem>>
    %dma_start3A_7 = tpu.memref_squeeze %dma_start3A_6 : memref<1x80xi32, #tpu.memory_space<vmem>> -> memref<80xi32, #tpu.memory_space<vmem>>
    %dma_start3A_8 = arith.constant 0 : i32
    %dma_start3A_9 = arith.constant 0 : i32
    %dma_start3A_10 = tpu.memref_slice %arg2[%dma_start3A_8, %dma_start3A_9] : memref<10000x128xf32, #tpu.memory_space<hbm>> -> memref<10000x128xf32, #tpu.memory_space<hbm>>
    tpu.enqueue_indirect_dma source(%dma_start3A_10 : memref<10000x128xf32, #tpu.memory_space<hbm>>) target(%arg8 : memref<80x128xf32, #tpu.memory_space<vmem>>) offsets(%dma_start3A_7 : memref<80xi32, #tpu.memory_space<vmem>>) semaphore(%arg14 : memref<!tpu.dma_semaphore, #tpu.memory_space<semaphore_mem>>)
    %dma_start3A_11 = arith.constant 0 : i32
    %dma_start3A_12 = arith.constant 0 : i32
    %dma_start3A_13 = tpu.memref_slice %arg4[%add3A, %dma_start3A_11, %dma_start3A_12] : memref<32x125x80xi32, #tpu.memory_space<hbm>> -> memref<1x1x80xi32, #tpu.memory_space<hbm>>
    %dma_start3A_14 = tpu.memref_squeeze %dma_start3A_13 : memref<1x1x80xi32, #tpu.memory_space<hbm>> -> memref<1x80xi32, #tpu.memory_space<hbm>>
    %dma_start3A_15 = arith.constant 0 : i32
    %dma_start3A_16 = arith.constant 0 : i32
    %dma_start3A_17 = tpu.memref_slice %arg4[%add3A, %dma_start3A_15, %dma_start3A_16] : memref<32x125x80xi32, #tpu.memory_space<hbm>> -> memref<1x1x80xi32, #tpu.memory_space<hbm>>
    %dma_start3A_18 = tpu.memref_squeeze %dma_start3A_17 : memref<1x1x80xi32, #tpu.memory_space<hbm>> -> memref<1x80xi32, #tpu.memory_space<hbm>>
    tpu.enqueue_dma source(%dma_start3A_18 : memref<1x80xi32, #tpu.memory_space<hbm>>) target(%arg11 : memref<1x80xi32, #tpu.memory_space<vmem>>) target_semaphore(%arg17 : memref<!tpu.dma_semaphore, #tpu.memory_space<semaphore_mem>>)
    %dma_start3A_19 = arith.constant 1 : i32
    %dma_start3A_20 = arith.constant 0 : i32
    %dma_start3A_21 = tpu.memref_slice %arg7[%dma_start3A_19, %dma_start3A_20] : memref<125x80xi32, #tpu.memory_space<vmem>> -> memref<1x80xi32, #tpu.memory_space<vmem>>
    %dma_start3A_22 = tpu.memref_squeeze %dma_start3A_21 : memref<1x80xi32, #tpu.memory_space<vmem>> -> memref<80xi32, #tpu.memory_space<vmem>>
    %dma_start3A_23 = arith.constant 0 : i32
    %dma_start3A_24 = arith.constant 0 : i32
    %dma_start3A_25 = tpu.memref_slice %arg2[%dma_start3A_23, %dma_start3A_24] : memref<10000x128xf32, #tpu.memory_space<hbm>> -> memref<10000x128xf32, #tpu.memory_space<hbm>>
    tpu.enqueue_indirect_dma source(%dma_start3A_25 : memref<10000x128xf32, #tpu.memory_space<hbm>>) target(%arg9 : memref<80x128xf32, #tpu.memory_space<vmem>>) offsets(%dma_start3A_22 : memref<80xi32, #tpu.memory_space<vmem>>) semaphore(%arg15 : memref<!tpu.dma_semaphore, #tpu.memory_space<semaphore_mem>>)
    %dma_start3A_26 = arith.constant 1 : i32
    %dma_start3A_27 = arith.constant 0 : i32
    %dma_start3A_28 = tpu.memref_slice %arg4[%add3A, %dma_start3A_26, %dma_start3A_27] : memref<32x125x80xi32, #tpu.memory_space<hbm>> -> memref<1x1x80xi32, #tpu.memory_space<hbm>>
    %dma_start3A_29 = tpu.memref_squeeze %dma_start3A_28 : memref<1x1x80xi32, #tpu.memory_space<hbm>> -> memref<1x80xi32, #tpu.memory_space<hbm>>
    %dma_start3A_30 = arith.constant 1 : i32
    %dma_start3A_31 = arith.constant 0 : i32
    %dma_start3A_32 = tpu.memref_slice %arg4[%add3A, %dma_start3A_30, %dma_start3A_31] : memref<32x125x80xi32, #tpu.memory_space<hbm>> -> memref<1x1x80xi32, #tpu.memory_space<hbm>>
    %dma_start3A_33 = tpu.memref_squeeze %dma_start3A_32 : memref<1x1x80xi32, #tpu.memory_space<hbm>> -> memref<1x80xi32, #tpu.memory_space<hbm>>
    tpu.enqueue_dma source(%dma_start3A_33 : memref<1x80xi32, #tpu.memory_space<hbm>>) target(%arg12 : memref<1x80xi32, #tpu.memory_space<vmem>>) target_semaphore(%arg18 : memref<!tpu.dma_semaphore, #tpu.memory_space<semaphore_mem>>)
    %scan3A = arith.constant 0 : i32
    %scan3A_34 = arith.constant 0 : i32
    %scan3A_35 = arith.constant 41 : i32
    %scan3A_36 = arith.addi %scan3A_34, %scan3A_35 : i32
    %scan3A_37 = arith.constant 1 : i32
    scf.for %scan3A_81 = %scan3A_34 to %scan3A_36 step %scan3A_37  : i32 {
      %mul3A_82 = arith.constant 3 : i32
      %mul3A_83 = arith.muli %scan3A_81, %mul3A_82 : i32
      %add3A_84 = arith.constant 2 : i32
      %add3A_85 = arith.addi %mul3A_83, %add3A_84 : i32
      %dma_start3A_86 = arith.constant 0 : i32
      %dma_start3A_87 = tpu.memref_slice %arg7[%add3A_85, %dma_start3A_86] : memref<125x80xi32, #tpu.memory_space<vmem>> -> memref<1x80xi32, #tpu.memory_space<vmem>>
      %dma_start3A_88 = tpu.memref_squeeze %dma_start3A_87 : memref<1x80xi32, #tpu.memory_space<vmem>> -> memref<80xi32, #tpu.memory_space<vmem>>
      %dma_start3A_89 = arith.constant 0 : i32
      %dma_start3A_90 = arith.constant 0 : i32
      %dma_start3A_91 = tpu.memref_slice %arg2[%dma_start3A_89, %dma_start3A_90] : memref<10000x128xf32, #tpu.memory_space<hbm>> -> memref<10000x128xf32, #tpu.memory_space<hbm>>
      tpu.enqueue_indirect_dma source(%dma_start3A_91 : memref<10000x128xf32, #tpu.memory_space<hbm>>) target(%arg10 : memref<80x128xf32, #tpu.memory_space<vmem>>) offsets(%dma_start3A_88 : memref<80xi32, #tpu.memory_space<vmem>>) semaphore(%arg16 : memref<!tpu.dma_semaphore, #tpu.memory_space<semaphore_mem>>)
      %add3A_92 = arith.constant 2 : i32
      %add3A_93 = arith.addi %mul3A_83, %add3A_92 : i32
      %dma_start3A_94 = arith.constant 0 : i32
      %dma_start3A_95 = tpu.memref_slice %arg4[%add3A, %add3A_93, %dma_start3A_94] : memref<32x125x80xi32, #tpu.memory_space<hbm>> -> memref<1x1x80xi32, #tpu.memory_space<hbm>>
      %dma_start3A_96 = tpu.memref_squeeze %dma_start3A_95 : memref<1x1x80xi32, #tpu.memory_space<hbm>> -> memref<1x80xi32, #tpu.memory_space<hbm>>
      %dma_start3A_97 = arith.constant 0 : i32
      %dma_start3A_98 = tpu.memref_slice %arg4[%add3A, %add3A_93, %dma_start3A_97] : memref<32x125x80xi32, #tpu.memory_space<hbm>> -> memref<1x1x80xi32, #tpu.memory_space<hbm>>
      %dma_start3A_99 = tpu.memref_squeeze %dma_start3A_98 : memref<1x1x80xi32, #tpu.memory_space<hbm>> -> memref<1x80xi32, #tpu.memory_space<hbm>>
      tpu.enqueue_dma source(%dma_start3A_99 : memref<1x80xi32, #tpu.memory_space<hbm>>) target(%arg13 : memref<1x80xi32, #tpu.memory_space<vmem>>) target_semaphore(%arg19 : memref<!tpu.dma_semaphore, #tpu.memory_space<semaphore_mem>>)
      %dma_wait3A_100 = arith.constant 0 : i32
      %dma_wait3A_101 = tpu.memref_slice %arg7[%mul3A_83, %dma_wait3A_100] : memref<125x80xi32, #tpu.memory_space<vmem>> -> memref<1x80xi32, #tpu.memory_space<vmem>>
      %dma_wait3A_102 = tpu.memref_squeeze %dma_wait3A_101 : memref<1x80xi32, #tpu.memory_space<vmem>> -> memref<80xi32, #tpu.memory_space<vmem>>
      %dma_wait3A_103 = arith.constant 0 : i32
      %dma_wait3A_104 = arith.constant 0 : i32
      %dma_wait3A_105 = tpu.memref_slice %arg2[%dma_wait3A_103, %dma_wait3A_104] : memref<10000x128xf32, #tpu.memory_space<hbm>> -> memref<10000x128xf32, #tpu.memory_space<hbm>>
      tpu.wait_indirect_dma semaphore(%arg14 : memref<!tpu.dma_semaphore, #tpu.memory_space<semaphore_mem>>) src(%dma_wait3A_105 : memref<10000x128xf32, #tpu.memory_space<hbm>>) dst(%arg8 : memref<80x128xf32, #tpu.memory_space<vmem>>)
      %dma_wait3A_106 = arith.constant 0 : i32
      %dma_wait3A_107 = tpu.memref_slice %arg4[%add3A, %mul3A_83, %dma_wait3A_106] : memref<32x125x80xi32, #tpu.memory_space<hbm>> -> memref<1x1x80xi32, #tpu.memory_space<hbm>>
      %dma_wait3A_108 = tpu.memref_squeeze %dma_wait3A_107 : memref<1x1x80xi32, #tpu.memory_space<hbm>> -> memref<1x80xi32, #tpu.memory_space<hbm>>
      %dma_wait3A_109 = arith.constant 0 : i32
      %dma_wait3A_110 = tpu.memref_slice %arg4[%add3A, %mul3A_83, %dma_wait3A_109] : memref<32x125x80xi32, #tpu.memory_space<hbm>> -> memref<1x1x80xi32, #tpu.memory_space<hbm>>
      %dma_wait3A_111 = tpu.memref_squeeze %dma_wait3A_110 : memref<1x1x80xi32, #tpu.memory_space<hbm>> -> memref<1x80xi32, #tpu.memory_space<hbm>>
      tpu.wait_dma2 semaphore(%arg17 : memref<!tpu.dma_semaphore, #tpu.memory_space<semaphore_mem>>) src(%dma_wait3A_111 : memref<1x80xi32, #tpu.memory_space<hbm>>) dst(%arg11 : memref<1x80xi32, #tpu.memory_space<vmem>>)
      %run_scoped3A_112 = arith.constant 0 : i32
      "tpu.region"() ({
        %run_scoped3A_179 = tpu.sem_alloc : memref<!tpu.dma_semaphore, #tpu.memory_space<semaphore_mem>>
        %dma_start3A_180 = arith.constant 0 : i32
        %dma_start3A_181 = tpu.memref_slice %arg11[%run_scoped3A_112, %dma_start3A_180] : memref<1x80xi32, #tpu.memory_space<vmem>> -> memref<1x80xi32, #tpu.memory_space<vmem>>
        %dma_start3A_182 = tpu.memref_squeeze %dma_start3A_181 : memref<1x80xi32, #tpu.memory_space<vmem>> -> memref<80xi32, #tpu.memory_space<vmem>>
        %dma_start3A_183 = arith.constant 0 : i32
        %dma_start3A_184 = arith.constant 0 : i32
        %dma_start3A_185 = tpu.memref_slice %arg20[%dma_start3A_183, %dma_start3A_184] : memref<10000x128xf32, #tpu.memory_space<vmem_shared>> -> memref<10000x128xf32, #tpu.memory_space<vmem_shared>>
        tpu.enqueue_indirect_dma source(%arg8 : memref<80x128xf32, #tpu.memory_space<vmem>>) target(%dma_start3A_185 : memref<10000x128xf32, #tpu.memory_space<vmem_shared>>) offsets(%dma_start3A_182 : memref<80xi32, #tpu.memory_space<vmem>>) semaphore(%run_scoped3A_179 : memref<!tpu.dma_semaphore, #tpu.memory_space<semaphore_mem>>) {add = true}
        %dma_wait3A_186 = arith.constant 0 : i32
        %dma_wait3A_187 = tpu.memref_slice %arg11[%run_scoped3A_112, %dma_wait3A_186] : memref<1x80xi32, #tpu.memory_space<vmem>> -> memref<1x80xi32, #tpu.memory_space<vmem>>
        %dma_wait3A_188 = tpu.memref_squeeze %dma_wait3A_187 : memref<1x80xi32, #tpu.memory_space<vmem>> -> memref<80xi32, #tpu.memory_space<vmem>>
        %dma_wait3A_189 = arith.constant 0 : i32
        %dma_wait3A_190 = arith.constant 0 : i32
        %dma_wait3A_191 = tpu.memref_slice %arg20[%dma_wait3A_189, %dma_wait3A_190] : memref<10000x128xf32, #tpu.memory_space<vmem_shared>> -> memref<10000x128xf32, #tpu.memory_space<vmem_shared>>
        tpu.wait_indirect_dma semaphore(%run_scoped3A_179 : memref<!tpu.dma_semaphore, #tpu.memory_space<semaphore_mem>>) src(%arg8 : memref<80x128xf32, #tpu.memory_space<vmem>>) dst(%dma_wait3A_191 : memref<10000x128xf32, #tpu.memory_space<vmem_shared>>)
        tpu.yield
      }) : () -> ()
      %add3A_113 = arith.constant 3 : i32
      %add3A_114 = arith.addi %mul3A_83, %add3A_113 : i32
      %dma_start3A_115 = arith.constant 0 : i32
      %dma_start3A_116 = tpu.memref_slice %arg7[%add3A_114, %dma_start3A_115] : memref<125x80xi32, #tpu.memory_space<vmem>> -> memref<1x80xi32, #tpu.memory_space<vmem>>
      %dma_start3A_117 = tpu.memref_squeeze %dma_start3A_116 : memref<1x80xi32, #tpu.memory_space<vmem>> -> memref<80xi32, #tpu.memory_space<vmem>>
      %dma_start3A_118 = arith.constant 0 : i32
      %dma_start3A_119 = arith.constant 0 : i32
      %dma_start3A_120 = tpu.memref_slice %arg2[%dma_start3A_118, %dma_start3A_119] : memref<10000x128xf32, #tpu.memory_space<hbm>> -> memref<10000x128xf32, #tpu.memory_space<hbm>>
      tpu.enqueue_indirect_dma source(%dma_start3A_120 : memref<10000x128xf32, #tpu.memory_space<hbm>>) target(%arg8 : memref<80x128xf32, #tpu.memory_space<vmem>>) offsets(%dma_start3A_117 : memref<80xi32, #tpu.memory_space<vmem>>) semaphore(%arg14 : memref<!tpu.dma_semaphore, #tpu.memory_space<semaphore_mem>>)
      %add3A_121 = arith.constant 3 : i32
      %add3A_122 = arith.addi %mul3A_83, %add3A_121 : i32
      %dma_start3A_123 = arith.constant 0 : i32
      %dma_start3A_124 = tpu.memref_slice %arg4[%add3A, %add3A_122, %dma_start3A_123] : memref<32x125x80xi32, #tpu.memory_space<hbm>> -> memref<1x1x80xi32, #tpu.memory_space<hbm>>
      %dma_start3A_125 = tpu.memref_squeeze %dma_start3A_124 : memref<1x1x80xi32, #tpu.memory_space<hbm>> -> memref<1x80xi32, #tpu.memory_space<hbm>>
      %dma_start3A_126 = arith.constant 0 : i32
      %dma_start3A_127 = tpu.memref_slice %arg4[%add3A, %add3A_122, %dma_start3A_126] : memref<32x125x80xi32, #tpu.memory_space<hbm>> -> memref<1x1x80xi32, #tpu.memory_space<hbm>>
      %dma_start3A_128 = tpu.memref_squeeze %dma_start3A_127 : memref<1x1x80xi32, #tpu.memory_space<hbm>> -> memref<1x80xi32, #tpu.memory_space<hbm>>
      tpu.enqueue_dma source(%dma_start3A_128 : memref<1x80xi32, #tpu.memory_space<hbm>>) target(%arg11 : memref<1x80xi32, #tpu.memory_space<vmem>>) target_semaphore(%arg17 : memref<!tpu.dma_semaphore, #tpu.memory_space<semaphore_mem>>)
      %add3A_129 = arith.constant 1 : i32
      %add3A_130 = arith.addi %mul3A_83, %add3A_129 : i32
      %dma_wait3A_131 = arith.constant 0 : i32
      %dma_wait3A_132 = tpu.memref_slice %arg7[%add3A_130, %dma_wait3A_131] : memref<125x80xi32, #tpu.memory_space<vmem>> -> memref<1x80xi32, #tpu.memory_space<vmem>>
      %dma_wait3A_133 = tpu.memref_squeeze %dma_wait3A_132 : memref<1x80xi32, #tpu.memory_space<vmem>> -> memref<80xi32, #tpu.memory_space<vmem>>
      %dma_wait3A_134 = arith.constant 0 : i32
      %dma_wait3A_135 = arith.constant 0 : i32
      %dma_wait3A_136 = tpu.memref_slice %arg2[%dma_wait3A_134, %dma_wait3A_135] : memref<10000x128xf32, #tpu.memory_space<hbm>> -> memref<10000x128xf32, #tpu.memory_space<hbm>>
      tpu.wait_indirect_dma semaphore(%arg15 : memref<!tpu.dma_semaphore, #tpu.memory_space<semaphore_mem>>) src(%dma_wait3A_136 : memref<10000x128xf32, #tpu.memory_space<hbm>>) dst(%arg9 : memref<80x128xf32, #tpu.memory_space<vmem>>)
      %add3A_137 = arith.constant 1 : i32
      %add3A_138 = arith.addi %mul3A_83, %add3A_137 : i32
      %dma_wait3A_139 = arith.constant 0 : i32
      %dma_wait3A_140 = tpu.memref_slice %arg4[%add3A, %add3A_138, %dma_wait3A_139] : memref<32x125x80xi32, #tpu.memory_space<hbm>> -> memref<1x1x80xi32, #tpu.memory_space<hbm>>
      %dma_wait3A_141 = tpu.memref_squeeze %dma_wait3A_140 : memref<1x1x80xi32, #tpu.memory_space<hbm>> -> memref<1x80xi32, #tpu.memory_space<hbm>>
      %dma_wait3A_142 = arith.constant 0 : i32
      %dma_wait3A_143 = tpu.memref_slice %arg4[%add3A, %add3A_138, %dma_wait3A_142] : memref<32x125x80xi32, #tpu.memory_space<hbm>> -> memref<1x1x80xi32, #tpu.memory_space<hbm>>
      %dma_wait3A_144 = tpu.memref_squeeze %dma_wait3A_143 : memref<1x1x80xi32, #tpu.memory_space<hbm>> -> memref<1x80xi32, #tpu.memory_space<hbm>>
      tpu.wait_dma2 semaphore(%arg18 : memref<!tpu.dma_semaphore, #tpu.memory_space<semaphore_mem>>) src(%dma_wait3A_144 : memref<1x80xi32, #tpu.memory_space<hbm>>) dst(%arg12 : memref<1x80xi32, #tpu.memory_space<vmem>>)
      %run_scoped3A_145 = arith.constant 0 : i32
      "tpu.region"() ({
        %run_scoped3A_179 = tpu.sem_alloc : memref<!tpu.dma_semaphore, #tpu.memory_space<semaphore_mem>>
        %dma_start3A_180 = arith.constant 0 : i32
        %dma_start3A_181 = tpu.memref_slice %arg12[%run_scoped3A_145, %dma_start3A_180] : memref<1x80xi32, #tpu.memory_space<vmem>> -> memref<1x80xi32, #tpu.memory_space<vmem>>
        %dma_start3A_182 = tpu.memref_squeeze %dma_start3A_181 : memref<1x80xi32, #tpu.memory_space<vmem>> -> memref<80xi32, #tpu.memory_space<vmem>>
        %dma_start3A_183 = arith.constant 0 : i32
        %dma_start3A_184 = arith.constant 0 : i32
        %dma_start3A_185 = tpu.memref_slice %arg20[%dma_start3A_183, %dma_start3A_184] : memref<10000x128xf32, #tpu.memory_space<vmem_shared>> -> memref<10000x128xf32, #tpu.memory_space<vmem_shared>>
        tpu.enqueue_indirect_dma source(%arg9 : memref<80x128xf32, #tpu.memory_space<vmem>>) target(%dma_start3A_185 : memref<10000x128xf32, #tpu.memory_space<vmem_shared>>) offsets(%dma_start3A_182 : memref<80xi32, #tpu.memory_space<vmem>>) semaphore(%run_scoped3A_179 : memref<!tpu.dma_semaphore, #tpu.memory_space<semaphore_mem>>) {add = true}
        %dma_wait3A_186 = arith.constant 0 : i32
        %dma_wait3A_187 = tpu.memref_slice %arg12[%run_scoped3A_145, %dma_wait3A_186] : memref<1x80xi32, #tpu.memory_space<vmem>> -> memref<1x80xi32, #tpu.memory_space<vmem>>
        %dma_wait3A_188 = tpu.memref_squeeze %dma_wait3A_187 : memref<1x80xi32, #tpu.memory_space<vmem>> -> memref<80xi32, #tpu.memory_space<vmem>>
        %dma_wait3A_189 = arith.constant 0 : i32
        %dma_wait3A_190 = arith.constant 0 : i32
        %dma_wait3A_191 = tpu.memref_slice %arg20[%dma_wait3A_189, %dma_wait3A_190] : memref<10000x128xf32, #tpu.memory_space<vmem_shared>> -> memref<10000x128xf32, #tpu.memory_space<vmem_shared>>
        tpu.wait_indirect_dma semaphore(%run_scoped3A_179 : memref<!tpu.dma_semaphore, #tpu.memory_space<semaphore_mem>>) src(%arg9 : memref<80x128xf32, #tpu.memory_space<vmem>>) dst(%dma_wait3A_191 : memref<10000x128xf32, #tpu.memory_space<vmem_shared>>)
        tpu.yield
      }) : () -> ()
      %add3A_146 = arith.constant 4 : i32
      %add3A_147 = arith.addi %mul3A_83, %add3A_146 : i32
      %dma_start3A_148 = arith.constant 0 : i32
      %dma_start3A_149 = tpu.memref_slice %arg7[%add3A_147, %dma_start3A_148] : memref<125x80xi32, #tpu.memory_space<vmem>> -> memref<1x80xi32, #tpu.memory_space<vmem>>
      %dma_start3A_150 = tpu.memref_squeeze %dma_start3A_149 : memref<1x80xi32, #tpu.memory_space<vmem>> -> memref<80xi32, #tpu.memory_space<vmem>>
      %dma_start3A_151 = arith.constant 0 : i32
      %dma_start3A_152 = arith.constant 0 : i32
      %dma_start3A_153 = tpu.memref_slice %arg2[%dma_start3A_151, %dma_start3A_152] : memref<10000x128xf32, #tpu.memory_space<hbm>> -> memref<10000x128xf32, #tpu.memory_space<hbm>>
      tpu.enqueue_indirect_dma source(%dma_start3A_153 : memref<10000x128xf32, #tpu.memory_space<hbm>>) target(%arg9 : memref<80x128xf32, #tpu.memory_space<vmem>>) offsets(%dma_start3A_150 : memref<80xi32, #tpu.memory_space<vmem>>) semaphore(%arg15 : memref<!tpu.dma_semaphore, #tpu.memory_space<semaphore_mem>>)
      %add3A_154 = arith.constant 4 : i32
      %add3A_155 = arith.addi %mul3A_83, %add3A_154 : i32
      %dma_start3A_156 = arith.constant 0 : i32
      %dma_start3A_157 = tpu.memref_slice %arg4[%add3A, %add3A_155, %dma_start3A_156] : memref<32x125x80xi32, #tpu.memory_space<hbm>> -> memref<1x1x80xi32, #tpu.memory_space<hbm>>
      %dma_start3A_158 = tpu.memref_squeeze %dma_start3A_157 : memref<1x1x80xi32, #tpu.memory_space<hbm>> -> memref<1x80xi32, #tpu.memory_space<hbm>>
      %dma_start3A_159 = arith.constant 0 : i32
      %dma_start3A_160 = tpu.memref_slice %arg4[%add3A, %add3A_155, %dma_start3A_159] : memref<32x125x80xi32, #tpu.memory_space<hbm>> -> memref<1x1x80xi32, #tpu.memory_space<hbm>>
      %dma_start3A_161 = tpu.memref_squeeze %dma_start3A_160 : memref<1x1x80xi32, #tpu.memory_space<hbm>> -> memref<1x80xi32, #tpu.memory_space<hbm>>
      tpu.enqueue_dma source(%dma_start3A_161 : memref<1x80xi32, #tpu.memory_space<hbm>>) target(%arg12 : memref<1x80xi32, #tpu.memory_space<vmem>>) target_semaphore(%arg18 : memref<!tpu.dma_semaphore, #tpu.memory_space<semaphore_mem>>)
      %add3A_162 = arith.constant 2 : i32
      %add3A_163 = arith.addi %mul3A_83, %add3A_162 : i32
      %dma_wait3A_164 = arith.constant 0 : i32
      %dma_wait3A_165 = tpu.memref_slice %arg7[%add3A_163, %dma_wait3A_164] : memref<125x80xi32, #tpu.memory_space<vmem>> -> memref<1x80xi32, #tpu.memory_space<vmem>>
      %dma_wait3A_166 = tpu.memref_squeeze %dma_wait3A_165 : memref<1x80xi32, #tpu.memory_space<vmem>> -> memref<80xi32, #tpu.memory_space<vmem>>
      %dma_wait3A_167 = arith.constant 0 : i32
      %dma_wait3A_168 = arith.constant 0 : i32
      %dma_wait3A_169 = tpu.memref_slice %arg2[%dma_wait3A_167, %dma_wait3A_168] : memref<10000x128xf32, #tpu.memory_space<hbm>> -> memref<10000x128xf32, #tpu.memory_space<hbm>>
      tpu.wait_indirect_dma semaphore(%arg16 : memref<!tpu.dma_semaphore, #tpu.memory_space<semaphore_mem>>) src(%dma_wait3A_169 : memref<10000x128xf32, #tpu.memory_space<hbm>>) dst(%arg10 : memref<80x128xf32, #tpu.memory_space<vmem>>)
      %add3A_170 = arith.constant 2 : i32
      %add3A_171 = arith.addi %mul3A_83, %add3A_170 : i32
      %dma_wait3A_172 = arith.constant 0 : i32
      %dma_wait3A_173 = tpu.memref_slice %arg4[%add3A, %add3A_171, %dma_wait3A_172] : memref<32x125x80xi32, #tpu.memory_space<hbm>> -> memref<1x1x80xi32, #tpu.memory_space<hbm>>
      %dma_wait3A_174 = tpu.memref_squeeze %dma_wait3A_173 : memref<1x1x80xi32, #tpu.memory_space<hbm>> -> memref<1x80xi32, #tpu.memory_space<hbm>>
      %dma_wait3A_175 = arith.constant 0 : i32
      %dma_wait3A_176 = tpu.memref_slice %arg4[%add3A, %add3A_171, %dma_wait3A_175] : memref<32x125x80xi32, #tpu.memory_space<hbm>> -> memref<1x1x80xi32, #tpu.memory_space<hbm>>
      %dma_wait3A_177 = tpu.memref_squeeze %dma_wait3A_176 : memref<1x1x80xi32, #tpu.memory_space<hbm>> -> memref<1x80xi32, #tpu.memory_space<hbm>>
      tpu.wait_dma2 semaphore(%arg19 : memref<!tpu.dma_semaphore, #tpu.memory_space<semaphore_mem>>) src(%dma_wait3A_177 : memref<1x80xi32, #tpu.memory_space<hbm>>) dst(%arg13 : memref<1x80xi32, #tpu.memory_space<vmem>>)
      %run_scoped3A_178 = arith.constant 0 : i32
      "tpu.region"() ({
        %run_scoped3A_179 = tpu.sem_alloc : memref<!tpu.dma_semaphore, #tpu.memory_space<semaphore_mem>>
        %dma_start3A_180 = arith.constant 0 : i32
        %dma_start3A_181 = tpu.memref_slice %arg13[%run_scoped3A_178, %dma_start3A_180] : memref<1x80xi32, #tpu.memory_space<vmem>> -> memref<1x80xi32, #tpu.memory_space<vmem>>
        %dma_start3A_182 = tpu.memref_squeeze %dma_start3A_181 : memref<1x80xi32, #tpu.memory_space<vmem>> -> memref<80xi32, #tpu.memory_space<vmem>>
        %dma_start3A_183 = arith.constant 0 : i32
        %dma_start3A_184 = arith.constant 0 : i32
        %dma_start3A_185 = tpu.memref_slice %arg20[%dma_start3A_183, %dma_start3A_184] : memref<10000x128xf32, #tpu.memory_space<vmem_shared>> -> memref<10000x128xf32, #tpu.memory_space<vmem_shared>>
        tpu.enqueue_indirect_dma source(%arg10 : memref<80x128xf32, #tpu.memory_space<vmem>>) target(%dma_start3A_185 : memref<10000x128xf32, #tpu.memory_space<vmem_shared>>) offsets(%dma_start3A_182 : memref<80xi32, #tpu.memory_space<vmem>>) semaphore(%run_scoped3A_179 : memref<!tpu.dma_semaphore, #tpu.memory_space<semaphore_mem>>) {add = true}
        %dma_wait3A_186 = arith.constant 0 : i32
        %dma_wait3A_187 = tpu.memref_slice %arg13[%run_scoped3A_178, %dma_wait3A_186] : memref<1x80xi32, #tpu.memory_space<vmem>> -> memref<1x80xi32, #tpu.memory_space<vmem>>
        %dma_wait3A_188 = tpu.memref_squeeze %dma_wait3A_187 : memref<1x80xi32, #tpu.memory_space<vmem>> -> memref<80xi32, #tpu.memory_space<vmem>>
        %dma_wait3A_189 = arith.constant 0 : i32
        %dma_wait3A_190 = arith.constant 0 : i32
        %dma_wait3A_191 = tpu.memref_slice %arg20[%dma_wait3A_189, %dma_wait3A_190] : memref<10000x128xf32, #tpu.memory_space<vmem_shared>> -> memref<10000x128xf32, #tpu.memory_space<vmem_shared>>
        tpu.wait_indirect_dma semaphore(%run_scoped3A_179 : memref<!tpu.dma_semaphore, #tpu.memory_space<semaphore_mem>>) src(%arg10 : memref<80x128xf32, #tpu.memory_space<vmem>>) dst(%dma_wait3A_191 : memref<10000x128xf32, #tpu.memory_space<vmem_shared>>)
        tpu.yield
      }) : () -> ()
    }
    %scan3A_38 = arith.constant 41 : i32
    %dma_wait3A = arith.constant 123 : i32
    %dma_wait3A_39 = arith.constant 0 : i32
    %dma_wait3A_40 = tpu.memref_slice %arg7[%dma_wait3A, %dma_wait3A_39] : memref<125x80xi32, #tpu.memory_space<vmem>> -> memref<1x80xi32, #tpu.memory_space<vmem>>
    %dma_wait3A_41 = tpu.memref_squeeze %dma_wait3A_40 : memref<1x80xi32, #tpu.memory_space<vmem>> -> memref<80xi32, #tpu.memory_space<vmem>>
    %dma_wait3A_42 = arith.constant 0 : i32
    %dma_wait3A_43 = arith.constant 0 : i32
    %dma_wait3A_44 = tpu.memref_slice %arg2[%dma_wait3A_42, %dma_wait3A_43] : memref<10000x128xf32, #tpu.memory_space<hbm>> -> memref<10000x128xf32, #tpu.memory_space<hbm>>
    tpu.wait_indirect_dma semaphore(%arg14 : memref<!tpu.dma_semaphore, #tpu.memory_space<semaphore_mem>>) src(%dma_wait3A_44 : memref<10000x128xf32, #tpu.memory_space<hbm>>) dst(%arg8 : memref<80x128xf32, #tpu.memory_space<vmem>>)
    %dma_wait3A_45 = arith.constant 123 : i32
    %dma_wait3A_46 = arith.constant 0 : i32
    %dma_wait3A_47 = tpu.memref_slice %arg4[%add3A, %dma_wait3A_45, %dma_wait3A_46] : memref<32x125x80xi32, #tpu.memory_space<hbm>> -> memref<1x1x80xi32, #tpu.memory_space<hbm>>
    %dma_wait3A_48 = tpu.memref_squeeze %dma_wait3A_47 : memref<1x1x80xi32, #tpu.memory_space<hbm>> -> memref<1x80xi32, #tpu.memory_space<hbm>>
    %dma_wait3A_49 = arith.constant 123 : i32
    %dma_wait3A_50 = arith.constant 0 : i32
    %dma_wait3A_51 = tpu.memref_slice %arg4[%add3A, %dma_wait3A_49, %dma_wait3A_50] : memref<32x125x80xi32, #tpu.memory_space<hbm>> -> memref<1x1x80xi32, #tpu.memory_space<hbm>>
    %dma_wait3A_52 = tpu.memref_squeeze %dma_wait3A_51 : memref<1x1x80xi32, #tpu.memory_space<hbm>> -> memref<1x80xi32, #tpu.memory_space<hbm>>
    tpu.wait_dma2 semaphore(%arg17 : memref<!tpu.dma_semaphore, #tpu.memory_space<semaphore_mem>>) src(%dma_wait3A_52 : memref<1x80xi32, #tpu.memory_space<hbm>>) dst(%arg11 : memref<1x80xi32, #tpu.memory_space<vmem>>)
    %run_scoped3A = arith.constant 0 : i32
    "tpu.region"() ({
      %run_scoped3A_81 = tpu.sem_alloc : memref<!tpu.dma_semaphore, #tpu.memory_space<semaphore_mem>>
      %dma_start3A_82 = arith.constant 0 : i32
      %dma_start3A_83 = tpu.memref_slice %arg11[%run_scoped3A, %dma_start3A_82] : memref<1x80xi32, #tpu.memory_space<vmem>> -> memref<1x80xi32, #tpu.memory_space<vmem>>
      %dma_start3A_84 = tpu.memref_squeeze %dma_start3A_83 : memref<1x80xi32, #tpu.memory_space<vmem>> -> memref<80xi32, #tpu.memory_space<vmem>>
      %dma_start3A_85 = arith.constant 0 : i32
      %dma_start3A_86 = arith.constant 0 : i32
      %dma_start3A_87 = tpu.memref_slice %arg20[%dma_start3A_85, %dma_start3A_86] : memref<10000x128xf32, #tpu.memory_space<vmem_shared>> -> memref<10000x128xf32, #tpu.memory_space<vmem_shared>>
      tpu.enqueue_indirect_dma source(%arg8 : memref<80x128xf32, #tpu.memory_space<vmem>>) target(%dma_start3A_87 : memref<10000x128xf32, #tpu.memory_space<vmem_shared>>) offsets(%dma_start3A_84 : memref<80xi32, #tpu.memory_space<vmem>>) semaphore(%run_scoped3A_81 : memref<!tpu.dma_semaphore, #tpu.memory_space<semaphore_mem>>) {add = true}
      %dma_wait3A_88 = arith.constant 0 : i32
      %dma_wait3A_89 = tpu.memref_slice %arg11[%run_scoped3A, %dma_wait3A_88] : memref<1x80xi32, #tpu.memory_space<vmem>> -> memref<1x80xi32, #tpu.memory_space<vmem>>
      %dma_wait3A_90 = tpu.memref_squeeze %dma_wait3A_89 : memref<1x80xi32, #tpu.memory_space<vmem>> -> memref<80xi32, #tpu.memory_space<vmem>>
      %dma_wait3A_91 = arith.constant 0 : i32
      %dma_wait3A_92 = arith.constant 0 : i32
      %dma_wait3A_93 = tpu.memref_slice %arg20[%dma_wait3A_91, %dma_wait3A_92] : memref<10000x128xf32, #tpu.memory_space<vmem_shared>> -> memref<10000x128xf32, #tpu.memory_space<vmem_shared>>
      tpu.wait_indirect_dma semaphore(%run_scoped3A_81 : memref<!tpu.dma_semaphore, #tpu.memory_space<semaphore_mem>>) src(%arg8 : memref<80x128xf32, #tpu.memory_space<vmem>>) dst(%dma_wait3A_93 : memref<10000x128xf32, #tpu.memory_space<vmem_shared>>)
      tpu.yield
    }) : () -> ()
    %dma_wait3A_53 = arith.constant 124 : i32
    %dma_wait3A_54 = arith.constant 0 : i32
    %dma_wait3A_55 = tpu.memref_slice %arg7[%dma_wait3A_53, %dma_wait3A_54] : memref<125x80xi32, #tpu.memory_space<vmem>> -> memref<1x80xi32, #tpu.memory_space<vmem>>
    %dma_wait3A_56 = tpu.memref_squeeze %dma_wait3A_55 : memref<1x80xi32, #tpu.memory_space<vmem>> -> memref<80xi32, #tpu.memory_space<vmem>>
    %dma_wait3A_57 = arith.constant 0 : i32
    %dma_wait3A_58 = arith.constant 0 : i32
    %dma_wait3A_59 = tpu.memref_slice %arg2[%dma_wait3A_57, %dma_wait3A_58] : memref<10000x128xf32, #tpu.memory_space<hbm>> -> memref<10000x128xf32, #tpu.memory_space<hbm>>
    tpu.wait_indirect_dma semaphore(%arg15 : memref<!tpu.dma_semaphore, #tpu.memory_space<semaphore_mem>>) src(%dma_wait3A_59 : memref<10000x128xf32, #tpu.memory_space<hbm>>) dst(%arg9 : memref<80x128xf32, #tpu.memory_space<vmem>>)
    %dma_wait3A_60 = arith.constant 124 : i32
    %dma_wait3A_61 = arith.constant 0 : i32
    %dma_wait3A_62 = tpu.memref_slice %arg4[%add3A, %dma_wait3A_60, %dma_wait3A_61] : memref<32x125x80xi32, #tpu.memory_space<hbm>> -> memref<1x1x80xi32, #tpu.memory_space<hbm>>
    %dma_wait3A_63 = tpu.memref_squeeze %dma_wait3A_62 : memref<1x1x80xi32, #tpu.memory_space<hbm>> -> memref<1x80xi32, #tpu.memory_space<hbm>>
    %dma_wait3A_64 = arith.constant 124 : i32
    %dma_wait3A_65 = arith.constant 0 : i32
    %dma_wait3A_66 = tpu.memref_slice %arg4[%add3A, %dma_wait3A_64, %dma_wait3A_65] : memref<32x125x80xi32, #tpu.memory_space<hbm>> -> memref<1x1x80xi32, #tpu.memory_space<hbm>>
    %dma_wait3A_67 = tpu.memref_squeeze %dma_wait3A_66 : memref<1x1x80xi32, #tpu.memory_space<hbm>> -> memref<1x80xi32, #tpu.memory_space<hbm>>
    tpu.wait_dma2 semaphore(%arg18 : memref<!tpu.dma_semaphore, #tpu.memory_space<semaphore_mem>>) src(%dma_wait3A_67 : memref<1x80xi32, #tpu.memory_space<hbm>>) dst(%arg12 : memref<1x80xi32, #tpu.memory_space<vmem>>)
    %run_scoped3A_68 = arith.constant 0 : i32
    "tpu.region"() ({
      %run_scoped3A_81 = tpu.sem_alloc : memref<!tpu.dma_semaphore, #tpu.memory_space<semaphore_mem>>
      %dma_start3A_82 = arith.constant 0 : i32
      %dma_start3A_83 = tpu.memref_slice %arg12[%run_scoped3A_68, %dma_start3A_82] : memref<1x80xi32, #tpu.memory_space<vmem>> -> memref<1x80xi32, #tpu.memory_space<vmem>>
      %dma_start3A_84 = tpu.memref_squeeze %dma_start3A_83 : memref<1x80xi32, #tpu.memory_space<vmem>> -> memref<80xi32, #tpu.memory_space<vmem>>
      %dma_start3A_85 = arith.constant 0 : i32
      %dma_start3A_86 = arith.constant 0 : i32
      %dma_start3A_87 = tpu.memref_slice %arg20[%dma_start3A_85, %dma_start3A_86] : memref<10000x128xf32, #tpu.memory_space<vmem_shared>> -> memref<10000x128xf32, #tpu.memory_space<vmem_shared>>
      tpu.enqueue_indirect_dma source(%arg9 : memref<80x128xf32, #tpu.memory_space<vmem>>) target(%dma_start3A_87 : memref<10000x128xf32, #tpu.memory_space<vmem_shared>>) offsets(%dma_start3A_84 : memref<80xi32, #tpu.memory_space<vmem>>) semaphore(%run_scoped3A_81 : memref<!tpu.dma_semaphore, #tpu.memory_space<semaphore_mem>>) {add = true}
      %dma_wait3A_88 = arith.constant 0 : i32
      %dma_wait3A_89 = tpu.memref_slice %arg12[%run_scoped3A_68, %dma_wait3A_88] : memref<1x80xi32, #tpu.memory_space<vmem>> -> memref<1x80xi32, #tpu.memory_space<vmem>>
      %dma_wait3A_90 = tpu.memref_squeeze %dma_wait3A_89 : memref<1x80xi32, #tpu.memory_space<vmem>> -> memref<80xi32, #tpu.memory_space<vmem>>
      %dma_wait3A_91 = arith.constant 0 : i32
      %dma_wait3A_92 = arith.constant 0 : i32
      %dma_wait3A_93 = tpu.memref_slice %arg20[%dma_wait3A_91, %dma_wait3A_92] : memref<10000x128xf32, #tpu.memory_space<vmem_shared>> -> memref<10000x128xf32, #tpu.memory_space<vmem_shared>>
      tpu.wait_indirect_dma semaphore(%run_scoped3A_81 : memref<!tpu.dma_semaphore, #tpu.memory_space<semaphore_mem>>) src(%arg9 : memref<80x128xf32, #tpu.memory_space<vmem>>) dst(%dma_wait3A_93 : memref<10000x128xf32, #tpu.memory_space<vmem_shared>>)
      tpu.yield
    }) : () -> ()
    %barrier3A_69 = arith.constant 0 : index
    tpu.barrier barrier_id(%barrier3A_69)
    %mul3A_70 = arith.constant 10000 : i32
    %mul3A_71 = arith.muli %arg0, %mul3A_70 : i32
    %mul3A_72 = arith.constant 624 : i32
    %mul3A_73 = arith.muli %arg1, %mul3A_72 : i32
    %add3A_74 = arith.addi %mul3A_71, %mul3A_73 : i32
    %multiple_of3A_75 = tpu.assume_multiple %add3A_74, 8 : i32
    "tpu.region"() ({
      %run_scoped3A_81 = tpu.sem_alloc : memref<!tpu.dma_semaphore, #tpu.memory_space<semaphore_mem>>
      %dma_start3A_82 = arith.constant 0 : i32
      %dma_start3A_83 = tpu.memref_slice %arg6[%multiple_of3A_75, %dma_start3A_82] : memref<20000x128xf32, #tpu.memory_space<hbm>> -> memref<624x128xf32, #tpu.memory_space<hbm>>
      %dma_start3A_84 = arith.constant 0 : i32
      %dma_start3A_85 = tpu.memref_slice %arg20[%multiple_of3A, %dma_start3A_84] : memref<10000x128xf32, #tpu.memory_space<vmem_shared>> -> memref<624x128xf32, #tpu.memory_space<vmem_shared>>
      tpu.enqueue_dma source(%dma_start3A_85 : memref<624x128xf32, #tpu.memory_space<vmem_shared>>) target(%dma_start3A_83 : memref<624x128xf32, #tpu.memory_space<hbm>>) target_semaphore(%run_scoped3A_81 : memref<!tpu.dma_semaphore, #tpu.memory_space<semaphore_mem>>)
      %dma_wait3A_86 = arith.constant 0 : i32
      %dma_wait3A_87 = tpu.memref_slice %arg6[%multiple_of3A_75, %dma_wait3A_86] : memref<20000x128xf32, #tpu.memory_space<hbm>> -> memref<624x128xf32, #tpu.memory_space<hbm>>
      %dma_wait3A_88 = arith.constant 0 : i32
      %dma_wait3A_89 = tpu.memref_slice %arg20[%multiple_of3A, %dma_wait3A_88] : memref<10000x128xf32, #tpu.memory_space<vmem_shared>> -> memref<624x128xf32, #tpu.memory_space<vmem_shared>>
      tpu.wait_dma2 semaphore(%run_scoped3A_81 : memref<!tpu.dma_semaphore, #tpu.memory_space<semaphore_mem>>) src(%dma_wait3A_89 : memref<624x128xf32, #tpu.memory_space<vmem_shared>>) dst(%dma_wait3A_87 : memref<624x128xf32, #tpu.memory_space<hbm>>)
      tpu.yield
    }) : () -> ()
    %eq3A_76 = arith.constant 15 : i32
    %eq3A_77 = arith.cmpi eq, %arg1, %eq3A_76 : i32
    %convert_element_type3A_78 = arith.extui %eq3A_77 : i1 to i32
    %cond3A_79 = arith.constant 0 : i32
    %cond3A_80 = arith.cmpi ne, %convert_element_type3A_78, %cond3A_79 : i32
    scf.if %cond3A_80 {
      %mul3A_81 = arith.constant 10000 : i32
      %mul3A_82 = arith.muli %arg0, %mul3A_81 : i32
      %add3A_83 = arith.constant 9984 : i32
      %add3A_84 = arith.addi %mul3A_82, %add3A_83 : i32
      %multiple_of3A_85 = tpu.assume_multiple %add3A_84, 8 : i32
      "tpu.region"() ({
        %run_scoped3A_86 = tpu.sem_alloc : memref<!tpu.dma_semaphore, #tpu.memory_space<semaphore_mem>>
        %dma_start3A_87 = arith.constant 0 : i32
        %dma_start3A_88 = tpu.memref_slice %arg6[%multiple_of3A_85, %dma_start3A_87] : memref<20000x128xf32, #tpu.memory_space<hbm>> -> memref<16x128xf32, #tpu.memory_space<hbm>>
        %dma_start3A_89 = arith.constant 9984 : i32
        %dma_start3A_90 = arith.constant 0 : i32
        %dma_start3A_91 = tpu.memref_slice %arg20[%dma_start3A_89, %dma_start3A_90] : memref<10000x128xf32, #tpu.memory_space<vmem_shared>> -> memref<16x128xf32, #tpu.memory_space<vmem_shared>>
        tpu.enqueue_dma source(%dma_start3A_91 : memref<16x128xf32, #tpu.memory_space<vmem_shared>>) target(%dma_start3A_88 : memref<16x128xf32, #tpu.memory_space<hbm>>) target_semaphore(%run_scoped3A_86 : memref<!tpu.dma_semaphore, #tpu.memory_space<semaphore_mem>>)
        %dma_wait3A_92 = arith.constant 0 : i32
        %dma_wait3A_93 = tpu.memref_slice %arg6[%multiple_of3A_85, %dma_wait3A_92] : memref<20000x128xf32, #tpu.memory_space<hbm>> -> memref<16x128xf32, #tpu.memory_space<hbm>>
        %dma_wait3A_94 = arith.constant 9984 : i32
        %dma_wait3A_95 = arith.constant 0 : i32
        %dma_wait3A_96 = tpu.memref_slice %arg20[%dma_wait3A_94, %dma_wait3A_95] : memref<10000x128xf32, #tpu.memory_space<vmem_shared>> -> memref<16x128xf32, #tpu.memory_space<vmem_shared>>
        tpu.wait_dma2 semaphore(%run_scoped3A_86 : memref<!tpu.dma_semaphore, #tpu.memory_space<semaphore_mem>>) src(%dma_wait3A_96 : memref<16x128xf32, #tpu.memory_space<vmem_shared>>) dst(%dma_wait3A_93 : memref<16x128xf32, #tpu.memory_space<hbm>>)
        tpu.yield
      }) : () -> ()
    } else {
    }
    return
  }
}

module attributes {stable_mosaic.version = 14 : i64} {
  func.func @_layer_body(%arg0: i32, %arg1: i32, %arg2: memref<5000x128xf32, #tpu.memory_space<vmem>>, %arg3: memref<5000x128xf32, #tpu.memory_space<vmem>>, %arg4: memref<5000x128xf32, #tpu.memory_space<vmem>>, %arg5: memref<128x128xf32, #tpu.memory_space<vmem>>, %arg6: memref<1x128xf32, #tpu.memory_space<vmem>>, %arg7: memref<128x128xf32, #tpu.memory_space<vmem>>, %arg8: memref<1x128xf32, #tpu.memory_space<vmem>>, %arg9: memref<1x128xf32, #tpu.memory_space<vmem>>, %arg10: memref<1x128xf32, #tpu.memory_space<vmem>>, %arg11: memref<5000x128xf32, #tpu.memory_space<vmem>>, %arg12: memref<10000x128xf32, #tpu.memory_space<vmem>>, %arg13: memref<2x128xf32, #tpu.memory_space<vmem>>) attributes {dimension_semantics = [#tpu.dimension_semantics<arbitrary>, #tpu.dimension_semantics<arbitrary>], iteration_bounds = array<i64: 2, 2>, scalar_prefetch = 0 : i64, scratch_operands = 2 : i64, tpu.core_type = #tpu.core_type<tc>, window_params = [{transform_indices = @transform_0, window_bounds = array<i64: 5000, 128>}, {transform_indices = @transform_1, window_bounds = array<i64: 5000, 128>}, {transform_indices = @transform_2, window_bounds = array<i64: 5000, 128>}, {pipeline_mode = #tpu.pipeline_mode<synchronous>, transform_indices = @transform_3, window_bounds = array<i64: 128, 128>}, {pipeline_mode = #tpu.pipeline_mode<synchronous>, transform_indices = @transform_4, window_bounds = array<i64: 1, 128>}, {pipeline_mode = #tpu.pipeline_mode<synchronous>, transform_indices = @transform_5, window_bounds = array<i64: 128, 128>}, {pipeline_mode = #tpu.pipeline_mode<synchronous>, transform_indices = @transform_6, window_bounds = array<i64: 1, 128>}, {pipeline_mode = #tpu.pipeline_mode<synchronous>, transform_indices = @transform_7, window_bounds = array<i64: 1, 128>}, {pipeline_mode = #tpu.pipeline_mode<synchronous>, transform_indices = @transform_8, window_bounds = array<i64: 1, 128>}, {transform_indices = @transform_9, window_bounds = array<i64: 5000, 128>}]} {
    %eq3A = arith.constant 0 : i32
    %eq3A_0 = arith.cmpi eq, %arg0, %eq3A : i32
    %convert_element_type3A = arith.extui %eq3A_0 : i1 to i32
    %cond3A = arith.constant 0 : i32
    %cond3A_1 = arith.cmpi ne, %convert_element_type3A, %cond3A : i32
    scf.if %cond3A_1 {
      %get3A = arith.constant 0 : index
      %get3A_7 = arith.constant 0 : index
      %get3A_8 = vector.load %arg2[%get3A, %get3A_7] : memref<5000x128xf32, #tpu.memory_space<vmem>>, vector<5000x128xf32>
      %get3A_9 = arith.constant 0 : index
      %get3A_10 = arith.constant 0 : index
      %get3A_11 = vector.load %arg3[%get3A_9, %get3A_10] : memref<5000x128xf32, #tpu.memory_space<vmem>>, vector<5000x128xf32>
      %add3A = arith.addf %get3A_8, %get3A_11 : vector<5000x128xf32>
      %get3A_12 = arith.constant 0 : index
      %get3A_13 = arith.constant 0 : index
      %get3A_14 = vector.load %arg4[%get3A_12, %get3A_13] : memref<5000x128xf32, #tpu.memory_space<vmem>>, vector<5000x128xf32>
      %add3A_15 = arith.addf %add3A, %get3A_14 : vector<5000x128xf32>
      %get3A_16 = arith.constant 0 : index
      %get3A_17 = arith.constant 0 : index
      %get3A_18 = vector.load %arg5[%get3A_16, %get3A_17] : memref<128x128xf32, #tpu.memory_space<vmem>>, vector<128x128xf32>
      %dot_general3A = arith.constant dense<0.000000e+00> : vector<5000x128xf32>
      %dot_general3A_19 = tpu.matmul %add3A_15, %get3A_18, %dot_general3A {dimension_numbers = #tpu.dot_dimension_numbers<[1], [0], [0], [1], [0, 0, 1, 1], [], []>, transpose_lhs_hint = false} : vector<5000x128xf32>, vector<128x128xf32>, vector<5000x128xf32> -> vector<5000x128xf32>
      %get3A_20 = arith.constant 0 : index
      %get3A_21 = arith.constant 0 : index
      %get3A_22 = vector.load %arg6[%get3A_20, %get3A_21] : memref<1x128xf32, #tpu.memory_space<vmem>>, vector<1x128xf32>
      %add3A_23 = vector.broadcast %get3A_22 : vector<1x128xf32> to vector<5000x128xf32>
      %add3A_24 = arith.addf %dot_general3A_19, %add3A_23 : vector<5000x128xf32>
      %max3A = arith.constant 0.000000e+00 : f32
      %max3A_25 = vector.broadcast %max3A : f32 to vector<5000x128xf32>
      %max3A_26 = arith.maximumf %add3A_24, %max3A_25 : vector<5000x128xf32>
      %get3A_27 = arith.constant 0 : index
      %get3A_28 = arith.constant 0 : index
      %get3A_29 = vector.load %arg7[%get3A_27, %get3A_28] : memref<128x128xf32, #tpu.memory_space<vmem>>, vector<128x128xf32>
      %dot_general3A_30 = arith.constant dense<0.000000e+00> : vector<5000x128xf32>
      %dot_general3A_31 = tpu.matmul %max3A_26, %get3A_29, %dot_general3A_30 {dimension_numbers = #tpu.dot_dimension_numbers<[1], [0], [0], [1], [0, 0, 1, 1], [], []>, transpose_lhs_hint = false} : vector<5000x128xf32>, vector<128x128xf32>, vector<5000x128xf32> -> vector<5000x128xf32>
      %get3A_32 = arith.constant 0 : index
      %get3A_33 = arith.constant 0 : index
      %get3A_34 = vector.load %arg8[%get3A_32, %get3A_33] : memref<1x128xf32, #tpu.memory_space<vmem>>, vector<1x128xf32>
      %add3A_35 = vector.broadcast %get3A_34 : vector<1x128xf32> to vector<5000x128xf32>
      %add3A_36 = arith.addf %dot_general3A_31, %add3A_35 : vector<5000x128xf32>
      %mul3A = arith.constant 5000 : i32
      %mul3A_37 = arith.muli %arg1, %mul3A : i32
      %swap3A = arith.index_cast %mul3A_37 : i32 to index
      %swap3A_38 = arith.constant 0 : index
      %swap3A_39 = vector.load %arg12[%swap3A, %swap3A_38] : memref<10000x128xf32, #tpu.memory_space<vmem>>, vector<5000x128xf32>
      tpu.vector_store %arg12[%swap3A, %swap3A_38], %add3A_36 {strides = array<i32>} : memref<10000x128xf32, #tpu.memory_space<vmem>>, vector<5000x128xf32>,
      %reduce_sum3A = arith.constant dense<0.000000e+00> : vector<128xf32>
      %reduce_sum3A_40 = vector.multi_reduction <add>, %add3A_36, %reduce_sum3A [0] : vector<5000x128xf32> to vector<128xf32>
      %broadcast_in_dim3A = vector.shape_cast %reduce_sum3A_40 : vector<128xf32> to vector<1x128xf32>
      %mul3A_41 = arith.mulf %add3A_36, %add3A_36 : vector<5000x128xf32>
      %reduce_sum3A_42 = arith.constant dense<0.000000e+00> : vector<128xf32>
      %reduce_sum3A_43 = vector.multi_reduction <add>, %mul3A_41, %reduce_sum3A_42 [0] : vector<5000x128xf32> to vector<128xf32>
      %broadcast_in_dim3A_44 = vector.shape_cast %reduce_sum3A_43 : vector<128xf32> to vector<1x128xf32>
      %concatenate3A = tpu.concatenate %broadcast_in_dim3A, %broadcast_in_dim3A_44 in 0 : vector<1x128xf32>, vector<1x128xf32> -> vector<2x128xf32>
      %eq3A_45 = arith.constant 0 : i32
      %eq3A_46 = arith.cmpi eq, %arg1, %eq3A_45 : i32
      %convert_element_type3A_47 = arith.extui %eq3A_46 : i1 to i32
      %cond3A_48 = arith.constant 0 : i32
      %cond3A_49 = arith.cmpi ne, %convert_element_type3A_47, %cond3A_48 : i32
      scf.if %cond3A_49 {
        %swap3A_54 = arith.constant 0 : index
        %swap3A_55 = arith.constant 0 : index
        %swap3A_56 = vector.load %arg13[%swap3A_54, %swap3A_55] : memref<2x128xf32, #tpu.memory_space<vmem>>, vector<2x128xf32>
        tpu.vector_store %arg13[%swap3A_54, %swap3A_55], %concatenate3A {strides = array<i32>} : memref<2x128xf32, #tpu.memory_space<vmem>>, vector<2x128xf32>,
      } else {
      }
      %gt3A = arith.constant 0 : i32
      %gt3A_50 = arith.cmpi sgt, %arg1, %gt3A : i32
      %convert_element_type3A_51 = arith.extui %gt3A_50 : i1 to i32
      %cond3A_52 = arith.constant 0 : i32
      %cond3A_53 = arith.cmpi ne, %convert_element_type3A_51, %cond3A_52 : i32
      scf.if %cond3A_53 {
        %get3A_54 = arith.constant 0 : index
        %get3A_55 = arith.constant 0 : index
        %get3A_56 = vector.load %arg13[%get3A_54, %get3A_55] : memref<2x128xf32, #tpu.memory_space<vmem>>, vector<2x128xf32>
        %add3A_57 = arith.addf %get3A_56, %concatenate3A : vector<2x128xf32>
        %swap3A_58 = arith.constant 0 : index
        %swap3A_59 = arith.constant 0 : index
        %swap3A_60 = vector.load %arg13[%swap3A_58, %swap3A_59] : memref<2x128xf32, #tpu.memory_space<vmem>>, vector<2x128xf32>
        tpu.vector_store %arg13[%swap3A_58, %swap3A_59], %add3A_57 {strides = array<i32>} : memref<2x128xf32, #tpu.memory_space<vmem>>, vector<2x128xf32>,
      } else {
      }
    } else {
    }
    %eq3A_2 = arith.constant 1 : i32
    %eq3A_3 = arith.cmpi eq, %arg0, %eq3A_2 : i32
    %convert_element_type3A_4 = arith.extui %eq3A_3 : i1 to i32
    %cond3A_5 = arith.constant 0 : i32
    %cond3A_6 = arith.cmpi ne, %convert_element_type3A_4, %cond3A_5 : i32
    scf.if %cond3A_6 {
      %get3A = arith.constant 0 : index
      %get3A_7 = arith.constant 0 : index
      %get3A_8 = vector.load %arg13[%get3A, %get3A_7] : memref<2x128xf32, #tpu.memory_space<vmem>>, vector<1x128xf32>
      %mul3A = arith.constant 9.99999974E-5 : f32
      %mul3A_9 = vector.broadcast %mul3A : f32 to vector<1x128xf32>
      %mul3A_10 = arith.mulf %get3A_8, %mul3A_9 : vector<1x128xf32>
      %get3A_11 = arith.constant 1 : index
      %get3A_12 = arith.constant 0 : index
      %get3A_13 = vector.load %arg13[%get3A_11, %get3A_12] : memref<2x128xf32, #tpu.memory_space<vmem>>, vector<1x128xf32>
      %mul3A_14 = arith.constant 9.99999974E-5 : f32
      %mul3A_15 = vector.broadcast %mul3A_14 : f32 to vector<1x128xf32>
      %mul3A_16 = arith.mulf %get3A_13, %mul3A_15 : vector<1x128xf32>
      %mul3A_17 = arith.mulf %mul3A_10, %mul3A_10 : vector<1x128xf32>
      %sub3A = arith.subf %mul3A_16, %mul3A_17 : vector<1x128xf32>
      %max3A = arith.constant 0.000000e+00 : f32
      %max3A_18 = vector.broadcast %max3A : f32 to vector<1x128xf32>
      %max3A_19 = arith.maximumf %sub3A, %max3A_18 : vector<1x128xf32>
      %add3A = arith.constant 9.99999974E-6 : f32
      %add3A_20 = vector.broadcast %add3A : f32 to vector<1x128xf32>
      %add3A_21 = arith.addf %max3A_19, %add3A_20 : vector<1x128xf32>
      %rsqrt3A = math.rsqrt %add3A_21 : vector<1x128xf32>
      %mul3A_22 = arith.constant 5000 : i32
      %mul3A_23 = arith.muli %arg1, %mul3A_22 : i32
      %get3A_24 = arith.index_cast %mul3A_23 : i32 to index
      %get3A_25 = arith.constant 0 : index
      %get3A_26 = vector.load %arg12[%get3A_24, %get3A_25] : memref<10000x128xf32, #tpu.memory_space<vmem>>, vector<5000x128xf32>
      %sub3A_27 = vector.broadcast %mul3A_10 : vector<1x128xf32> to vector<5000x128xf32>
      %sub3A_28 = arith.subf %get3A_26, %sub3A_27 : vector<5000x128xf32>
      %get3A_29 = arith.constant 0 : index
      %get3A_30 = arith.constant 0 : index
      %get3A_31 = vector.load %arg9[%get3A_29, %get3A_30] : memref<1x128xf32, #tpu.memory_space<vmem>>, vector<1x128xf32>
      %mul3A_32 = arith.mulf %rsqrt3A, %get3A_31 : vector<1x128xf32>
      %mul3A_33 = vector.broadcast %mul3A_32 : vector<1x128xf32> to vector<5000x128xf32>
      %mul3A_34 = arith.mulf %sub3A_28, %mul3A_33 : vector<5000x128xf32>
      %get3A_35 = arith.constant 0 : index
      %get3A_36 = arith.constant 0 : index
      %get3A_37 = vector.load %arg10[%get3A_35, %get3A_36] : memref<1x128xf32, #tpu.memory_space<vmem>>, vector<1x128xf32>
      %add3A_38 = vector.broadcast %get3A_37 : vector<1x128xf32> to vector<5000x128xf32>
      %add3A_39 = arith.addf %mul3A_34, %add3A_38 : vector<5000x128xf32>
      %max3A_40 = arith.constant 0.000000e+00 : f32
      %max3A_41 = vector.broadcast %max3A_40 : f32 to vector<5000x128xf32>
      %max3A_42 = arith.maximumf %add3A_39, %max3A_41 : vector<5000x128xf32>
      %swap3A = arith.constant 0 : index
      %swap3A_43 = arith.constant 0 : index
      %swap3A_44 = vector.load %arg11[%swap3A, %swap3A_43] : memref<5000x128xf32, #tpu.memory_space<vmem>>, vector<5000x128xf32>
      tpu.vector_store %arg11[%swap3A, %swap3A_43], %max3A_42 {strides = array<i32>} : memref<5000x128xf32, #tpu.memory_space<vmem>>, vector<5000x128xf32>,
    } else {
    }
    return
  }
  func.func @transform_0(%arg0: i32, %arg1: i32) -> (i32, i32) {
    %sub3A = arith.constant 1 : i32
    %sub3A_0 = arith.subi %sub3A, %arg0 : i32
    %mul3A = arith.muli %arg1, %sub3A_0 : i32
    %c0_i32 = arith.constant 0 : i32
    %c0_i32_1 = arith.constant 0 : i32
    return %mul3A, %c0_i32 : i32, i32
  }
  func.func @transform_1(%arg0: i32, %arg1: i32) -> (i32, i32) {
    %sub3A = arith.constant 1 : i32
    %sub3A_0 = arith.subi %sub3A, %arg0 : i32
    %mul3A = arith.muli %arg1, %sub3A_0 : i32
    %c0_i32 = arith.constant 0 : i32
    %c0_i32_1 = arith.constant 0 : i32
    return %mul3A, %c0_i32 : i32, i32
  }
  func.func @transform_2(%arg0: i32, %arg1: i32) -> (i32, i32) {
    %sub3A = arith.constant 1 : i32
    %sub3A_0 = arith.subi %sub3A, %arg0 : i32
    %mul3A = arith.muli %arg1, %sub3A_0 : i32
    %add3A = arith.constant 2 : i32
    %add3A_1 = arith.addi %mul3A, %add3A : i32
    %c0_i32 = arith.constant 0 : i32
    %c0_i32_2 = arith.constant 0 : i32
    return %add3A_1, %c0_i32 : i32, i32
  }
  func.func @transform_3(%arg0: i32, %arg1: i32) -> (i32, i32) {
    %c0_i32 = arith.constant 0 : i32
    %c0_i32_0 = arith.constant 0 : i32
    %c0_i32_1 = arith.constant 0 : i32
    return %c0_i32, %c0_i32_0 : i32, i32
  }
  func.func @transform_4(%arg0: i32, %arg1: i32) -> (i32, i32) {
    %c0_i32 = arith.constant 0 : i32
    %c0_i32_0 = arith.constant 0 : i32
    %c0_i32_1 = arith.constant 0 : i32
    return %c0_i32, %c0_i32_0 : i32, i32
  }
  func.func @transform_5(%arg0: i32, %arg1: i32) -> (i32, i32) {
    %c0_i32 = arith.constant 0 : i32
    %c0_i32_0 = arith.constant 0 : i32
    %c0_i32_1 = arith.constant 0 : i32
    return %c0_i32, %c0_i32_0 : i32, i32
  }
  func.func @transform_6(%arg0: i32, %arg1: i32) -> (i32, i32) {
    %c0_i32 = arith.constant 0 : i32
    %c0_i32_0 = arith.constant 0 : i32
    %c0_i32_1 = arith.constant 0 : i32
    return %c0_i32, %c0_i32_0 : i32, i32
  }
  func.func @transform_7(%arg0: i32, %arg1: i32) -> (i32, i32) {
    %c0_i32 = arith.constant 0 : i32
    %c0_i32_0 = arith.constant 0 : i32
    %c0_i32_1 = arith.constant 0 : i32
    return %c0_i32, %c0_i32_0 : i32, i32
  }
  func.func @transform_8(%arg0: i32, %arg1: i32) -> (i32, i32) {
    %c0_i32 = arith.constant 0 : i32
    %c0_i32_0 = arith.constant 0 : i32
    %c0_i32_1 = arith.constant 0 : i32
    return %c0_i32, %c0_i32_0 : i32, i32
  }
  func.func @transform_9(%arg0: i32, %arg1: i32) -> (i32, i32) {
    %mul3A = arith.muli %arg1, %arg0 : i32
    %c0_i32 = arith.constant 0 : i32
    %c0_i32_0 = arith.constant 0 : i32
    return %mul3A, %c0_i32 : i32, i32
  }
}

module attributes {stable_mosaic.version = 14 : i64} {
  func.func @_layer_body(%arg0: i32, %arg1: i32, %arg2: memref<5000x128xf32, #tpu.memory_space<vmem>>, %arg3: memref<5000x128xf32, #tpu.memory_space<vmem>>, %arg4: memref<5000x128xf32, #tpu.memory_space<vmem>>, %arg5: memref<128x128xf32, #tpu.memory_space<vmem>>, %arg6: memref<1x128xf32, #tpu.memory_space<vmem>>, %arg7: memref<128x128xf32, #tpu.memory_space<vmem>>, %arg8: memref<1x128xf32, #tpu.memory_space<vmem>>, %arg9: memref<1x128xf32, #tpu.memory_space<vmem>>, %arg10: memref<1x128xf32, #tpu.memory_space<vmem>>, %arg11: memref<5000x128xf32, #tpu.memory_space<vmem>>, %arg12: memref<10000x128xf32, #tpu.memory_space<vmem>>, %arg13: memref<2x128xf32, #tpu.memory_space<vmem>>) attributes {dimension_semantics = [#tpu.dimension_semantics<arbitrary>, #tpu.dimension_semantics<arbitrary>], iteration_bounds = array<i64: 2, 2>, scalar_prefetch = 0 : i64, scratch_operands = 2 : i64, tpu.core_type = #tpu.core_type<tc>, window_params = [{transform_indices = @transform_0, window_bounds = array<i64: 5000, 128>}, {transform_indices = @transform_1, window_bounds = array<i64: 5000, 128>}, {transform_indices = @transform_2, window_bounds = array<i64: 5000, 128>}, {pipeline_mode = #tpu.pipeline_mode<synchronous>, transform_indices = @transform_3, window_bounds = array<i64: 128, 128>}, {pipeline_mode = #tpu.pipeline_mode<synchronous>, transform_indices = @transform_4, window_bounds = array<i64: 1, 128>}, {pipeline_mode = #tpu.pipeline_mode<synchronous>, transform_indices = @transform_5, window_bounds = array<i64: 128, 128>}, {pipeline_mode = #tpu.pipeline_mode<synchronous>, transform_indices = @transform_6, window_bounds = array<i64: 1, 128>}, {pipeline_mode = #tpu.pipeline_mode<synchronous>, transform_indices = @transform_7, window_bounds = array<i64: 1, 128>}, {pipeline_mode = #tpu.pipeline_mode<synchronous>, transform_indices = @transform_8, window_bounds = array<i64: 1, 128>}, {transform_indices = @transform_9, window_bounds = array<i64: 5000, 128>}]} {
    %eq3A = arith.constant 0 : i32
    %eq3A_0 = arith.cmpi eq, %arg0, %eq3A : i32
    %convert_element_type3A = arith.extui %eq3A_0 : i1 to i32
    %cond3A = arith.constant 0 : i32
    %cond3A_1 = arith.cmpi ne, %convert_element_type3A, %cond3A : i32
    scf.if %cond3A_1 {
      %get3A = arith.constant 0 : index
      %get3A_7 = arith.constant 0 : index
      %get3A_8 = vector.load %arg2[%get3A, %get3A_7] : memref<5000x128xf32, #tpu.memory_space<vmem>>, vector<5000x128xf32>
      %get3A_9 = arith.constant 0 : index
      %get3A_10 = arith.constant 0 : index
      %get3A_11 = vector.load %arg3[%get3A_9, %get3A_10] : memref<5000x128xf32, #tpu.memory_space<vmem>>, vector<5000x128xf32>
      %add3A = arith.addf %get3A_8, %get3A_11 : vector<5000x128xf32>
      %get3A_12 = arith.constant 0 : index
      %get3A_13 = arith.constant 0 : index
      %get3A_14 = vector.load %arg4[%get3A_12, %get3A_13] : memref<5000x128xf32, #tpu.memory_space<vmem>>, vector<5000x128xf32>
      %add3A_15 = arith.addf %add3A, %get3A_14 : vector<5000x128xf32>
      %get3A_16 = arith.constant 0 : index
      %get3A_17 = arith.constant 0 : index
      %get3A_18 = vector.load %arg5[%get3A_16, %get3A_17] : memref<128x128xf32, #tpu.memory_space<vmem>>, vector<128x128xf32>
      %dot_general3A = arith.constant dense<0.000000e+00> : vector<5000x128xf32>
      %dot_general3A_19 = tpu.matmul %add3A_15, %get3A_18, %dot_general3A {dimension_numbers = #tpu.dot_dimension_numbers<[1], [0], [0], [1], [0, 0, 1, 1], [], []>, transpose_lhs_hint = false} : vector<5000x128xf32>, vector<128x128xf32>, vector<5000x128xf32> -> vector<5000x128xf32>
      %get3A_20 = arith.constant 0 : index
      %get3A_21 = arith.constant 0 : index
      %get3A_22 = vector.load %arg6[%get3A_20, %get3A_21] : memref<1x128xf32, #tpu.memory_space<vmem>>, vector<1x128xf32>
      %add3A_23 = vector.broadcast %get3A_22 : vector<1x128xf32> to vector<5000x128xf32>
      %add3A_24 = arith.addf %dot_general3A_19, %add3A_23 : vector<5000x128xf32>
      %max3A = arith.constant 0.000000e+00 : f32
      %max3A_25 = vector.broadcast %max3A : f32 to vector<5000x128xf32>
      %max3A_26 = arith.maximumf %add3A_24, %max3A_25 : vector<5000x128xf32>
      %get3A_27 = arith.constant 0 : index
      %get3A_28 = arith.constant 0 : index
      %get3A_29 = vector.load %arg7[%get3A_27, %get3A_28] : memref<128x128xf32, #tpu.memory_space<vmem>>, vector<128x128xf32>
      %dot_general3A_30 = arith.constant dense<0.000000e+00> : vector<5000x128xf32>
      %dot_general3A_31 = tpu.matmul %max3A_26, %get3A_29, %dot_general3A_30 {dimension_numbers = #tpu.dot_dimension_numbers<[1], [0], [0], [1], [0, 0, 1, 1], [], []>, transpose_lhs_hint = false} : vector<5000x128xf32>, vector<128x128xf32>, vector<5000x128xf32> -> vector<5000x128xf32>
      %get3A_32 = arith.constant 0 : index
      %get3A_33 = arith.constant 0 : index
      %get3A_34 = vector.load %arg8[%get3A_32, %get3A_33] : memref<1x128xf32, #tpu.memory_space<vmem>>, vector<1x128xf32>
      %add3A_35 = vector.broadcast %get3A_34 : vector<1x128xf32> to vector<5000x128xf32>
      %add3A_36 = arith.addf %dot_general3A_31, %add3A_35 : vector<5000x128xf32>
      %mul3A = arith.constant 5000 : i32
      %mul3A_37 = arith.muli %arg1, %mul3A : i32
      %swap3A = arith.index_cast %mul3A_37 : i32 to index
      %swap3A_38 = arith.constant 0 : index
      %swap3A_39 = vector.load %arg12[%swap3A, %swap3A_38] : memref<10000x128xf32, #tpu.memory_space<vmem>>, vector<5000x128xf32>
      tpu.vector_store %arg12[%swap3A, %swap3A_38], %add3A_36 {strides = array<i32>} : memref<10000x128xf32, #tpu.memory_space<vmem>>, vector<5000x128xf32>,
      %reduce_sum3A = arith.constant dense<0.000000e+00> : vector<128xf32>
      %reduce_sum3A_40 = vector.multi_reduction <add>, %add3A_36, %reduce_sum3A [0] : vector<5000x128xf32> to vector<128xf32>
      %broadcast_in_dim3A = vector.shape_cast %reduce_sum3A_40 : vector<128xf32> to vector<1x128xf32>
      %mul3A_41 = arith.mulf %add3A_36, %add3A_36 : vector<5000x128xf32>
      %reduce_sum3A_42 = arith.constant dense<0.000000e+00> : vector<128xf32>
      %reduce_sum3A_43 = vector.multi_reduction <add>, %mul3A_41, %reduce_sum3A_42 [0] : vector<5000x128xf32> to vector<128xf32>
      %broadcast_in_dim3A_44 = vector.shape_cast %reduce_sum3A_43 : vector<128xf32> to vector<1x128xf32>
      %concatenate3A = tpu.concatenate %broadcast_in_dim3A, %broadcast_in_dim3A_44 in 0 : vector<1x128xf32>, vector<1x128xf32> -> vector<2x128xf32>
      %eq3A_45 = arith.constant 0 : i32
      %eq3A_46 = arith.cmpi eq, %arg1, %eq3A_45 : i32
      %convert_element_type3A_47 = arith.extui %eq3A_46 : i1 to i32
      %cond3A_48 = arith.constant 0 : i32
      %cond3A_49 = arith.cmpi ne, %convert_element_type3A_47, %cond3A_48 : i32
      scf.if %cond3A_49 {
        %swap3A_54 = arith.constant 0 : index
        %swap3A_55 = arith.constant 0 : index
        %swap3A_56 = vector.load %arg13[%swap3A_54, %swap3A_55] : memref<2x128xf32, #tpu.memory_space<vmem>>, vector<2x128xf32>
        tpu.vector_store %arg13[%swap3A_54, %swap3A_55], %concatenate3A {strides = array<i32>} : memref<2x128xf32, #tpu.memory_space<vmem>>, vector<2x128xf32>,
      } else {
      }
      %gt3A = arith.constant 0 : i32
      %gt3A_50 = arith.cmpi sgt, %arg1, %gt3A : i32
      %convert_element_type3A_51 = arith.extui %gt3A_50 : i1 to i32
      %cond3A_52 = arith.constant 0 : i32
      %cond3A_53 = arith.cmpi ne, %convert_element_type3A_51, %cond3A_52 : i32
      scf.if %cond3A_53 {
        %get3A_54 = arith.constant 0 : index
        %get3A_55 = arith.constant 0 : index
        %get3A_56 = vector.load %arg13[%get3A_54, %get3A_55] : memref<2x128xf32, #tpu.memory_space<vmem>>, vector<2x128xf32>
        %add3A_57 = arith.addf %get3A_56, %concatenate3A : vector<2x128xf32>
        %swap3A_58 = arith.constant 0 : index
        %swap3A_59 = arith.constant 0 : index
        %swap3A_60 = vector.load %arg13[%swap3A_58, %swap3A_59] : memref<2x128xf32, #tpu.memory_space<vmem>>, vector<2x128xf32>
        tpu.vector_store %arg13[%swap3A_58, %swap3A_59], %add3A_57 {strides = array<i32>} : memref<2x128xf32, #tpu.memory_space<vmem>>, vector<2x128xf32>,
      } else {
      }
    } else {
    }
    %eq3A_2 = arith.constant 1 : i32
    %eq3A_3 = arith.cmpi eq, %arg0, %eq3A_2 : i32
    %convert_element_type3A_4 = arith.extui %eq3A_3 : i1 to i32
    %cond3A_5 = arith.constant 0 : i32
    %cond3A_6 = arith.cmpi ne, %convert_element_type3A_4, %cond3A_5 : i32
    scf.if %cond3A_6 {
      %get3A = arith.constant 0 : index
      %get3A_7 = arith.constant 0 : index
      %get3A_8 = vector.load %arg13[%get3A, %get3A_7] : memref<2x128xf32, #tpu.memory_space<vmem>>, vector<1x128xf32>
      %mul3A = arith.constant 9.99999974E-5 : f32
      %mul3A_9 = vector.broadcast %mul3A : f32 to vector<1x128xf32>
      %mul3A_10 = arith.mulf %get3A_8, %mul3A_9 : vector<1x128xf32>
      %get3A_11 = arith.constant 1 : index
      %get3A_12 = arith.constant 0 : index
      %get3A_13 = vector.load %arg13[%get3A_11, %get3A_12] : memref<2x128xf32, #tpu.memory_space<vmem>>, vector<1x128xf32>
      %mul3A_14 = arith.constant 9.99999974E-5 : f32
      %mul3A_15 = vector.broadcast %mul3A_14 : f32 to vector<1x128xf32>
      %mul3A_16 = arith.mulf %get3A_13, %mul3A_15 : vector<1x128xf32>
      %mul3A_17 = arith.mulf %mul3A_10, %mul3A_10 : vector<1x128xf32>
      %sub3A = arith.subf %mul3A_16, %mul3A_17 : vector<1x128xf32>
      %max3A = arith.constant 0.000000e+00 : f32
      %max3A_18 = vector.broadcast %max3A : f32 to vector<1x128xf32>
      %max3A_19 = arith.maximumf %sub3A, %max3A_18 : vector<1x128xf32>
      %add3A = arith.constant 9.99999974E-6 : f32
      %add3A_20 = vector.broadcast %add3A : f32 to vector<1x128xf32>
      %add3A_21 = arith.addf %max3A_19, %add3A_20 : vector<1x128xf32>
      %rsqrt3A = math.rsqrt %add3A_21 : vector<1x128xf32>
      %mul3A_22 = arith.constant 5000 : i32
      %mul3A_23 = arith.muli %arg1, %mul3A_22 : i32
      %get3A_24 = arith.index_cast %mul3A_23 : i32 to index
      %get3A_25 = arith.constant 0 : index
      %get3A_26 = vector.load %arg12[%get3A_24, %get3A_25] : memref<10000x128xf32, #tpu.memory_space<vmem>>, vector<5000x128xf32>
      %sub3A_27 = vector.broadcast %mul3A_10 : vector<1x128xf32> to vector<5000x128xf32>
      %sub3A_28 = arith.subf %get3A_26, %sub3A_27 : vector<5000x128xf32>
      %get3A_29 = arith.constant 0 : index
      %get3A_30 = arith.constant 0 : index
      %get3A_31 = vector.load %arg9[%get3A_29, %get3A_30] : memref<1x128xf32, #tpu.memory_space<vmem>>, vector<1x128xf32>
      %mul3A_32 = arith.mulf %rsqrt3A, %get3A_31 : vector<1x128xf32>
      %mul3A_33 = vector.broadcast %mul3A_32 : vector<1x128xf32> to vector<5000x128xf32>
      %mul3A_34 = arith.mulf %sub3A_28, %mul3A_33 : vector<5000x128xf32>
      %get3A_35 = arith.constant 0 : index
      %get3A_36 = arith.constant 0 : index
      %get3A_37 = vector.load %arg10[%get3A_35, %get3A_36] : memref<1x128xf32, #tpu.memory_space<vmem>>, vector<1x128xf32>
      %add3A_38 = vector.broadcast %get3A_37 : vector<1x128xf32> to vector<5000x128xf32>
      %add3A_39 = arith.addf %mul3A_34, %add3A_38 : vector<5000x128xf32>
      %max3A_40 = arith.constant 0.000000e+00 : f32
      %max3A_41 = vector.broadcast %max3A_40 : f32 to vector<5000x128xf32>
      %max3A_42 = arith.maximumf %add3A_39, %max3A_41 : vector<5000x128xf32>
      %swap3A = arith.constant 0 : index
      %swap3A_43 = arith.constant 0 : index
      %swap3A_44 = vector.load %arg11[%swap3A, %swap3A_43] : memref<5000x128xf32, #tpu.memory_space<vmem>>, vector<5000x128xf32>
      tpu.vector_store %arg11[%swap3A, %swap3A_43], %max3A_42 {strides = array<i32>} : memref<5000x128xf32, #tpu.memory_space<vmem>>, vector<5000x128xf32>,
    } else {
    }
    return
  }
  func.func @transform_0(%arg0: i32, %arg1: i32) -> (i32, i32) {
    %sub3A = arith.constant 1 : i32
    %sub3A_0 = arith.subi %sub3A, %arg0 : i32
    %mul3A = arith.muli %arg1, %sub3A_0 : i32
    %c0_i32 = arith.constant 0 : i32
    %c0_i32_1 = arith.constant 0 : i32
    return %mul3A, %c0_i32 : i32, i32
  }
  func.func @transform_1(%arg0: i32, %arg1: i32) -> (i32, i32) {
    %sub3A = arith.constant 1 : i32
    %sub3A_0 = arith.subi %sub3A, %arg0 : i32
    %mul3A = arith.muli %arg1, %sub3A_0 : i32
    %c0_i32 = arith.constant 0 : i32
    %c0_i32_1 = arith.constant 0 : i32
    return %mul3A, %c0_i32 : i32, i32
  }
  func.func @transform_2(%arg0: i32, %arg1: i32) -> (i32, i32) {
    %sub3A = arith.constant 1 : i32
    %sub3A_0 = arith.subi %sub3A, %arg0 : i32
    %mul3A = arith.muli %arg1, %sub3A_0 : i32
    %add3A = arith.constant 2 : i32
    %add3A_1 = arith.addi %mul3A, %add3A : i32
    %c0_i32 = arith.constant 0 : i32
    %c0_i32_2 = arith.constant 0 : i32
    return %add3A_1, %c0_i32 : i32, i32
  }
  func.func @transform_3(%arg0: i32, %arg1: i32) -> (i32, i32) {
    %c0_i32 = arith.constant 0 : i32
    %c0_i32_0 = arith.constant 0 : i32
    %c0_i32_1 = arith.constant 0 : i32
    return %c0_i32, %c0_i32_0 : i32, i32
  }
  func.func @transform_4(%arg0: i32, %arg1: i32) -> (i32, i32) {
    %c0_i32 = arith.constant 0 : i32
    %c0_i32_0 = arith.constant 0 : i32
    %c0_i32_1 = arith.constant 0 : i32
    return %c0_i32, %c0_i32_0 : i32, i32
  }
  func.func @transform_5(%arg0: i32, %arg1: i32) -> (i32, i32) {
    %c0_i32 = arith.constant 0 : i32
    %c0_i32_0 = arith.constant 0 : i32
    %c0_i32_1 = arith.constant 0 : i32
    return %c0_i32, %c0_i32_0 : i32, i32
  }
  func.func @transform_6(%arg0: i32, %arg1: i32) -> (i32, i32) {
    %c0_i32 = arith.constant 0 : i32
    %c0_i32_0 = arith.constant 0 : i32
    %c0_i32_1 = arith.constant 0 : i32
    return %c0_i32, %c0_i32_0 : i32, i32
  }
  func.func @transform_7(%arg0: i32, %arg1: i32) -> (i32, i32) {
    %c0_i32 = arith.constant 0 : i32
    %c0_i32_0 = arith.constant 0 : i32
    %c0_i32_1 = arith.constant 0 : i32
    return %c0_i32, %c0_i32_0 : i32, i32
  }
  func.func @transform_8(%arg0: i32, %arg1: i32) -> (i32, i32) {
    %c0_i32 = arith.constant 0 : i32
    %c0_i32_0 = arith.constant 0 : i32
    %c0_i32_1 = arith.constant 0 : i32
    return %c0_i32, %c0_i32_0 : i32, i32
  }
  func.func @transform_9(%arg0: i32, %arg1: i32) -> (i32, i32) {
    %mul3A = arith.muli %arg1, %arg0 : i32
    %c0_i32 = arith.constant 0 : i32
    %c0_i32_0 = arith.constant 0 : i32
    return %mul3A, %c0_i32 : i32, i32
  }
}

</mosaic_0001>

<sc_bundles>
// kernel: kernel.11.cloned.1.call-start
scs
__scs_entry_jumppad:
0x0: {  	(pc) =	sbr.rel $0x88, $3  }
0x1: {  	(tag) =	ssettag $0x0;
	lr =	simm.s32 $0x1  }
0x2: {  	[smem:$0x3F99] =	sst lr;
	_ =	strace $0xD0000000  }
0x3: {  	_ = 	snop  }
0x4: {  	_ = 	snop  }
0x5: {  	_ = 	snop  }
0x6: {  	_ = 	snop  }
0x7: {  	_ = 	snop  }
__scs_overlays_trampoline_lowered:
0x8: {  	[smem:$0x3FA8] =	sst s0  }
0x9: {  	[smem:$0x3FA9] =	sst s1  }
0xa: {  	[smem:$0x3FAA] =	sst s2  }
0xb: {  	[smem:$0x3FAB] =	sst s3  }
0xc: {  	[smem:$0x3FAC] =	sst s4  }
0xd: {  	[smem:$0x3FAD] =	sst s5  }
0xe: {  	[smem:$0x3FAE] =	sst s6  }
0xf: {  	[smem:$0x3FAF] =	sst s7  }
0x10: {  	[smem:$0x3FB0] =	sst s8  }
0x11: {  	[smem:$0x3FB1] =	sst s9;
	s0 =	simm.s32 @!p0 $0x0  }
0x12: {  	s1 =	sld [smem:$0x3F97];
	s0 =	simm.s32 @p0 $0x1  }
0x13: {  	[smem:$0x3FB2] =	sst s0;
	s0 =	simm.s32 @!p1 $0x0  }
0x14: {  	s2 =	sld [smem:$0x3F96];
	s0 =	simm.s32 @p1 $0x1  }
0x15: {  	[smem:$0x3FB3] =	sst s0;
	s0 =	simm.s32 @!p2 $0x0  }
0x16: {  	s3 =	sld [smem:$0x3FDB];
	s0 =	simm.s32 @p2 $0x1  }
0x17: {  	s4 =	simm.s32 $0x1BF5;
	[smem:$0x3FB5] =	sst s0  }
0x18: {  	s0 =	sld [smem:$0x3F98];
	_ =	swait.ge [sflag:s4], $0x0  }
0x19: {  	s7 =	sld [smem:$0x3F99]  }
0x1a: {  	s8 =	sadd.s32 $0xFFFFE003, lr  }
0x1b: {  	s9 =	sadd.s32 $0xFFFFFEF7, lr;
	s5 =	simm.s32 $0xFFFFFFFF;
	p2 =	slt.u32 s8, $0xFFFFF086  }
0x1c: {  	p1 =	slt.u32 s9, $0xF7A;
	s5 =	simm.s32 @!p2 $0x0  }
0x1d: {  	s5 =	simm.s32 @p1 $0x1;
	p0 =	seq.s32 s7, s2  }
0x1e: {  	s7 =	smul.u32 @!p0 $0xF7A, s2;
	p2 =	seq.s32 @!p0 s5, $0x0  }
0x1f: {  	s9 =	smul.u32 $0xF7A, s1;
	s8 =	simm.s32 @!p0 $0x1BF5;
	p2 =	por !p2, p0  }
0x20: {  	[sflag:s8] =	ssyncset.s32 @!p0 $0xFFFFF086;
	s6 =	sadd.s32 @!p0 s3, s7;
	s7 =	simm.s32 @!p0 $0x108  }
0x21: {  	s3 =	sadd.s32 s3, s9;
	s6 =	sadd.s32 @!p0 $0x88, s6;
	s7 =	simm.s32 @p2 $0x1082  }
0x22: {  	[simem:s7], [sflag:s8] =	dma.local @!p0 [hbm:s6], $0xF7A  }
0x23: {  	s9 =	sor.u32 $0xD0000000, s2;
	s6 =	simm.s32 $0x108;
	_ =	swait.ge @!p0 [sflag:s8], $0x0  }
0x24: {  	s3 =	sadd.s32 $0x88, s3;
	s6 =	simm.s32 @!p1 $0x1082;
	[sflag:s4] =	ssyncset.s32 $0xFFFFF086  }
0x25: {  	[simem:s6], [sflag:s4] =	dma.local [hbm:s3], $0xF7A  }
0x26: {  	[smem:$0x3F99] =	sst s1;
	(tag) =	ssettag s2;
	_ =	strace s9  }
0x27: {  	s1 =	sld [smem:$0x3FA9]  }
0x28: {  	s2 =	sld [smem:$0x3FAA]  }
0x29: {  	s4 =	sld [smem:$0x3FAC]  }
0x2a: {  	p0 =	seq.s32 s5, $0x0;
	s5 =	sld [smem:$0x3FAD]  }
0x2b: {  	s6 =	sld [smem:$0x3FAE]  }
0x2c: {  	s7 =	sld [smem:$0x3FAF]  }
0x2d: {  	s3 =	simm.s32 $0x108;
	s8 =	sld [smem:$0x3FB0]  }
0x2e: {  	s3 =	simm.s32 @!p0 $0x1082;
	s9 =	sld [smem:$0x3FB1]  }
0x2f: {  	lr =	sadd.s32 s0, s3;
	s0 =	sld [smem:$0x3FA8]  }
0x30: {  	s3 =	sld [smem:$0x3FAB]  }
0x31: {  	[smem:$0x3FB4] =	sst s10  }
0x32: {  	s10 =	sld [smem:$0x3FB2];
	_ =	sdelay $0x3  }
0x33: {  	p0 =	seq.s32 s10, $0x1;
	s10 =	sld [smem:$0x3FB4];
	_ =	sdelay $0x3  }
0x34: {  	[smem:$0x3FB4] =	sst s10  }
0x35: {  	s10 =	sld [smem:$0x3FB3];
	_ =	sdelay $0x3  }
0x36: {  	p1 =	seq.s32 s10, $0x1;
	s10 =	sld [smem:$0x3FB4];
	_ =	sdelay $0x3  }
0x37: {  	[smem:$0x3FB4] =	sst s10  }
0x38: {  	s10 =	sld [smem:$0x3FB5]  }
0x39: {  	_ = 	snop;
	(pc) =	sbr.ind lr, $3  }
0x3a: {  	_ = 	snop  }
0x3b: {  	_ = 	snop  }
0x3c: {  	p2 =	seq.s32 s10, $0x1;
	s10 =	sld [smem:$0x3FB4]  }
0x3d: {  	_ =	shalt  }
0x3e: {  	_ =	shalt  }
0x3f: {  	_ =	shalt  }
0x40: {  	_ =	shalt  }
0x41: {  	_ =	shalt  }
0x42: {  	_ =	shalt  }
0x43: {  	_ =	shalt  }
0x44: {  	_ =	shalt  }
0x45: {  	_ =	shalt  }
0x46: {  	_ =	shalt  }
0x47: {  	_ =	shalt  }
0x48: {  	_ =	shalt  }
0x49: {  	_ =	shalt  }
0x4a: {  	_ =	shalt  }
0x4b: {  	_ =	shalt  }
0x4c: {  	_ =	shalt  }
0x4d: {  	_ =	shalt  }
0x4e: {  	_ =	shalt  }
0x4f: {  	_ =	shalt  }
0x50: {  	_ =	shalt  }
0x51: {  	_ =	shalt  }
0x52: {  	_ =	shalt  }
0x53: {  	_ =	shalt  }
0x54: {  	_ =	shalt  }
0x55: {  	_ =	shalt  }
0x56: {  	_ =	shalt  }
0x57: {  	_ =	shalt  }
0x58: {  	_ =	shalt  }
0x59: {  	_ =	shalt  }
0x5a: {  	_ =	shalt  }
0x5b: {  	_ =	shalt  }
0x5c: {  	_ =	shalt  }
0x5d: {  	_ =	shalt  }
0x5e: {  	_ =	shalt  }
0x5f: {  	_ =	shalt  }
0x60: {  	_ =	shalt  }
0x61: {  	_ =	shalt  }
0x62: {  	_ =	shalt  }
0x63: {  	_ =	shalt  }
0x64: {  	_ =	shalt  }
0x65: {  	_ =	shalt  }
0x66: {  	_ =	shalt  }
0x67: {  	_ =	shalt  }
0x68: {  	_ =	shalt  }
0x69: {  	_ =	shalt  }
0x6a: {  	_ =	shalt  }
0x6b: {  	_ =	shalt  }
0x6c: {  	_ =	shalt  }
0x6d: {  	_ =	shalt  }
0x6e: {  	_ =	shalt  }
0x6f: {  	_ =	shalt  }
0x70: {  	_ =	shalt  }
0x71: {  	_ =	shalt  }
0x72: {  	_ =	shalt  }
0x73: {  	_ =	shalt  }
0x74: {  	_ =	shalt  }
0x75: {  	_ =	shalt  }
0x76: {  	_ =	shalt  }
0x77: {  	_ =	shalt  }
0x78: {  	_ =	shalt  }
0x79: {  	_ =	shalt  }
0x7a: {  	_ =	shalt  }
0x7b: {  	_ =	shalt  }
0x7c: {  	_ =	shalt  }
0x7d: {  	_ =	shalt  }
0x7e: {  	_ =	shalt  }
0x7f: {  	_ =	shalt  }
0x80: {  	_ =	shalt  }
0x81: {  	_ =	shalt  }
0x82: {  	_ =	shalt  }
0x83: {  	_ =	shalt  }
0x84: {  	_ =	shalt  }
0x85: {  	_ =	shalt  }
0x86: {  	_ =	shalt  }
0x87: {  	_ =	shalt  }
.Lfunc_end0:
.L_simem_size_0:
called_computation.1_lowered:
.L_overlay_start_0:
0x88: {  	s2 =	sld [smem:$0x3FD9]  }
0x89: {  	s3 =	sld [smem:$0x3FFE];
	_ =	sdelay $0x1  }
0x8a: {  	s1 =	srdreg.scid  }
0x8b: {  	s0 =	sand.u32 $0x1, s1  }
0x8c: {  	s17 =	sshll.u32 s0, $0xA;
	s2 =	sadd.s32 s3, s2  }
0x8d: {  	s2 =	sadd.s32 s2, s17  }
0x8e: {  	[smem:$0x3FC0] =	sst s2  }
0x8f: {  	_ = 	snop  }
0x90: {  	s2 =	sld [smem:$0x3FD0];
	(tm) =	ssettm $0x1  }
0x91: {  	s18 =	sld [smem:$0x3FFB];
	_ =	sdelay $0x3  }
0x92: {  	_ =	strace s18  }
0x93: {  	s3 =	sld [smem:$0x3FFC];
	_ =	sdelay $0x3  }
0x94: {  	_ =	strace s3  }
0x95: {  	s3 =	sld [smem:$0x3FFD];
	_ =	sdelay $0x3  }
0x96: {  	_ =	strace s3  }
0x97: {  	_ =	strace $0x8FFFFFFF  }
0x98: {  	s19 =	sld [smem:$0x3FDB];
	_ =	sdelay $0x1  }
0x99: {  	s4 =	simm.s32 $_scs_section_size  }
0x9a: {  	s5 =	simm.s32 $_size__tile_overlayer_lowered;
	s6 =	simm.s32 $_tile_overlayer_lowered  }
0x9b: {  	s22 =	simm.s32 $0x1BFF;
	s21 =	sshll.u32 s6, $0x1;
	s3 =	sadd.s32 s4, s19  }
0x9c: {  	s7 =	simm.s32 $0x0;
	s20 =	sshll.u32 s5, $0x1;
	s5 =	sadd.s32 s21, s3  }
0x9d: {  	[timem:s7], [sflag:s22] =	dma.local [hbm:s5], s20  }
0x9e: {  	_ =	swait.ge [sflag:s22], s20  }
0x9f: {  	s4 =	ssub.s32 $0x0, s20;
	[sflag:s22] =	ssyncset.done $0x0  }
0xa0: {  	[sflag:s22] =	ssyncadd.s32 s4;
	_ =	sdelay $0x1  }
0xa1: {  	s23 =	simm.s32 $0x1B8B  }
0xa2: {  	_ =	swait.ge [sflag:s23], $0x1  }
0xa3: {  	[sflag:s23] =	ssyncset.done $0x0  }
0xa4: {  	s25 =	simm.s32 $0x1B8E;
	s24 =	sld [smem:$0x3FFE];
	[sflag:s23] =	ssyncadd.s32 $0xFFFFFFFF  }
0xa5: {  	s26 =	simm.s32 $execute0_lowered;
	[smem:$0x3FD2] =	sst s25  }
0xa6: {  	s5 =	sshll.u32 s26, $0x1;
	_ =	strace $0x80000049;
	[dreg:$0x1] =	wrdreg $0xFFFFFFFF  }
0xa7: {  	s28 =	simm.s32 $_size_execute0_lowered;
	s3 =	sadd.s32 s3, s5;
	[dreg:$0x0] =	wrdreg $0x0  }
0xa8: {  	s5 =	sshll.u32 s28, $0x1;
	[dreg:$0x2] =	wrdreg s3  }
0xa9: {  	[dreg:$0x3] =	wrdreg s5  }
0xaa: {  	[dreg:$0x4] =	wrdreg $0xC0  }
0xab: {  	_ =	task [dreg:s7], $0x5FFFF  }
0xac: {  	[dreg:$0x1] =	wrdreg $0xFFFFFFFF  }
0xad: {  	[dreg:$0x0] =	wrdreg $0x60  }
0xae: {  	[dreg:$0x2] =	wrdreg s2  }
0xaf: {  	[dreg:$0x3] =	wrdreg s24  }
0xb0: {  	[dreg:$0x4] =	wrdreg $0xB9800  }
0xb1: {  	[dreg:$0x5] =	wrdreg $0x9  }
0xb2: {  	_ =	task.clear_ibuf [dreg:s7], $0x6FFFF;
	_ =	strace $0x90000049  }
0xb3: {  	s29 =	simm.s32 $0x9;
	_ =	strace $0x8000004B  }
0xb4: {  	_ =	swait.ge [sflag:s29], $0x1  }
0xb5: {  	[sflag:s29] =	ssyncadd.s32 $0xFFFFFFFF  }
0xb6: {  	_ =	strace $0x9000004B  }
0xb7: {  	_ =	sfence  }
0xb8: {  	s30 =	sld [smem:$0x0];
	_ =	sdelay $0x2  }
0xb9: {  	s31 =	sshll.u32 s1, $0xD;
	s1 =	sshrl.u32 s1, $0x2  }
0xba: {  	s3 =	sand.u32 $0x4000, s31;
	s1 =	sadd.s32 s1, s30  }
0xbb: {  	s0 =	sor.u32 s3, s0;
	s1 =	sshll.u32 s1, $0x11  }
0xbc: {  	s0 =	sor.u32 s1, s0  }
0xbd: {  	s0 =	sadd.s32 $0x8F2B, s0  }
0xbe: {  	[sflag:s0] =	ssyncadd.remote.s32 $0x1  }
0xbf: {  	_ =	sfence.sel $0xFFFF  }
0xc0: {  	[dreg:$0x0] =	wrdreg $0xFFFFFFFF;
	(pc) =	sbr.abs _section_cstart, $3  }
0xc1: {  	[dreg:$0x1] =	wrdreg $0xFFFFFFFF  }
0xc2: {  	_ =	task.clear_ibuf [dreg:s7], $0x2FFFF;
	_ =	strace $0x9FFFFFFF  }
0xc3: {  	(tm) =	ssettm $0x7FFFFFFF  }
tec
execute0_lowered:
.L_overlay_start_1:
0x0: {  	(tag) =	ssettag $0x1  }
0x1: {  	s1 =	rddreg [dreg:$0x0]  }
0x2: {  	s0 =	srdreg.scid;
	s2 =	rddreg [dreg:$0x1]  }
0x3: {  	s7 =	stileid.u32;
	s3 =	rddreg [dreg:$0x2];
	s4 =	simm.s32 $0x0  }
0x4: {  	s16 =	simm.s32 $0x7;
	s18 =	simm.s32 $0x50;
	s19 =	simm.s32 $0x4000  }
0x5: {  	s28 =	simm.s32 $0x4;
	s29 =	simm.s32 $0x2;
	s30 =	simm.s32 $0x5  }
0x6: {  	s31 =	simm.s32 $0x3;
	s0 =	sand.u32 $0x1, s0;
	s6 =	sshll.u32 s7, $0xE  }
0x7: {  	[smem:$0x7FF] =	sst s4;
	s8 =	sadd.s32 $0x22C00, s2;
	s11 =	smul.u32 $0x4E000, s7  }
0x8: {  	s13 =	smul.u32 $0x2700, s7;
	s23 =	sshll.u32 s7, $0x6;
	s17 =	sadd.s32 $0x138000, s3  }
0x9: {  	p0 =	sne.s32 s7, $0xF;
	s5 =	sshll.u32 s0, $0x12;
	_ =	strace $0x8000004A  }
0xa: {  	[dreg:$0x4] =	wrdreg s8;
	s20 =	ssub.s32 $0x2, s0;
	s22 =	smul.u32 $0x27100, s0  }
0xb: {  	s0 =	smul.u32 $0x138800, s0;
	s8 =	sor.u32 $0x1C07, s23;
	s17 =	sshrl.u32 @!p0 s17, $0x3  }
0xc: {  	s23 =	simm.s32 $0xB880;
	s5 =	sor.u32 s6, s5;
	s6 =	sadd.s32 $0x2C00, s2  }
0xd: {  	s12 =	sshrl.u32 s20, $0x1;
	s21 =	sshrl.u32 s11, $0x2;
	s9 =	sshrl.u32 s5, $0x3  }
0xe: {  	s12 =	ssub.s32 s20, s12;
	s14 =	sadd.s32 s21, s3;
	s25 =	sadd.s32 s13, s22  }
0xf: {  	s0 =	sshrl.u32 s0, $0x3;
	s20 =	simm.s32 $0xB800;
	s22 =	simm.s32 $0x6800  }
0x10: {  	s10 =	sadd.s32 s9, s2;
	s2 =	sadd.s32 $0x25400, s2;
	s24 =	sadd.s32 s6, s9  }
0x11: {  	s26 =	smax.u32 s12, $0x1;
	s15 =	sshrl.u32 s14, $0x3;
	[dreg:$0x6] =	wrdreg s24  }
0x12: {  	s10 =	sadd.s32 $0x12C00, s10;
	s9 =	sadd.s32 s2, s25;
	[dreg:$0xa] =	wrdreg s26  }
0x13: {  	s0 =	sadd.s32 s2, s0;
	s25 =	simm.s32 $0xB900;
	[dreg:$0x5] =	wrdreg s10  }
0x14: {  	s26 =	simm.s32 $0x1;
	s10 =	sadd.s32 $0x10, s24;
	[dreg:$0x8] =	wrdreg s9  }
0x15: {  	s2 =	simm.s32 $0x6;
	s0 =	sadd.s32 $0x27000, s0;
	[dreg:$0x7] =	wrdreg s10  }
0x16: {  	s24 =	simm.s32 $0x9000;
	[dreg:$0x9] =	wrdreg s0;
	s0 =	simm.s32 $0x0  }
.LBB2_1:
0x17: {  	s7 =	rddreg [dreg:$0x4]  }
0x18: {  	[spmem:s15], [sflag:s8] =	dma.local [hbm:s7], $0x2700  }
0x19: {  	_ =	swait.ge [sflag:s16], $0x2700  }
0x1a: {  	[sflag:s16] =	ssyncset.done $0x0  }
0x1b: {  	s9 =	simm.s32 @!p0 $0x7;
	[sflag:s16] =	ssyncadd.s32 $0xFFFFD900  }
0x1c: {  	[spmem:s17], [sflag:s8] =	dma.local @!p0 [hbm:s7], $0x100  }
0x1d: {  	_ =	swait.ge @!p0 [sflag:s9], $0x100  }
0x1e: {  	[sflag:s9] =	ssyncset.done @!p0 $0x0  }
0x1f: {  	s13 =	rddreg [dreg:$0x5];
	[sflag:s9] =	ssyncadd.s32 @!p0 $0xFFFFFF00  }
0x20: {  	[tilespmem:s4], [sflag:$0x7] =	stream.linear.gather [hbm4b:s13+s4], $0x3E80, $0x38;
	[tilespmem:$0x1F200] =	vst v63  }
0x21: {  	_ =	swait.ge [sflag:s16], $0x3E80  }
0x22: {  	[sflag:s16] =	ssyncset.done $0x0  }
0x23: {  	[sflag:s16] =	ssyncadd.s32 $0xFFFFC180  }
0x24: {  	[bflag:$0x0] =	sbarrier.arrive $0xFFFF  }
0x25: {  	[tilespmem:s19], [sflag:$0x1] =	stream.indirect.gather [hbm4b:s1+s18], $0x80, s4, s18, $0xb8;
	[tilespmem:$0x1F200] =	vst v63  }
0x26: {  	s14 =	rddreg [dreg:$0x6]  }
0x27: {  	[tilespmem:s20], [sflag:$0x4] =	stream.linear.gather [hbm4b:s14+s4], $0x80, $0x38;
	[tilespmem:$0x1F200] =	vst v63  }
0x28: {  	s21 =	simm.s32 $0x80;
	s10 =	simm.s32 $0x100  }
0x29: {  	[tilespmem:s22], [sflag:$0x2] =	stream.indirect.gather [hbm4b:s1+s18], $0x80, s21, s18, $0xb8;
	[tilespmem:$0x1F200] =	vst v63  }
0x2a: {  	s11 =	sand.u32 $0xFC00, s10;
	s9 =	rddreg [dreg:$0x7]  }
0x2b: {  	[tilespmem:s23], [sflag:$0x5] =	stream.linear.gather [hbm4b:s9+s4], $0x80, $0x38;
	[tilespmem:$0x1F200] =	vst v63  }
0x2c: {  	s11 =	sadd.s32 s5, s11;
	s9 =	sand.u32 $0x380, s10  }
0x2d: {  	s9 =	sor.u32 s9, s11  }
0x2e: {  	s12 =	simm.s32 $0x100;
	s9 =	sshrl.u32 s9, $0x3  }
0x2f: {  	[tilespmem:s24], [sflag:$0x3] =	stream.indirect.gather [hbm4b:s1+s18], $0x80, s12, s18, $0xb8;
	[tilespmem:$0x1F200] =	vst v63  }
0x30: {  	s9 =	sadd.s32 s6, s9  }
0x31: {  	[tilespmem:s25], [sflag:$0x6] =	stream.linear.gather [hbm4b:s9+s4], $0x80, $0x38;
	[tilespmem:$0x1F200] =	vst v63  }
0x32: {  	_ =	swait.ge [sflag:s26], $0x2800  }
0x33: {  	[sflag:s26] =	ssyncset.done $0x0  }
0x34: {  	[sflag:s26] =	ssyncadd.s32 $0xFFFFD800  }
0x35: {  	_ =	swait.ge [sflag:s28], $0x80  }
0x36: {  	s13 =	simm.s32 $0x180;
	[sflag:s28] =	ssyncset.done $0x0  }
0x37: {  	s14 =	sand.u32 $0xFC00, s13;
	[sflag:s28] =	ssyncadd.s32 $0xFFFFFF80  }
0x38: {  	[spmem:s3] =	stream.indirect.scatter.add.f32 [tilespmem:s19], [sflag:$0x7], $0x80, s20, s18, $0xb8;
	[tilespmem:$0x1F200] =	vst v63  }
0x39: {  	s11 =	sadd.s32 s5, s14;
	s9 =	sand.u32 $0x380, s13;
	_ =	swait.ge [sflag:s16], $0x2800  }
0x3a: {  	s9 =	sor.u32 s9, s11;
	[sflag:s16] =	ssyncset.done $0x0  }
0x3b: {  	s12 =	simm.s32 $0x180;
	s9 =	sshrl.u32 s9, $0x3;
	[sflag:s16] =	ssyncadd.s32 $0xFFFFD800  }
0x3c: {  	[tilespmem:s19], [sflag:$0x1] =	stream.indirect.gather [hbm4b:s1+s18], $0x80, s12, s18, $0xb8;
	[tilespmem:$0x1F200] =	vst v63  }
0x3d: {  	s9 =	sadd.s32 s6, s9  }
0x3e: {  	[tilespmem:s20], [sflag:$0x4] =	stream.linear.gather [hbm4b:s9+s4], $0x80, $0x38;
	[tilespmem:$0x1F200] =	vst v63  }
0x3f: {  	_ =	swait.ge [sflag:s29], $0x2800  }
0x40: {  	[sflag:s29] =	ssyncset.done $0x0  }
0x41: {  	[sflag:s29] =	ssyncadd.s32 $0xFFFFD800  }
0x42: {  	_ =	swait.ge [sflag:s30], $0x80  }
0x43: {  	s21 =	simm.s32 $0x200;
	[sflag:s30] =	ssyncset.done $0x0  }
0x44: {  	s7 =	sand.u32 $0xFC00, s21;
	[sflag:s30] =	ssyncadd.s32 $0xFFFFFF80  }
0x45: {  	[spmem:s3] =	stream.indirect.scatter.add.f32 [tilespmem:s22], [sflag:$0x7], $0x80, s23, s18, $0xb8;
	[tilespmem:$0x1F200] =	vst v63  }
0x46: {  	s10 =	sand.u32 $0x380, s21;
	s11 =	sadd.s32 s5, s7;
	_ =	swait.ge [sflag:s16], $0x2800  }
0x47: {  	s11 =	sor.u32 s10, s11;
	[sflag:s16] =	ssyncset.done $0x0  }
0x48: {  	s11 =	sshrl.u32 s11, $0x3;
	[sflag:s16] =	ssyncadd.s32 $0xFFFFD800  }
0x49: {  	[tilespmem:s22], [sflag:$0x2] =	stream.indirect.gather [hbm4b:s1+s18], $0x80, s21, s18, $0xb8;
	[tilespmem:$0x1F200] =	vst v63  }
0x4a: {  	s13 =	sadd.s32 s6, s11  }
0x4b: {  	[tilespmem:s23], [sflag:$0x5] =	stream.linear.gather [hbm4b:s13+s4], $0x80, $0x38;
	[tilespmem:$0x1F200] =	vst v63  }
0x4c: {  	_ =	swait.ge [sflag:s31], $0x2800  }
0x4d: {  	[sflag:s31] =	ssyncset.done $0x0  }
0x4e: {  	[sflag:s31] =	ssyncadd.s32 $0xFFFFD800  }
0x4f: {  	s14 =	simm.s32 $0x280;
	s11 =	simm.s32 $0x500;
	_ =	swait.ge [sflag:s2], $0x80  }
0x50: {  	s12 =	sand.u32 $0xFC00, s14;
	s9 =	simm.s32 $0x380;
	[sflag:s2] =	ssyncset.done $0x0  }
0x51: {  	s21 =	simm.s32 $0x380;
	s13 =	sand.u32 $0x380, s14;
	[sflag:s2] =	ssyncadd.s32 $0xFFFFFF80  }
0x52: {  	[spmem:s3] =	stream.indirect.scatter.add.f32 [tilespmem:s24], [sflag:$0x7], $0x80, s25, s18, $0xb8;
	[tilespmem:$0x1F200] =	vst v63  }
.LBB2_2:
0x53: {  	s10 =	sadd.s32 s5, s12  }
0x54: {  	_ =	swait.ge [sflag:s16], $0x2800;
	s12 =	smov.u32 s11;
	s14 =	sadd.s32 $0x180, s11  }
0x55: {  	s7 =	sadd.s32 $0xFFFFFF00, s21;
	s10 =	sor.u32 s13, s10;
	[sflag:s16] =	ssyncset.done $0x0  }
0x56: {  	p1 =	sne.s32 s11, $0x3E00;
	s10 =	sshrl.u32 s10, $0x3;
	[sflag:s16] =	ssyncadd.s32 $0xFFFFD800  }
0x57: {  	[tilespmem:s24], [sflag:$0x3] =	stream.indirect.gather [hbm4b:s1+s18], $0x80, s7, s18, $0xb8;
	[tilespmem:$0x1F200] =	vst v63  }
0x58: {  	s7 =	sadd.s32 s6, s10  }
0x59: {  	[tilespmem:s25], [sflag:$0x6] =	stream.linear.gather [hbm4b:s7+s4], $0x80, $0x38;
	[tilespmem:$0x1F200] =	vst v63  }
0x5a: {  	_ =	swait.ge [sflag:s26], $0x2800  }
0x5b: {  	[sflag:s26] =	ssyncset.done $0x0  }
0x5c: {  	[sflag:s26] =	ssyncadd.s32 $0xFFFFD800  }
0x5d: {  	_ =	swait.ge [sflag:s28], $0x80  }
0x5e: {  	[sflag:s28] =	ssyncset.done $0x0  }
0x5f: {  	s7 =	sadd.s32 $0xFFFFFF80, s9;
	[sflag:s28] =	ssyncadd.s32 $0xFFFFFF80  }
0x60: {  	[spmem:s3] =	stream.indirect.scatter.add.f32 [tilespmem:s19], [sflag:$0x7], $0x80, s20, s18, $0xb8;
	[tilespmem:$0x1F200] =	vst v63  }
0x61: {  	s10 =	sand.u32 $0xFC00, s7;
	s7 =	sand.u32 $0x380, s7;
	_ =	swait.ge [sflag:s16], $0x2800  }
0x62: {  	s10 =	sadd.s32 s5, s10;
	[sflag:s16] =	ssyncset.done $0x0  }
0x63: {  	s11 =	sadd.s32 $0xFFFFFF80, s21;
	s7 =	sor.u32 s7, s10;
	[sflag:s16] =	ssyncadd.s32 $0xFFFFD800  }
0x64: {  	[tilespmem:s19], [sflag:$0x1] =	stream.indirect.gather [hbm4b:s1+s18], $0x80, s11, s18, $0xb8;
	[tilespmem:$0x1F200] =	vst v63  }
0x65: {  	s7 =	sshrl.u32 s7, $0x3  }
0x66: {  	s7 =	sadd.s32 s6, s7  }
0x67: {  	[tilespmem:s20], [sflag:$0x4] =	stream.linear.gather [hbm4b:s7+s4], $0x80, $0x38;
	[tilespmem:$0x1F200] =	vst v63  }
0x68: {  	_ =	swait.ge [sflag:s29], $0x2800  }
0x69: {  	[sflag:s29] =	ssyncset.done $0x0  }
0x6a: {  	[sflag:s29] =	ssyncadd.s32 $0xFFFFD800  }
0x6b: {  	_ =	swait.ge [sflag:s30], $0x80  }
0x6c: {  	[sflag:s30] =	ssyncset.done $0x0  }
0x6d: {  	s7 =	sand.u32 $0xFC00, s9;
	[sflag:s30] =	ssyncadd.s32 $0xFFFFFF80  }
0x6e: {  	[spmem:s3] =	stream.indirect.scatter.add.f32 [tilespmem:s22], [sflag:$0x7], $0x80, s23, s18, $0xb8;
	[tilespmem:$0x1F200] =	vst v63  }
0x6f: {  	s9 =	sand.u32 $0x380, s9;
	s7 =	sadd.s32 s5, s7;
	_ =	swait.ge [sflag:s16], $0x2800  }
0x70: {  	s7 =	sor.u32 s9, s7;
	s9 =	smov.u32 s12;
	[sflag:s16] =	ssyncset.done $0x0  }
0x71: {  	s7 =	sshrl.u32 s7, $0x3;
	[sflag:s16] =	ssyncadd.s32 $0xFFFFD800  }
0x72: {  	[tilespmem:s22], [sflag:$0x2] =	stream.indirect.gather [hbm4b:s1+s18], $0x80, s21, s18, $0xb8;
	[tilespmem:$0x1F200] =	vst v63  }
0x73: {  	s7 =	sadd.s32 s6, s7  }
0x74: {  	[tilespmem:s23], [sflag:$0x5] =	stream.linear.gather [hbm4b:s7+s4], $0x80, $0x38;
	[tilespmem:$0x1F200] =	vst v63  }
0x75: {  	_ =	swait.ge [sflag:s31], $0x2800  }
0x76: {  	[sflag:s31] =	ssyncset.done $0x0  }
.Ltmp0:
0x77: {  	[sflag:s31] =	ssyncadd.s32 $0xFFFFD800;
	(pc) =	sbr.rel @p1 .LBB2_2-.Ltmp0, $4  }
0x78: {  	s11 =	smov.u32 s14;
	_ =	swait.ge [sflag:s2], $0x80  }
0x79: {  	s21 =	sadd.s32 $0x180, s21;
	s7 =	sadd.s32 $0xFFFFFF00, s9;
	[sflag:s2] =	ssyncset.done $0x0  }
0x7a: {  	s12 =	sand.u32 $0xFC00, s7;
	s13 =	sand.u32 $0x380, s7;
	[sflag:s2] =	ssyncadd.s32 $0xFFFFFF80  }
0x7b: {  	[spmem:s3] =	stream.indirect.scatter.add.f32 [tilespmem:s24], [sflag:$0x7], $0x80, s25, s18, $0xb8;
	[tilespmem:$0x1F200] =	vst v63  }
0x7c: {  	s7 =	sadd.s32 s5, s12;
	_ =	swait.ge [sflag:s16], $0x2800  }
0x7d: {  	s7 =	sor.u32 s13, s7;
	[sflag:s16] =	ssyncset.done $0x0  }
0x7e: {  	s10 =	sadd.s32 $0xFFFFFF00, s21;
	s7 =	sshrl.u32 s7, $0x3;
	[sflag:s16] =	ssyncadd.s32 $0xFFFFD800  }
0x7f: {  	[tilespmem:s24], [sflag:$0x3] =	stream.indirect.gather [hbm4b:s1+s18], $0x80, s10, s18, $0xb8;
	[tilespmem:$0x1F200] =	vst v63  }
0x80: {  	s7 =	sadd.s32 s6, s7  }
0x81: {  	[tilespmem:s25], [sflag:$0x6] =	stream.linear.gather [hbm4b:s7+s4], $0x80, $0x38;
	[tilespmem:$0x1F200] =	vst v63  }
0x82: {  	_ =	swait.ge [sflag:s26], $0x2800  }
0x83: {  	[sflag:s26] =	ssyncset.done $0x0  }
0x84: {  	[sflag:s26] =	ssyncadd.s32 $0xFFFFD800  }
0x85: {  	_ =	swait.ge [sflag:s28], $0x80  }
0x86: {  	s13 =	sadd.s32 $0xFFFFFF80, s9;
	[sflag:s28] =	ssyncset.done $0x0  }
0x87: {  	s14 =	sand.u32 $0xFC00, s13;
	[sflag:s28] =	ssyncadd.s32 $0xFFFFFF80  }
0x88: {  	[spmem:s3] =	stream.indirect.scatter.add.f32 [tilespmem:s19], [sflag:$0x7], $0x80, s20, s18, $0xb8;
	[tilespmem:$0x1F200] =	vst v63  }
0x89: {  	s10 =	sadd.s32 s5, s14;
	s7 =	sand.u32 $0x380, s13;
	_ =	swait.ge [sflag:s16], $0x2800  }
0x8a: {  	s7 =	sor.u32 s7, s10;
	[sflag:s16] =	ssyncset.done $0x0  }
0x8b: {  	s11 =	sadd.s32 $0xFFFFFF80, s21;
	s7 =	sshrl.u32 s7, $0x3;
	[sflag:s16] =	ssyncadd.s32 $0xFFFFD800  }
0x8c: {  	[tilespmem:s19], [sflag:$0x1] =	stream.indirect.gather [hbm4b:s1+s18], $0x80, s11, s18, $0xb8;
	[tilespmem:$0x1F200] =	vst v63  }
0x8d: {  	s7 =	sadd.s32 s6, s7  }
0x8e: {  	[tilespmem:s20], [sflag:$0x4] =	stream.linear.gather [hbm4b:s7+s4], $0x80, $0x38;
	[tilespmem:$0x1F200] =	vst v63  }
0x8f: {  	_ =	swait.ge [sflag:s29], $0x2800  }
0x90: {  	[sflag:s29] =	ssyncset.done $0x0  }
0x91: {  	[sflag:s29] =	ssyncadd.s32 $0xFFFFD800  }
0x92: {  	_ =	swait.ge [sflag:s30], $0x80  }
0x93: {  	[sflag:s30] =	ssyncset.done $0x0  }
0x94: {  	s12 =	sand.u32 $0xFC00, s9;
	[sflag:s30] =	ssyncadd.s32 $0xFFFFFF80  }
0x95: {  	[spmem:s3] =	stream.indirect.scatter.add.f32 [tilespmem:s22], [sflag:$0x7], $0x80, s23, s18, $0xb8;
	[tilespmem:$0x1F200] =	vst v63  }
0x96: {  	s13 =	sand.u32 $0x380, s9;
	s7 =	sadd.s32 s5, s12;
	_ =	swait.ge [sflag:s16], $0x2800  }
0x97: {  	s7 =	sor.u32 s13, s7;
	[sflag:s16] =	ssyncset.done $0x0  }
0x98: {  	s7 =	sshrl.u32 s7, $0x3;
	[sflag:s16] =	ssyncadd.s32 $0xFFFFD800  }
0x99: {  	[tilespmem:s22], [sflag:$0x2] =	stream.indirect.gather [hbm4b:s1+s18], $0x80, s21, s18, $0xb8;
	[tilespmem:$0x1F200] =	vst v63  }
0x9a: {  	s7 =	sadd.s32 s6, s7  }
0x9b: {  	[tilespmem:s23], [sflag:$0x5] =	stream.linear.gather [hbm4b:s7+s4], $0x80, $0x38;
	[tilespmem:$0x1F200] =	vst v63  }
0x9c: {  	_ =	swait.ge [sflag:s31], $0x2800  }
0x9d: {  	[sflag:s31] =	ssyncset.done $0x0  }
0x9e: {  	[sflag:s31] =	ssyncadd.s32 $0xFFFFD800  }
0x9f: {  	_ =	swait.ge [sflag:s2], $0x80  }
0xa0: {  	[sflag:s2] =	ssyncset.done $0x0  }
0xa1: {  	[sflag:s2] =	ssyncadd.s32 $0xFFFFFF80  }
0xa2: {  	[spmem:s3] =	stream.indirect.scatter.add.f32 [tilespmem:s24], [sflag:$0x7], $0x80, s25, s18, $0xb8;
	[tilespmem:$0x1F200] =	vst v63  }
0xa3: {  	_ =	swait.ge [sflag:s16], $0x2800  }
0xa4: {  	[sflag:s16] =	ssyncset.done $0x0  }
0xa5: {  	[sflag:s16] =	ssyncadd.s32 $0xFFFFD800  }
0xa6: {  	_ =	swait.ge [sflag:s26], $0x2800  }
0xa7: {  	[sflag:s26] =	ssyncset.done $0x0  }
0xa8: {  	[sflag:s26] =	ssyncadd.s32 $0xFFFFD800  }
0xa9: {  	_ =	swait.ge [sflag:s28], $0x80  }
0xaa: {  	[sflag:s28] =	ssyncset.done $0x0  }
0xab: {  	[sflag:s28] =	ssyncadd.s32 $0xFFFFFF80  }
0xac: {  	[spmem:s3] =	stream.indirect.scatter.add.f32 [tilespmem:s19], [sflag:$0x7], $0x80, s20, s18, $0xb8;
	[tilespmem:$0x1F200] =	vst v63  }
0xad: {  	_ =	swait.ge [sflag:s16], $0x2800  }
0xae: {  	[sflag:s16] =	ssyncset.done $0x0  }
0xaf: {  	[sflag:s16] =	ssyncadd.s32 $0xFFFFD800  }
0xb0: {  	_ =	swait.ge [sflag:s29], $0x2800  }
0xb1: {  	[sflag:s29] =	ssyncset.done $0x0  }
0xb2: {  	[sflag:s29] =	ssyncadd.s32 $0xFFFFD800  }
0xb3: {  	_ =	swait.ge [sflag:s30], $0x80  }
0xb4: {  	[sflag:s30] =	ssyncset.done $0x0  }
0xb5: {  	[sflag:s30] =	ssyncadd.s32 $0xFFFFFF80  }
0xb6: {  	[spmem:s3] =	stream.indirect.scatter.add.f32 [tilespmem:s22], [sflag:$0x7], $0x80, s23, s18, $0xb8;
	[tilespmem:$0x1F200] =	vst v63  }
0xb7: {  	_ =	swait.ge [sflag:s16], $0x2800  }
0xb8: {  	[sflag:s16] =	ssyncset.done $0x0  }
0xb9: {  	[sflag:s16] =	ssyncadd.s32 $0xFFFFD800  }
0xba: {  	[bflag:$0x0] =	sbarrier.arrive $0xFFFF  }
0xbb: {  	s14 =	rddreg [dreg:$0x8]  }
0xbc: {  	[hbm:s14], [sflag:s8] =	dma.local [spmem:s15], $0x2700  }
0xbd: {  	_ =	swait.ge [sflag:s16], $0x2700  }
0xbe: {  	[sflag:s16] =	ssyncset.done $0x0  }
0xbf: {  	s7 =	rddreg [dreg:$0x9];
	[sflag:s16] =	ssyncadd.s32 $0xFFFFD900  }
0xc0: {  	[hbm:s7], [sflag:s8] =	dma.local @!p0 [spmem:s17], $0x100  }
0xc1: {  	s7 =	simm.s32 @!p0 $0x7  }
0xc2: {  	_ =	swait.ge @!p0 [sflag:s7], $0x100  }
0xc3: {  	s0 =	sadd.s32 $0x1, s0;
	s21 =	rddreg [dreg:$0xa]  }
0xc4: {  	p1 =	sne.s32 s0, s21  }
.Ltmp1:
0xc5: {  	_ = 	snop;
	(pc) =	sbr.rel @p1 .LBB2_1-.Ltmp1, $3  }
0xc6: {  	_ =	sdelay $0x1  }
0xc7: {  	[sflag:s7] =	ssyncset.done @!p0 $0x0  }
0xc8: {  	[sflag:s7] =	ssyncadd.s32 @!p0 $0xFFFFFF00  }
0xc9: {  	_ =	sfence.sel $0x180000  }
0xca: {  	[bflag:$0x0] =	sbarrier.arrive $0xFFFF  }
0xcb: {  	_ =	strace $0x9000004A  }
0xcc: {  	s0 =	stileid.u32;
	[bflag:$0x2] =	sbarrier.arrive $0xFFFF  }
0xcd: {  	p0 =	sne.s32 s0, $0x0;
	s0 =	rddreg [dreg:$0x3]  }
0xce: {  	s0 =	sadd.s32 @!p0 $0x100000, s0  }
0xcf: {  	[sflag:s0] =	ssyncadd.tile.s32 @!p0 $0x1;
	_ =	shalt  }
.Lfunc_end2:
_tile_overlayer_lowered:
.L_overlay_start_2:
0xd0: {  	(tag) =	ssettag $0x2  }
0xd1: {  	s0 =	rddreg [dreg:$0x0];
	s2 =	stileid.u32  }
0xd2: {  	s1 =	rddreg [dreg:$0x1];
	p0 =	sne.s32 s2, $0x0  }
0xd3: {  	s3 =	rddreg [dreg:$0x2];
	[bflag:$0x3] =	sbarrier.arrive $0xFFFF;
	s2 =	simm.s32 @!p0 $0x1C07  }
0xd4: {  	[timem:s3], [sflag:s2] =	dma.local @!p0 [hbm:s0], s1  }
0xd5: {  	s0 =	simm.s32 @!p0 $0x7  }
0xd6: {  	_ =	swait.ge @!p0 [sflag:s0], s1  }
0xd7: {  	s1 =	ssub.s32 @!p0 $0x0, s1;
	[sflag:s0] =	ssyncset.done @!p0 $0x0  }
0xd8: {  	[sflag:s0] =	ssyncadd.s32 @!p0 s1  }
0xd9: {  	[bflag:$0x3] =	sbarrier.arrive $0xFFFF  }
0xda: {  	_ =	shalt  }

// kernel: kernel.14.cloned.1.call-start
scs
__scs_entry_jumppad:
0x0: {  	(pc) =	sbr.rel $0x88, $3  }
0x1: {  	(tag) =	ssettag $0x0;
	lr =	simm.s32 $0x1  }
0x2: {  	[smem:$0x3F99] =	sst lr;
	_ =	strace $0xD0000000  }
0x3: {  	_ = 	snop  }
0x4: {  	_ = 	snop  }
0x5: {  	_ = 	snop  }
0x6: {  	_ = 	snop  }
0x7: {  	_ = 	snop  }
__scs_overlays_trampoline_lowered:
0x8: {  	[smem:$0x3FA8] =	sst s0  }
0x9: {  	[smem:$0x3FA9] =	sst s1  }
0xa: {  	[smem:$0x3FAA] =	sst s2  }
0xb: {  	[smem:$0x3FAB] =	sst s3  }
0xc: {  	[smem:$0x3FAC] =	sst s4  }
0xd: {  	[smem:$0x3FAD] =	sst s5  }
0xe: {  	[smem:$0x3FAE] =	sst s6  }
0xf: {  	[smem:$0x3FAF] =	sst s7  }
0x10: {  	[smem:$0x3FB0] =	sst s8  }
0x11: {  	[smem:$0x3FB1] =	sst s9;
	s0 =	simm.s32 @!p0 $0x0  }
0x12: {  	s1 =	sld [smem:$0x3F97];
	s0 =	simm.s32 @p0 $0x1  }
0x13: {  	[smem:$0x3FB2] =	sst s0;
	s0 =	simm.s32 @!p1 $0x0  }
0x14: {  	s2 =	sld [smem:$0x3F96];
	s0 =	simm.s32 @p1 $0x1  }
0x15: {  	[smem:$0x3FB3] =	sst s0;
	s0 =	simm.s32 @!p2 $0x0  }
0x16: {  	s3 =	sld [smem:$0x3FDB];
	s0 =	simm.s32 @p2 $0x1  }
0x17: {  	s4 =	simm.s32 $0x1BF5;
	[smem:$0x3FB5] =	sst s0  }
0x18: {  	s0 =	sld [smem:$0x3F98];
	_ =	swait.ge [sflag:s4], $0x0  }
0x19: {  	s7 =	sld [smem:$0x3F99]  }
0x1a: {  	s8 =	sadd.s32 $0xFFFFE003, lr  }
0x1b: {  	s9 =	sadd.s32 $0xFFFFFEF7, lr;
	s5 =	simm.s32 $0xFFFFFFFF;
	p2 =	slt.u32 s8, $0xFFFFF086  }
0x1c: {  	p1 =	slt.u32 s9, $0xF7A;
	s5 =	simm.s32 @!p2 $0x0  }
0x1d: {  	s5 =	simm.s32 @p1 $0x1;
	p0 =	seq.s32 s7, s2  }
0x1e: {  	s7 =	smul.u32 @!p0 $0xF7A, s2;
	p2 =	seq.s32 @!p0 s5, $0x0  }
0x1f: {  	s9 =	smul.u32 $0xF7A, s1;
	s8 =	simm.s32 @!p0 $0x1BF5;
	p2 =	por !p2, p0  }
0x20: {  	[sflag:s8] =	ssyncset.s32 @!p0 $0xFFFFF086;
	s6 =	sadd.s32 @!p0 s3, s7;
	s7 =	simm.s32 @!p0 $0x108  }
0x21: {  	s3 =	sadd.s32 s3, s9;
	s6 =	sadd.s32 @!p0 $0x88, s6;
	s7 =	simm.s32 @p2 $0x1082  }
0x22: {  	[simem:s7], [sflag:s8] =	dma.local @!p0 [hbm:s6], $0xF7A  }
0x23: {  	s9 =	sor.u32 $0xD0000000, s2;
	s6 =	simm.s32 $0x108;
	_ =	swait.ge @!p0 [sflag:s8], $0x0  }
0x24: {  	s3 =	sadd.s32 $0x88, s3;
	s6 =	simm.s32 @!p1 $0x1082;
	[sflag:s4] =	ssyncset.s32 $0xFFFFF086  }
0x25: {  	[simem:s6], [sflag:s4] =	dma.local [hbm:s3], $0xF7A  }
0x26: {  	[smem:$0x3F99] =	sst s1;
	(tag) =	ssettag s2;
	_ =	strace s9  }
0x27: {  	s1 =	sld [smem:$0x3FA9]  }
0x28: {  	s2 =	sld [smem:$0x3FAA]  }
0x29: {  	s4 =	sld [smem:$0x3FAC]  }
0x2a: {  	p0 =	seq.s32 s5, $0x0;
	s5 =	sld [smem:$0x3FAD]  }
0x2b: {  	s6 =	sld [smem:$0x3FAE]  }
0x2c: {  	s7 =	sld [smem:$0x3FAF]  }
0x2d: {  	s3 =	simm.s32 $0x108;
	s8 =	sld [smem:$0x3FB0]  }
0x2e: {  	s3 =	simm.s32 @!p0 $0x1082;
	s9 =	sld [smem:$0x3FB1]  }
0x2f: {  	lr =	sadd.s32 s0, s3;
	s0 =	sld [smem:$0x3FA8]  }
0x30: {  	s3 =	sld [smem:$0x3FAB]  }
0x31: {  	[smem:$0x3FB4] =	sst s10  }
0x32: {  	s10 =	sld [smem:$0x3FB2];
	_ =	sdelay $0x3  }
0x33: {  	p0 =	seq.s32 s10, $0x1;
	s10 =	sld [smem:$0x3FB4];
	_ =	sdelay $0x3  }
0x34: {  	[smem:$0x3FB4] =	sst s10  }
0x35: {  	s10 =	sld [smem:$0x3FB3];
	_ =	sdelay $0x3  }
0x36: {  	p1 =	seq.s32 s10, $0x1;
	s10 =	sld [smem:$0x3FB4];
	_ =	sdelay $0x3  }
0x37: {  	[smem:$0x3FB4] =	sst s10  }
0x38: {  	s10 =	sld [smem:$0x3FB5]  }
0x39: {  	_ = 	snop;
	(pc) =	sbr.ind lr, $3  }
0x3a: {  	_ = 	snop  }
0x3b: {  	_ = 	snop  }
0x3c: {  	p2 =	seq.s32 s10, $0x1;
	s10 =	sld [smem:$0x3FB4]  }
0x3d: {  	_ =	shalt  }
0x3e: {  	_ =	shalt  }
0x3f: {  	_ =	shalt  }
0x40: {  	_ =	shalt  }
0x41: {  	_ =	shalt  }
0x42: {  	_ =	shalt  }
0x43: {  	_ =	shalt  }
0x44: {  	_ =	shalt  }
0x45: {  	_ =	shalt  }
0x46: {  	_ =	shalt  }
0x47: {  	_ =	shalt  }
0x48: {  	_ =	shalt  }
0x49: {  	_ =	shalt  }
0x4a: {  	_ =	shalt  }
0x4b: {  	_ =	shalt  }
0x4c: {  	_ =	shalt  }
0x4d: {  	_ =	shalt  }
0x4e: {  	_ =	shalt  }
0x4f: {  	_ =	shalt  }
0x50: {  	_ =	shalt  }
0x51: {  	_ =	shalt  }
0x52: {  	_ =	shalt  }
0x53: {  	_ =	shalt  }
0x54: {  	_ =	shalt  }
0x55: {  	_ =	shalt  }
0x56: {  	_ =	shalt  }
0x57: {  	_ =	shalt  }
0x58: {  	_ =	shalt  }
0x59: {  	_ =	shalt  }
0x5a: {  	_ =	shalt  }
0x5b: {  	_ =	shalt  }
0x5c: {  	_ =	shalt  }
0x5d: {  	_ =	shalt  }
0x5e: {  	_ =	shalt  }
0x5f: {  	_ =	shalt  }
0x60: {  	_ =	shalt  }
0x61: {  	_ =	shalt  }
0x62: {  	_ =	shalt  }
0x63: {  	_ =	shalt  }
0x64: {  	_ =	shalt  }
0x65: {  	_ =	shalt  }
0x66: {  	_ =	shalt  }
0x67: {  	_ =	shalt  }
0x68: {  	_ =	shalt  }
0x69: {  	_ =	shalt  }
0x6a: {  	_ =	shalt  }
0x6b: {  	_ =	shalt  }
0x6c: {  	_ =	shalt  }
0x6d: {  	_ =	shalt  }
0x6e: {  	_ =	shalt  }
0x6f: {  	_ =	shalt  }
0x70: {  	_ =	shalt  }
0x71: {  	_ =	shalt  }
0x72: {  	_ =	shalt  }
0x73: {  	_ =	shalt  }
0x74: {  	_ =	shalt  }
0x75: {  	_ =	shalt  }
0x76: {  	_ =	shalt  }
0x77: {  	_ =	shalt  }
0x78: {  	_ =	shalt  }
0x79: {  	_ =	shalt  }
0x7a: {  	_ =	shalt  }
0x7b: {  	_ =	shalt  }
0x7c: {  	_ =	shalt  }
0x7d: {  	_ =	shalt  }
0x7e: {  	_ =	shalt  }
0x7f: {  	_ =	shalt  }
0x80: {  	_ =	shalt  }
0x81: {  	_ =	shalt  }
0x82: {  	_ =	shalt  }
0x83: {  	_ =	shalt  }
0x84: {  	_ =	shalt  }
0x85: {  	_ =	shalt  }
0x86: {  	_ =	shalt  }
0x87: {  	_ =	shalt  }
.Lfunc_end0:
.L_simem_size_0:
called_computation.2_lowered:
.L_overlay_start_0:
0x88: {  	s2 =	sld [smem:$0x3FD9]  }
0x89: {  	s3 =	sld [smem:$0x3FFE];
	_ =	sdelay $0x1  }
0x8a: {  	s1 =	srdreg.scid  }
0x8b: {  	s0 =	sand.u32 $0x1, s1  }
0x8c: {  	s17 =	sshll.u32 s0, $0xA;
	s2 =	sadd.s32 s3, s2  }
0x8d: {  	s2 =	sadd.s32 s2, s17  }
0x8e: {  	[smem:$0x3FC0] =	sst s2  }
0x8f: {  	_ = 	snop  }
0x90: {  	s2 =	sld [smem:$0x3FD0];
	(tm) =	ssettm $0x1  }
0x91: {  	s18 =	sld [smem:$0x3FFB];
	_ =	sdelay $0x3  }
0x92: {  	_ =	strace s18  }
0x93: {  	s3 =	sld [smem:$0x3FFC];
	_ =	sdelay $0x3  }
0x94: {  	_ =	strace s3  }
0x95: {  	s3 =	sld [smem:$0x3FFD];
	_ =	sdelay $0x3  }
0x96: {  	_ =	strace s3  }
0x97: {  	_ =	strace $0x8FFFFFFF  }
0x98: {  	s19 =	sld [smem:$0x3FDB];
	_ =	sdelay $0x1  }
0x99: {  	s4 =	simm.s32 $_scs_section_size  }
0x9a: {  	s5 =	simm.s32 $_size__tile_overlayer_lowered;
	s6 =	simm.s32 $_tile_overlayer_lowered  }
0x9b: {  	s22 =	simm.s32 $0x1BFF;
	s21 =	sshll.u32 s6, $0x1;
	s3 =	sadd.s32 s4, s19  }
0x9c: {  	s7 =	simm.s32 $0x0;
	s20 =	sshll.u32 s5, $0x1;
	s5 =	sadd.s32 s21, s3  }
0x9d: {  	[timem:s7], [sflag:s22] =	dma.local [hbm:s5], s20  }
0x9e: {  	_ =	swait.ge [sflag:s22], s20  }
0x9f: {  	s4 =	ssub.s32 $0x0, s20;
	[sflag:s22] =	ssyncset.done $0x0  }
0xa0: {  	[sflag:s22] =	ssyncadd.s32 s4;
	_ =	sdelay $0x1  }
0xa1: {  	s23 =	simm.s32 $0x1B8B  }
0xa2: {  	_ =	swait.ge [sflag:s23], $0x1  }
0xa3: {  	[sflag:s23] =	ssyncset.done $0x0  }
0xa4: {  	s25 =	simm.s32 $0x1B8E;
	s24 =	sld [smem:$0x3FFE];
	[sflag:s23] =	ssyncadd.s32 $0xFFFFFFFF  }
0xa5: {  	s26 =	simm.s32 $execute0_lowered;
	[smem:$0x3FD2] =	sst s25  }
0xa6: {  	s5 =	sshll.u32 s26, $0x1;
	_ =	strace $0x8000004C;
	[dreg:$0x1] =	wrdreg $0xFFFFFFFF  }
0xa7: {  	s28 =	simm.s32 $_size_execute0_lowered;
	s3 =	sadd.s32 s3, s5;
	[dreg:$0x0] =	wrdreg $0x0  }
0xa8: {  	s5 =	sshll.u32 s28, $0x1;
	[dreg:$0x2] =	wrdreg s3  }
0xa9: {  	[dreg:$0x3] =	wrdreg s5  }
0xaa: {  	[dreg:$0x4] =	wrdreg $0xC0  }
0xab: {  	_ =	task [dreg:s7], $0x5FFFF  }
0xac: {  	[dreg:$0x1] =	wrdreg $0xFFFFFFFF  }
0xad: {  	[dreg:$0x0] =	wrdreg $0x60  }
0xae: {  	[dreg:$0x2] =	wrdreg s2  }
0xaf: {  	[dreg:$0x3] =	wrdreg s24  }
0xb0: {  	[dreg:$0x4] =	wrdreg $0xB9800  }
0xb1: {  	[dreg:$0x5] =	wrdreg $0x9  }
0xb2: {  	_ =	task.clear_ibuf [dreg:s7], $0x6FFFF;
	_ =	strace $0x9000004C  }
0xb3: {  	s29 =	simm.s32 $0x9;
	_ =	strace $0x8000004E  }
0xb4: {  	_ =	swait.ge [sflag:s29], $0x1  }
0xb5: {  	[sflag:s29] =	ssyncadd.s32 $0xFFFFFFFF  }
0xb6: {  	_ =	strace $0x9000004E  }
0xb7: {  	_ =	sfence  }
0xb8: {  	s30 =	sld [smem:$0x0];
	_ =	sdelay $0x2  }
0xb9: {  	s31 =	sshll.u32 s1, $0xD;
	s1 =	sshrl.u32 s1, $0x2  }
0xba: {  	s3 =	sand.u32 $0x4000, s31;
	s1 =	sadd.s32 s1, s30  }
0xbb: {  	s0 =	sor.u32 s3, s0;
	s1 =	sshll.u32 s1, $0x11  }
0xbc: {  	s0 =	sor.u32 s1, s0  }
0xbd: {  	s0 =	sadd.s32 $0x8F2B, s0  }
0xbe: {  	[sflag:s0] =	ssyncadd.remote.s32 $0x1  }
0xbf: {  	_ =	sfence.sel $0xFFFF  }
0xc0: {  	[dreg:$0x0] =	wrdreg $0xFFFFFFFF;
	(pc) =	sbr.abs _section_cstart, $3  }
0xc1: {  	[dreg:$0x1] =	wrdreg $0xFFFFFFFF  }
0xc2: {  	_ =	task.clear_ibuf [dreg:s7], $0x2FFFF;
	_ =	strace $0x9FFFFFFF  }
0xc3: {  	(tm) =	ssettm $0x7FFFFFFF  }
tec
execute0_lowered:
.L_overlay_start_1:
0x0: {  	(tag) =	ssettag $0x1  }
0x1: {  	s1 =	rddreg [dreg:$0x0]  }
0x2: {  	s0 =	srdreg.scid;
	s2 =	rddreg [dreg:$0x1]  }
0x3: {  	s7 =	stileid.u32;
	s3 =	rddreg [dreg:$0x2];
	s4 =	simm.s32 $0x0  }
0x4: {  	s16 =	simm.s32 $0x7;
	s18 =	simm.s32 $0x50;
	s19 =	simm.s32 $0x4000  }
0x5: {  	s28 =	simm.s32 $0x4;
	s29 =	simm.s32 $0x2;
	s30 =	simm.s32 $0x5  }
0x6: {  	s31 =	simm.s32 $0x3;
	s0 =	sand.u32 $0x1, s0;
	s6 =	sshll.u32 s7, $0xE  }
0x7: {  	[smem:$0x7FF] =	sst s4;
	s8 =	sadd.s32 $0x22C00, s2;
	s11 =	smul.u32 $0x4E000, s7  }
0x8: {  	s13 =	smul.u32 $0x2700, s7;
	s23 =	sshll.u32 s7, $0x6;
	s17 =	sadd.s32 $0x138000, s3  }
0x9: {  	p0 =	sne.s32 s7, $0xF;
	s5 =	sshll.u32 s0, $0x12;
	_ =	strace $0x8000004D  }
0xa: {  	[dreg:$0x4] =	wrdreg s8;
	s20 =	ssub.s32 $0x2, s0;
	s22 =	smul.u32 $0x27100, s0  }
0xb: {  	s0 =	smul.u32 $0x138800, s0;
	s8 =	sor.u32 $0x1C07, s23;
	s17 =	sshrl.u32 @!p0 s17, $0x3  }
0xc: {  	s23 =	simm.s32 $0xB880;
	s5 =	sor.u32 s6, s5;
	s6 =	sadd.s32 $0x2C00, s2  }
0xd: {  	s12 =	sshrl.u32 s20, $0x1;
	s21 =	sshrl.u32 s11, $0x2;
	s9 =	sshrl.u32 s5, $0x3  }
0xe: {  	s12 =	ssub.s32 s20, s12;
	s14 =	sadd.s32 s21, s3;
	s25 =	sadd.s32 s13, s22  }
0xf: {  	s0 =	sshrl.u32 s0, $0x3;
	s20 =	simm.s32 $0xB800;
	s22 =	simm.s32 $0x6800  }
0x10: {  	s10 =	sadd.s32 s9, s2;
	s2 =	sadd.s32 $0x25400, s2;
	s24 =	sadd.s32 s6, s9  }
0x11: {  	s26 =	smax.u32 s12, $0x1;
	s15 =	sshrl.u32 s14, $0x3;
	[dreg:$0x6] =	wrdreg s24  }
0x12: {  	s10 =	sadd.s32 $0x12C00, s10;
	s9 =	sadd.s32 s2, s25;
	[dreg:$0xa] =	wrdreg s26  }
0x13: {  	s0 =	sadd.s32 s2, s0;
	s25 =	simm.s32 $0xB900;
	[dreg:$0x5] =	wrdreg s10  }
0x14: {  	s26 =	simm.s32 $0x1;
	s10 =	sadd.s32 $0x10, s24;
	[dreg:$0x8] =	wrdreg s9  }
0x15: {  	s2 =	simm.s32 $0x6;
	s0 =	sadd.s32 $0x27000, s0;
	[dreg:$0x7] =	wrdreg s10  }
0x16: {  	s24 =	simm.s32 $0x9000;
	[dreg:$0x9] =	wrdreg s0;
	s0 =	simm.s32 $0x0  }
.LBB2_1:
0x17: {  	s7 =	rddreg [dreg:$0x4]  }
0x18: {  	[spmem:s15], [sflag:s8] =	dma.local [hbm:s7], $0x2700  }
0x19: {  	_ =	swait.ge [sflag:s16], $0x2700  }
0x1a: {  	[sflag:s16] =	ssyncset.done $0x0  }
0x1b: {  	s9 =	simm.s32 @!p0 $0x7;
	[sflag:s16] =	ssyncadd.s32 $0xFFFFD900  }
0x1c: {  	[spmem:s17], [sflag:s8] =	dma.local @!p0 [hbm:s7], $0x100  }
0x1d: {  	_ =	swait.ge @!p0 [sflag:s9], $0x100  }
0x1e: {  	[sflag:s9] =	ssyncset.done @!p0 $0x0  }
0x1f: {  	s13 =	rddreg [dreg:$0x5];
	[sflag:s9] =	ssyncadd.s32 @!p0 $0xFFFFFF00  }
0x20: {  	[tilespmem:s4], [sflag:$0x7] =	stream.linear.gather [hbm4b:s13+s4], $0x3E80, $0x38;
	[tilespmem:$0x1F200] =	vst v63  }
0x21: {  	_ =	swait.ge [sflag:s16], $0x3E80  }
0x22: {  	[sflag:s16] =	ssyncset.done $0x0  }
0x23: {  	[sflag:s16] =	ssyncadd.s32 $0xFFFFC180  }
0x24: {  	[bflag:$0x0] =	sbarrier.arrive $0xFFFF  }
0x25: {  	[tilespmem:s19], [sflag:$0x1] =	stream.indirect.gather [hbm4b:s1+s18], $0x80, s4, s18, $0xb8;
	[tilespmem:$0x1F200] =	vst v63  }
0x26: {  	s14 =	rddreg [dreg:$0x6]  }
0x27: {  	[tilespmem:s20], [sflag:$0x4] =	stream.linear.gather [hbm4b:s14+s4], $0x80, $0x38;
	[tilespmem:$0x1F200] =	vst v63  }
0x28: {  	s21 =	simm.s32 $0x80;
	s10 =	simm.s32 $0x100  }
0x29: {  	[tilespmem:s22], [sflag:$0x2] =	stream.indirect.gather [hbm4b:s1+s18], $0x80, s21, s18, $0xb8;
	[tilespmem:$0x1F200] =	vst v63  }
0x2a: {  	s11 =	sand.u32 $0xFC00, s10;
	s9 =	rddreg [dreg:$0x7]  }
0x2b: {  	[tilespmem:s23], [sflag:$0x5] =	stream.linear.gather [hbm4b:s9+s4], $0x80, $0x38;
	[tilespmem:$0x1F200] =	vst v63  }
0x2c: {  	s11 =	sadd.s32 s5, s11;
	s9 =	sand.u32 $0x380, s10  }
0x2d: {  	s9 =	sor.u32 s9, s11  }
0x2e: {  	s12 =	simm.s32 $0x100;
	s9 =	sshrl.u32 s9, $0x3  }
0x2f: {  	[tilespmem:s24], [sflag:$0x3] =	stream.indirect.gather [hbm4b:s1+s18], $0x80, s12, s18, $0xb8;
	[tilespmem:$0x1F200] =	vst v63  }
0x30: {  	s9 =	sadd.s32 s6, s9  }
0x31: {  	[tilespmem:s25], [sflag:$0x6] =	stream.linear.gather [hbm4b:s9+s4], $0x80, $0x38;
	[tilespmem:$0x1F200] =	vst v63  }
0x32: {  	_ =	swait.ge [sflag:s26], $0x2800  }
0x33: {  	[sflag:s26] =	ssyncset.done $0x0  }
0x34: {  	[sflag:s26] =	ssyncadd.s32 $0xFFFFD800  }
0x35: {  	_ =	swait.ge [sflag:s28], $0x80  }
0x36: {  	s13 =	simm.s32 $0x180;
	[sflag:s28] =	ssyncset.done $0x0  }
0x37: {  	s14 =	sand.u32 $0xFC00, s13;
	[sflag:s28] =	ssyncadd.s32 $0xFFFFFF80  }
0x38: {  	[spmem:s3] =	stream.indirect.scatter.add.f32 [tilespmem:s19], [sflag:$0x7], $0x80, s20, s18, $0xb8;
	[tilespmem:$0x1F200] =	vst v63  }
0x39: {  	s11 =	sadd.s32 s5, s14;
	s9 =	sand.u32 $0x380, s13;
	_ =	swait.ge [sflag:s16], $0x2800  }
0x3a: {  	s9 =	sor.u32 s9, s11;
	[sflag:s16] =	ssyncset.done $0x0  }
0x3b: {  	s12 =	simm.s32 $0x180;
	s9 =	sshrl.u32 s9, $0x3;
	[sflag:s16] =	ssyncadd.s32 $0xFFFFD800  }
0x3c: {  	[tilespmem:s19], [sflag:$0x1] =	stream.indirect.gather [hbm4b:s1+s18], $0x80, s12, s18, $0xb8;
	[tilespmem:$0x1F200] =	vst v63  }
0x3d: {  	s9 =	sadd.s32 s6, s9  }
0x3e: {  	[tilespmem:s20], [sflag:$0x4] =	stream.linear.gather [hbm4b:s9+s4], $0x80, $0x38;
	[tilespmem:$0x1F200] =	vst v63  }
0x3f: {  	_ =	swait.ge [sflag:s29], $0x2800  }
0x40: {  	[sflag:s29] =	ssyncset.done $0x0  }
0x41: {  	[sflag:s29] =	ssyncadd.s32 $0xFFFFD800  }
0x42: {  	_ =	swait.ge [sflag:s30], $0x80  }
0x43: {  	s21 =	simm.s32 $0x200;
	[sflag:s30] =	ssyncset.done $0x0  }
0x44: {  	s7 =	sand.u32 $0xFC00, s21;
	[sflag:s30] =	ssyncadd.s32 $0xFFFFFF80  }
0x45: {  	[spmem:s3] =	stream.indirect.scatter.add.f32 [tilespmem:s22], [sflag:$0x7], $0x80, s23, s18, $0xb8;
	[tilespmem:$0x1F200] =	vst v63  }
0x46: {  	s10 =	sand.u32 $0x380, s21;
	s11 =	sadd.s32 s5, s7;
	_ =	swait.ge [sflag:s16], $0x2800  }
0x47: {  	s11 =	sor.u32 s10, s11;
	[sflag:s16] =	ssyncset.done $0x0  }
0x48: {  	s11 =	sshrl.u32 s11, $0x3;
	[sflag:s16] =	ssyncadd.s32 $0xFFFFD800  }
0x49: {  	[tilespmem:s22], [sflag:$0x2] =	stream.indirect.gather [hbm4b:s1+s18], $0x80, s21, s18, $0xb8;
	[tilespmem:$0x1F200] =	vst v63  }
0x4a: {  	s13 =	sadd.s32 s6, s11  }
0x4b: {  	[tilespmem:s23], [sflag:$0x5] =	stream.linear.gather [hbm4b:s13+s4], $0x80, $0x38;
	[tilespmem:$0x1F200] =	vst v63  }
0x4c: {  	_ =	swait.ge [sflag:s31], $0x2800  }
0x4d: {  	[sflag:s31] =	ssyncset.done $0x0  }
0x4e: {  	[sflag:s31] =	ssyncadd.s32 $0xFFFFD800  }
0x4f: {  	s14 =	simm.s32 $0x280;
	s11 =	simm.s32 $0x500;
	_ =	swait.ge [sflag:s2], $0x80  }
0x50: {  	s12 =	sand.u32 $0xFC00, s14;
	s9 =	simm.s32 $0x380;
	[sflag:s2] =	ssyncset.done $0x0  }
0x51: {  	s21 =	simm.s32 $0x380;
	s13 =	sand.u32 $0x380, s14;
	[sflag:s2] =	ssyncadd.s32 $0xFFFFFF80  }
0x52: {  	[spmem:s3] =	stream.indirect.scatter.add.f32 [tilespmem:s24], [sflag:$0x7], $0x80, s25, s18, $0xb8;
	[tilespmem:$0x1F200] =	vst v63  }
.LBB2_2:
0x53: {  	s10 =	sadd.s32 s5, s12  }
0x54: {  	_ =	swait.ge [sflag:s16], $0x2800;
	s12 =	smov.u32 s11;
	s14 =	sadd.s32 $0x180, s11  }
0x55: {  	s7 =	sadd.s32 $0xFFFFFF00, s21;
	s10 =	sor.u32 s13, s10;
	[sflag:s16] =	ssyncset.done $0x0  }
0x56: {  	p1 =	sne.s32 s11, $0x3E00;
	s10 =	sshrl.u32 s10, $0x3;
	[sflag:s16] =	ssyncadd.s32 $0xFFFFD800  }
0x57: {  	[tilespmem:s24], [sflag:$0x3] =	stream.indirect.gather [hbm4b:s1+s18], $0x80, s7, s18, $0xb8;
	[tilespmem:$0x1F200] =	vst v63  }
0x58: {  	s7 =	sadd.s32 s6, s10  }
0x59: {  	[tilespmem:s25], [sflag:$0x6] =	stream.linear.gather [hbm4b:s7+s4], $0x80, $0x38;
	[tilespmem:$0x1F200] =	vst v63  }
0x5a: {  	_ =	swait.ge [sflag:s26], $0x2800  }
0x5b: {  	[sflag:s26] =	ssyncset.done $0x0  }
0x5c: {  	[sflag:s26] =	ssyncadd.s32 $0xFFFFD800  }
0x5d: {  	_ =	swait.ge [sflag:s28], $0x80  }
0x5e: {  	[sflag:s28] =	ssyncset.done $0x0  }
0x5f: {  	s7 =	sadd.s32 $0xFFFFFF80, s9;
	[sflag:s28] =	ssyncadd.s32 $0xFFFFFF80  }
0x60: {  	[spmem:s3] =	stream.indirect.scatter.add.f32 [tilespmem:s19], [sflag:$0x7], $0x80, s20, s18, $0xb8;
	[tilespmem:$0x1F200] =	vst v63  }
0x61: {  	s10 =	sand.u32 $0xFC00, s7;
	s7 =	sand.u32 $0x380, s7;
	_ =	swait.ge [sflag:s16], $0x2800  }
0x62: {  	s10 =	sadd.s32 s5, s10;
	[sflag:s16] =	ssyncset.done $0x0  }
0x63: {  	s11 =	sadd.s32 $0xFFFFFF80, s21;
	s7 =	sor.u32 s7, s10;
	[sflag:s16] =	ssyncadd.s32 $0xFFFFD800  }
0x64: {  	[tilespmem:s19], [sflag:$0x1] =	stream.indirect.gather [hbm4b:s1+s18], $0x80, s11, s18, $0xb8;
	[tilespmem:$0x1F200] =	vst v63  }
0x65: {  	s7 =	sshrl.u32 s7, $0x3  }
0x66: {  	s7 =	sadd.s32 s6, s7  }
0x67: {  	[tilespmem:s20], [sflag:$0x4] =	stream.linear.gather [hbm4b:s7+s4], $0x80, $0x38;
	[tilespmem:$0x1F200] =	vst v63  }
0x68: {  	_ =	swait.ge [sflag:s29], $0x2800  }
0x69: {  	[sflag:s29] =	ssyncset.done $0x0  }
0x6a: {  	[sflag:s29] =	ssyncadd.s32 $0xFFFFD800  }
0x6b: {  	_ =	swait.ge [sflag:s30], $0x80  }
0x6c: {  	[sflag:s30] =	ssyncset.done $0x0  }
0x6d: {  	s7 =	sand.u32 $0xFC00, s9;
	[sflag:s30] =	ssyncadd.s32 $0xFFFFFF80  }
0x6e: {  	[spmem:s3] =	stream.indirect.scatter.add.f32 [tilespmem:s22], [sflag:$0x7], $0x80, s23, s18, $0xb8;
	[tilespmem:$0x1F200] =	vst v63  }
0x6f: {  	s9 =	sand.u32 $0x380, s9;
	s7 =	sadd.s32 s5, s7;
	_ =	swait.ge [sflag:s16], $0x2800  }
0x70: {  	s7 =	sor.u32 s9, s7;
	s9 =	smov.u32 s12;
	[sflag:s16] =	ssyncset.done $0x0  }
0x71: {  	s7 =	sshrl.u32 s7, $0x3;
	[sflag:s16] =	ssyncadd.s32 $0xFFFFD800  }
0x72: {  	[tilespmem:s22], [sflag:$0x2] =	stream.indirect.gather [hbm4b:s1+s18], $0x80, s21, s18, $0xb8;
	[tilespmem:$0x1F200] =	vst v63  }
0x73: {  	s7 =	sadd.s32 s6, s7  }
0x74: {  	[tilespmem:s23], [sflag:$0x5] =	stream.linear.gather [hbm4b:s7+s4], $0x80, $0x38;
	[tilespmem:$0x1F200] =	vst v63  }
0x75: {  	_ =	swait.ge [sflag:s31], $0x2800  }
0x76: {  	[sflag:s31] =	ssyncset.done $0x0  }
.Ltmp0:
0x77: {  	[sflag:s31] =	ssyncadd.s32 $0xFFFFD800;
	(pc) =	sbr.rel @p1 .LBB2_2-.Ltmp0, $4  }
0x78: {  	s11 =	smov.u32 s14;
	_ =	swait.ge [sflag:s2], $0x80  }
0x79: {  	s21 =	sadd.s32 $0x180, s21;
	s7 =	sadd.s32 $0xFFFFFF00, s9;
	[sflag:s2] =	ssyncset.done $0x0  }
0x7a: {  	s12 =	sand.u32 $0xFC00, s7;
	s13 =	sand.u32 $0x380, s7;
	[sflag:s2] =	ssyncadd.s32 $0xFFFFFF80  }
0x7b: {  	[spmem:s3] =	stream.indirect.scatter.add.f32 [tilespmem:s24], [sflag:$0x7], $0x80, s25, s18, $0xb8;
	[tilespmem:$0x1F200] =	vst v63  }
0x7c: {  	s7 =	sadd.s32 s5, s12;
	_ =	swait.ge [sflag:s16], $0x2800  }
0x7d: {  	s7 =	sor.u32 s13, s7;
	[sflag:s16] =	ssyncset.done $0x0  }
0x7e: {  	s10 =	sadd.s32 $0xFFFFFF00, s21;
	s7 =	sshrl.u32 s7, $0x3;
	[sflag:s16] =	ssyncadd.s32 $0xFFFFD800  }
0x7f: {  	[tilespmem:s24], [sflag:$0x3] =	stream.indirect.gather [hbm4b:s1+s18], $0x80, s10, s18, $0xb8;
	[tilespmem:$0x1F200] =	vst v63  }
0x80: {  	s7 =	sadd.s32 s6, s7  }
0x81: {  	[tilespmem:s25], [sflag:$0x6] =	stream.linear.gather [hbm4b:s7+s4], $0x80, $0x38;
	[tilespmem:$0x1F200] =	vst v63  }
0x82: {  	_ =	swait.ge [sflag:s26], $0x2800  }
0x83: {  	[sflag:s26] =	ssyncset.done $0x0  }
0x84: {  	[sflag:s26] =	ssyncadd.s32 $0xFFFFD800  }
0x85: {  	_ =	swait.ge [sflag:s28], $0x80  }
0x86: {  	s13 =	sadd.s32 $0xFFFFFF80, s9;
	[sflag:s28] =	ssyncset.done $0x0  }
0x87: {  	s14 =	sand.u32 $0xFC00, s13;
	[sflag:s28] =	ssyncadd.s32 $0xFFFFFF80  }
0x88: {  	[spmem:s3] =	stream.indirect.scatter.add.f32 [tilespmem:s19], [sflag:$0x7], $0x80, s20, s18, $0xb8;
	[tilespmem:$0x1F200] =	vst v63  }
0x89: {  	s10 =	sadd.s32 s5, s14;
	s7 =	sand.u32 $0x380, s13;
	_ =	swait.ge [sflag:s16], $0x2800  }
0x8a: {  	s7 =	sor.u32 s7, s10;
	[sflag:s16] =	ssyncset.done $0x0  }
0x8b: {  	s11 =	sadd.s32 $0xFFFFFF80, s21;
	s7 =	sshrl.u32 s7, $0x3;
	[sflag:s16] =	ssyncadd.s32 $0xFFFFD800  }
0x8c: {  	[tilespmem:s19], [sflag:$0x1] =	stream.indirect.gather [hbm4b:s1+s18], $0x80, s11, s18, $0xb8;
	[tilespmem:$0x1F200] =	vst v63  }
0x8d: {  	s7 =	sadd.s32 s6, s7  }
0x8e: {  	[tilespmem:s20], [sflag:$0x4] =	stream.linear.gather [hbm4b:s7+s4], $0x80, $0x38;
	[tilespmem:$0x1F200] =	vst v63  }
0x8f: {  	_ =	swait.ge [sflag:s29], $0x2800  }
0x90: {  	[sflag:s29] =	ssyncset.done $0x0  }
0x91: {  	[sflag:s29] =	ssyncadd.s32 $0xFFFFD800  }
0x92: {  	_ =	swait.ge [sflag:s30], $0x80  }
0x93: {  	[sflag:s30] =	ssyncset.done $0x0  }
0x94: {  	s12 =	sand.u32 $0xFC00, s9;
	[sflag:s30] =	ssyncadd.s32 $0xFFFFFF80  }
0x95: {  	[spmem:s3] =	stream.indirect.scatter.add.f32 [tilespmem:s22], [sflag:$0x7], $0x80, s23, s18, $0xb8;
	[tilespmem:$0x1F200] =	vst v63  }
0x96: {  	s13 =	sand.u32 $0x380, s9;
	s7 =	sadd.s32 s5, s12;
	_ =	swait.ge [sflag:s16], $0x2800  }
0x97: {  	s7 =	sor.u32 s13, s7;
	[sflag:s16] =	ssyncset.done $0x0  }
0x98: {  	s7 =	sshrl.u32 s7, $0x3;
	[sflag:s16] =	ssyncadd.s32 $0xFFFFD800  }
0x99: {  	[tilespmem:s22], [sflag:$0x2] =	stream.indirect.gather [hbm4b:s1+s18], $0x80, s21, s18, $0xb8;
	[tilespmem:$0x1F200] =	vst v63  }
0x9a: {  	s7 =	sadd.s32 s6, s7  }
0x9b: {  	[tilespmem:s23], [sflag:$0x5] =	stream.linear.gather [hbm4b:s7+s4], $0x80, $0x38;
	[tilespmem:$0x1F200] =	vst v63  }
0x9c: {  	_ =	swait.ge [sflag:s31], $0x2800  }
0x9d: {  	[sflag:s31] =	ssyncset.done $0x0  }
0x9e: {  	[sflag:s31] =	ssyncadd.s32 $0xFFFFD800  }
0x9f: {  	_ =	swait.ge [sflag:s2], $0x80  }
0xa0: {  	[sflag:s2] =	ssyncset.done $0x0  }
0xa1: {  	[sflag:s2] =	ssyncadd.s32 $0xFFFFFF80  }
0xa2: {  	[spmem:s3] =	stream.indirect.scatter.add.f32 [tilespmem:s24], [sflag:$0x7], $0x80, s25, s18, $0xb8;
	[tilespmem:$0x1F200] =	vst v63  }
0xa3: {  	_ =	swait.ge [sflag:s16], $0x2800  }
0xa4: {  	[sflag:s16] =	ssyncset.done $0x0  }
0xa5: {  	[sflag:s16] =	ssyncadd.s32 $0xFFFFD800  }
0xa6: {  	_ =	swait.ge [sflag:s26], $0x2800  }
0xa7: {  	[sflag:s26] =	ssyncset.done $0x0  }
0xa8: {  	[sflag:s26] =	ssyncadd.s32 $0xFFFFD800  }
0xa9: {  	_ =	swait.ge [sflag:s28], $0x80  }
0xaa: {  	[sflag:s28] =	ssyncset.done $0x0  }
0xab: {  	[sflag:s28] =	ssyncadd.s32 $0xFFFFFF80  }
0xac: {  	[spmem:s3] =	stream.indirect.scatter.add.f32 [tilespmem:s19], [sflag:$0x7], $0x80, s20, s18, $0xb8;
	[tilespmem:$0x1F200] =	vst v63  }
0xad: {  	_ =	swait.ge [sflag:s16], $0x2800  }
0xae: {  	[sflag:s16] =	ssyncset.done $0x0  }
0xaf: {  	[sflag:s16] =	ssyncadd.s32 $0xFFFFD800  }
0xb0: {  	_ =	swait.ge [sflag:s29], $0x2800  }
0xb1: {  	[sflag:s29] =	ssyncset.done $0x0  }
0xb2: {  	[sflag:s29] =	ssyncadd.s32 $0xFFFFD800  }
0xb3: {  	_ =	swait.ge [sflag:s30], $0x80  }
0xb4: {  	[sflag:s30] =	ssyncset.done $0x0  }
0xb5: {  	[sflag:s30] =	ssyncadd.s32 $0xFFFFFF80  }
0xb6: {  	[spmem:s3] =	stream.indirect.scatter.add.f32 [tilespmem:s22], [sflag:$0x7], $0x80, s23, s18, $0xb8;
	[tilespmem:$0x1F200] =	vst v63  }
0xb7: {  	_ =	swait.ge [sflag:s16], $0x2800  }
0xb8: {  	[sflag:s16] =	ssyncset.done $0x0  }
0xb9: {  	[sflag:s16] =	ssyncadd.s32 $0xFFFFD800  }
0xba: {  	[bflag:$0x0] =	sbarrier.arrive $0xFFFF  }
0xbb: {  	s14 =	rddreg [dreg:$0x8]  }
0xbc: {  	[hbm:s14], [sflag:s8] =	dma.local [spmem:s15], $0x2700  }
0xbd: {  	_ =	swait.ge [sflag:s16], $0x2700  }
0xbe: {  	[sflag:s16] =	ssyncset.done $0x0  }
0xbf: {  	s7 =	rddreg [dreg:$0x9];
	[sflag:s16] =	ssyncadd.s32 $0xFFFFD900  }
0xc0: {  	[hbm:s7], [sflag:s8] =	dma.local @!p0 [spmem:s17], $0x100  }
0xc1: {  	s7 =	simm.s32 @!p0 $0x7  }
0xc2: {  	_ =	swait.ge @!p0 [sflag:s7], $0x100  }
0xc3: {  	s0 =	sadd.s32 $0x1, s0;
	s21 =	rddreg [dreg:$0xa]  }
0xc4: {  	p1 =	sne.s32 s0, s21  }
.Ltmp1:
0xc5: {  	_ = 	snop;
	(pc) =	sbr.rel @p1 .LBB2_1-.Ltmp1, $3  }
0xc6: {  	_ =	sdelay $0x1  }
0xc7: {  	[sflag:s7] =	ssyncset.done @!p0 $0x0  }
0xc8: {  	[sflag:s7] =	ssyncadd.s32 @!p0 $0xFFFFFF00  }
0xc9: {  	_ =	sfence.sel $0x180000  }
0xca: {  	[bflag:$0x0] =	sbarrier.arrive $0xFFFF  }
0xcb: {  	_ =	strace $0x9000004D  }
0xcc: {  	s0 =	stileid.u32;
	[bflag:$0x2] =	sbarrier.arrive $0xFFFF  }
0xcd: {  	p0 =	sne.s32 s0, $0x0;
	s0 =	rddreg [dreg:$0x3]  }
0xce: {  	s0 =	sadd.s32 @!p0 $0x100000, s0  }
0xcf: {  	[sflag:s0] =	ssyncadd.tile.s32 @!p0 $0x1;
	_ =	shalt  }
.Lfunc_end2:
_tile_overlayer_lowered:
.L_overlay_start_2:
0xd0: {  	(tag) =	ssettag $0x2  }
0xd1: {  	s0 =	rddreg [dreg:$0x0];
	s2 =	stileid.u32  }
0xd2: {  	s1 =	rddreg [dreg:$0x1];
	p0 =	sne.s32 s2, $0x0  }
0xd3: {  	s3 =	rddreg [dreg:$0x2];
	[bflag:$0x3] =	sbarrier.arrive $0xFFFF;
	s2 =	simm.s32 @!p0 $0x1C07  }
0xd4: {  	[timem:s3], [sflag:s2] =	dma.local @!p0 [hbm:s0], s1  }
0xd5: {  	s0 =	simm.s32 @!p0 $0x7  }
0xd6: {  	_ =	swait.ge @!p0 [sflag:s0], s1  }
0xd7: {  	s1 =	ssub.s32 @!p0 $0x0, s1;
	[sflag:s0] =	ssyncset.done @!p0 $0x0  }
0xd8: {  	[sflag:s0] =	ssyncadd.s32 @!p0 s1  }
0xd9: {  	[bflag:$0x3] =	sbarrier.arrive $0xFFFF  }
0xda: {  	_ =	shalt  }

// kernel: kernel.8.cloned.1.call-start
scs
__scs_entry_jumppad:
0x0: {  	(pc) =	sbr.rel $0x88, $3  }
0x1: {  	(tag) =	ssettag $0x0;
	lr =	simm.s32 $0x1  }
0x2: {  	[smem:$0x3F99] =	sst lr;
	_ =	strace $0xD0000000  }
0x3: {  	_ = 	snop  }
0x4: {  	_ = 	snop  }
0x5: {  	_ = 	snop  }
0x6: {  	_ = 	snop  }
0x7: {  	_ = 	snop  }
__scs_overlays_trampoline_lowered:
0x8: {  	[smem:$0x3FA8] =	sst s0  }
0x9: {  	[smem:$0x3FA9] =	sst s1  }
0xa: {  	[smem:$0x3FAA] =	sst s2  }
0xb: {  	[smem:$0x3FAB] =	sst s3  }
0xc: {  	[smem:$0x3FAC] =	sst s4  }
0xd: {  	[smem:$0x3FAD] =	sst s5  }
0xe: {  	[smem:$0x3FAE] =	sst s6  }
0xf: {  	[smem:$0x3FAF] =	sst s7  }
0x10: {  	[smem:$0x3FB0] =	sst s8  }
0x11: {  	[smem:$0x3FB1] =	sst s9;
	s0 =	simm.s32 @!p0 $0x0  }
0x12: {  	s1 =	sld [smem:$0x3F97];
	s0 =	simm.s32 @p0 $0x1  }
0x13: {  	[smem:$0x3FB2] =	sst s0;
	s0 =	simm.s32 @!p1 $0x0  }
0x14: {  	s2 =	sld [smem:$0x3F96];
	s0 =	simm.s32 @p1 $0x1  }
0x15: {  	[smem:$0x3FB3] =	sst s0;
	s0 =	simm.s32 @!p2 $0x0  }
0x16: {  	s3 =	sld [smem:$0x3FDB];
	s0 =	simm.s32 @p2 $0x1  }
0x17: {  	s4 =	simm.s32 $0x1BF5;
	[smem:$0x3FB5] =	sst s0  }
0x18: {  	s0 =	sld [smem:$0x3F98];
	_ =	swait.ge [sflag:s4], $0x0  }
0x19: {  	s7 =	sld [smem:$0x3F99]  }
0x1a: {  	s8 =	sadd.s32 $0xFFFFE003, lr  }
0x1b: {  	s9 =	sadd.s32 $0xFFFFFEF7, lr;
	s5 =	simm.s32 $0xFFFFFFFF;
	p2 =	slt.u32 s8, $0xFFFFF086  }
0x1c: {  	p1 =	slt.u32 s9, $0xF7A;
	s5 =	simm.s32 @!p2 $0x0  }
0x1d: {  	s5 =	simm.s32 @p1 $0x1;
	p0 =	seq.s32 s7, s2  }
0x1e: {  	s7 =	smul.u32 @!p0 $0xF7A, s2;
	p2 =	seq.s32 @!p0 s5, $0x0  }
0x1f: {  	s9 =	smul.u32 $0xF7A, s1;
	s8 =	simm.s32 @!p0 $0x1BF5;
	p2 =	por !p2, p0  }
0x20: {  	[sflag:s8] =	ssyncset.s32 @!p0 $0xFFFFF086;
	s6 =	sadd.s32 @!p0 s3, s7;
	s7 =	simm.s32 @!p0 $0x108  }
0x21: {  	s3 =	sadd.s32 s3, s9;
	s6 =	sadd.s32 @!p0 $0x88, s6;
	s7 =	simm.s32 @p2 $0x1082  }
0x22: {  	[simem:s7], [sflag:s8] =	dma.local @!p0 [hbm:s6], $0xF7A  }
0x23: {  	s9 =	sor.u32 $0xD0000000, s2;
	s6 =	simm.s32 $0x108;
	_ =	swait.ge @!p0 [sflag:s8], $0x0  }
0x24: {  	s3 =	sadd.s32 $0x88, s3;
	s6 =	simm.s32 @!p1 $0x1082;
	[sflag:s4] =	ssyncset.s32 $0xFFFFF086  }
0x25: {  	[simem:s6], [sflag:s4] =	dma.local [hbm:s3], $0xF7A  }
0x26: {  	[smem:$0x3F99] =	sst s1;
	(tag) =	ssettag s2;
	_ =	strace s9  }
0x27: {  	s1 =	sld [smem:$0x3FA9]  }
0x28: {  	s2 =	sld [smem:$0x3FAA]  }
0x29: {  	s4 =	sld [smem:$0x3FAC]  }
0x2a: {  	p0 =	seq.s32 s5, $0x0;
	s5 =	sld [smem:$0x3FAD]  }
0x2b: {  	s6 =	sld [smem:$0x3FAE]  }
0x2c: {  	s7 =	sld [smem:$0x3FAF]  }
0x2d: {  	s3 =	simm.s32 $0x108;
	s8 =	sld [smem:$0x3FB0]  }
0x2e: {  	s3 =	simm.s32 @!p0 $0x1082;
	s9 =	sld [smem:$0x3FB1]  }
0x2f: {  	lr =	sadd.s32 s0, s3;
	s0 =	sld [smem:$0x3FA8]  }
0x30: {  	s3 =	sld [smem:$0x3FAB]  }
0x31: {  	[smem:$0x3FB4] =	sst s10  }
0x32: {  	s10 =	sld [smem:$0x3FB2];
	_ =	sdelay $0x3  }
0x33: {  	p0 =	seq.s32 s10, $0x1;
	s10 =	sld [smem:$0x3FB4];
	_ =	sdelay $0x3  }
0x34: {  	[smem:$0x3FB4] =	sst s10  }
0x35: {  	s10 =	sld [smem:$0x3FB3];
	_ =	sdelay $0x3  }
0x36: {  	p1 =	seq.s32 s10, $0x1;
	s10 =	sld [smem:$0x3FB4];
	_ =	sdelay $0x3  }
0x37: {  	[smem:$0x3FB4] =	sst s10  }
0x38: {  	s10 =	sld [smem:$0x3FB5]  }
0x39: {  	_ = 	snop;
	(pc) =	sbr.ind lr, $3  }
0x3a: {  	_ = 	snop  }
0x3b: {  	_ = 	snop  }
0x3c: {  	p2 =	seq.s32 s10, $0x1;
	s10 =	sld [smem:$0x3FB4]  }
0x3d: {  	_ =	shalt  }
0x3e: {  	_ =	shalt  }
0x3f: {  	_ =	shalt  }
0x40: {  	_ =	shalt  }
0x41: {  	_ =	shalt  }
0x42: {  	_ =	shalt  }
0x43: {  	_ =	shalt  }
0x44: {  	_ =	shalt  }
0x45: {  	_ =	shalt  }
0x46: {  	_ =	shalt  }
0x47: {  	_ =	shalt  }
0x48: {  	_ =	shalt  }
0x49: {  	_ =	shalt  }
0x4a: {  	_ =	shalt  }
0x4b: {  	_ =	shalt  }
0x4c: {  	_ =	shalt  }
0x4d: {  	_ =	shalt  }
0x4e: {  	_ =	shalt  }
0x4f: {  	_ =	shalt  }
0x50: {  	_ =	shalt  }
0x51: {  	_ =	shalt  }
0x52: {  	_ =	shalt  }
0x53: {  	_ =	shalt  }
0x54: {  	_ =	shalt  }
0x55: {  	_ =	shalt  }
0x56: {  	_ =	shalt  }
0x57: {  	_ =	shalt  }
0x58: {  	_ =	shalt  }
0x59: {  	_ =	shalt  }
0x5a: {  	_ =	shalt  }
0x5b: {  	_ =	shalt  }
0x5c: {  	_ =	shalt  }
0x5d: {  	_ =	shalt  }
0x5e: {  	_ =	shalt  }
0x5f: {  	_ =	shalt  }
0x60: {  	_ =	shalt  }
0x61: {  	_ =	shalt  }
0x62: {  	_ =	shalt  }
0x63: {  	_ =	shalt  }
0x64: {  	_ =	shalt  }
0x65: {  	_ =	shalt  }
0x66: {  	_ =	shalt  }
0x67: {  	_ =	shalt  }
0x68: {  	_ =	shalt  }
0x69: {  	_ =	shalt  }
0x6a: {  	_ =	shalt  }
0x6b: {  	_ =	shalt  }
0x6c: {  	_ =	shalt  }
0x6d: {  	_ =	shalt  }
0x6e: {  	_ =	shalt  }
0x6f: {  	_ =	shalt  }
0x70: {  	_ =	shalt  }
0x71: {  	_ =	shalt  }
0x72: {  	_ =	shalt  }
0x73: {  	_ =	shalt  }
0x74: {  	_ =	shalt  }
0x75: {  	_ =	shalt  }
0x76: {  	_ =	shalt  }
0x77: {  	_ =	shalt  }
0x78: {  	_ =	shalt  }
0x79: {  	_ =	shalt  }
0x7a: {  	_ =	shalt  }
0x7b: {  	_ =	shalt  }
0x7c: {  	_ =	shalt  }
0x7d: {  	_ =	shalt  }
0x7e: {  	_ =	shalt  }
0x7f: {  	_ =	shalt  }
0x80: {  	_ =	shalt  }
0x81: {  	_ =	shalt  }
0x82: {  	_ =	shalt  }
0x83: {  	_ =	shalt  }
0x84: {  	_ =	shalt  }
0x85: {  	_ =	shalt  }
0x86: {  	_ =	shalt  }
0x87: {  	_ =	shalt  }
.Lfunc_end0:
.L_simem_size_0:
called_computation_lowered:
.L_overlay_start_0:
0x88: {  	s2 =	sld [smem:$0x3FD9]  }
0x89: {  	s3 =	sld [smem:$0x3FFE];
	_ =	sdelay $0x1  }
0x8a: {  	s1 =	srdreg.scid  }
0x8b: {  	s0 =	sand.u32 $0x1, s1  }
0x8c: {  	s17 =	sshll.u32 s0, $0xA;
	s2 =	sadd.s32 s3, s2  }
0x8d: {  	s2 =	sadd.s32 s2, s17  }
0x8e: {  	[smem:$0x3FC0] =	sst s2  }
0x8f: {  	_ = 	snop  }
0x90: {  	s2 =	sld [smem:$0x3FC9];
	(tm) =	ssettm $0x1  }
0x91: {  	s18 =	sld [smem:$0x3FFB];
	_ =	sdelay $0x3  }
0x92: {  	_ =	strace s18  }
0x93: {  	s3 =	sld [smem:$0x3FFC];
	_ =	sdelay $0x3  }
0x94: {  	_ =	strace s3  }
0x95: {  	s3 =	sld [smem:$0x3FFD];
	_ =	sdelay $0x3  }
0x96: {  	_ =	strace s3  }
0x97: {  	_ =	strace $0x8FFFFFFF  }
0x98: {  	s19 =	sld [smem:$0x3FDB];
	_ =	sdelay $0x1  }
0x99: {  	s4 =	simm.s32 $_scs_section_size  }
0x9a: {  	s5 =	simm.s32 $_size__tile_overlayer_lowered;
	s6 =	simm.s32 $_tile_overlayer_lowered  }
0x9b: {  	s22 =	simm.s32 $0x1BFF;
	s21 =	sshll.u32 s6, $0x1;
	s3 =	sadd.s32 s4, s19  }
0x9c: {  	s7 =	simm.s32 $0x0;
	s20 =	sshll.u32 s5, $0x1;
	s5 =	sadd.s32 s21, s3  }
0x9d: {  	[timem:s7], [sflag:s22] =	dma.local [hbm:s5], s20  }
0x9e: {  	_ =	swait.ge [sflag:s22], s20  }
0x9f: {  	s4 =	ssub.s32 $0x0, s20;
	[sflag:s22] =	ssyncset.done $0x0  }
0xa0: {  	[sflag:s22] =	ssyncadd.s32 s4;
	_ =	sdelay $0x1  }
0xa1: {  	s23 =	simm.s32 $0x1B8B  }
0xa2: {  	_ =	swait.ge [sflag:s23], $0x1  }
0xa3: {  	[sflag:s23] =	ssyncset.done $0x0  }
0xa4: {  	s25 =	simm.s32 $0x1B8E;
	s24 =	sld [smem:$0x3FFE];
	[sflag:s23] =	ssyncadd.s32 $0xFFFFFFFF  }
0xa5: {  	s26 =	simm.s32 $execute0_lowered;
	[smem:$0x3FD2] =	sst s25  }
0xa6: {  	s5 =	sshll.u32 s26, $0x1;
	_ =	strace $0x80000046;
	[dreg:$0x1] =	wrdreg $0xFFFFFFFF  }
0xa7: {  	s28 =	simm.s32 $_size_execute0_lowered;
	s3 =	sadd.s32 s3, s5;
	[dreg:$0x0] =	wrdreg $0x0  }
0xa8: {  	s5 =	sshll.u32 s28, $0x1;
	[dreg:$0x2] =	wrdreg s3  }
0xa9: {  	[dreg:$0x3] =	wrdreg s5  }
0xaa: {  	[dreg:$0x4] =	wrdreg $0xC0  }
0xab: {  	_ =	task [dreg:s7], $0x5FFFF  }
0xac: {  	[dreg:$0x1] =	wrdreg $0xFFFFFFFF  }
0xad: {  	[dreg:$0x0] =	wrdreg $0x60  }
0xae: {  	[dreg:$0x2] =	wrdreg s2  }
0xaf: {  	[dreg:$0x3] =	wrdreg s24  }
0xb0: {  	[dreg:$0x4] =	wrdreg $0xB9800  }
0xb1: {  	[dreg:$0x5] =	wrdreg $0x9  }
0xb2: {  	_ =	task.clear_ibuf [dreg:s7], $0x6FFFF;
	_ =	strace $0x90000046  }
0xb3: {  	s29 =	simm.s32 $0x9;
	_ =	strace $0x80000048  }
0xb4: {  	_ =	swait.ge [sflag:s29], $0x1  }
0xb5: {  	[sflag:s29] =	ssyncadd.s32 $0xFFFFFFFF  }
0xb6: {  	_ =	strace $0x90000048  }
0xb7: {  	_ =	sfence  }
0xb8: {  	s30 =	sld [smem:$0x0];
	_ =	sdelay $0x2  }
0xb9: {  	s31 =	sshll.u32 s1, $0xD;
	s1 =	sshrl.u32 s1, $0x2  }
0xba: {  	s3 =	sand.u32 $0x4000, s31;
	s1 =	sadd.s32 s1, s30  }
0xbb: {  	s0 =	sor.u32 s3, s0;
	s1 =	sshll.u32 s1, $0x11  }
0xbc: {  	s0 =	sor.u32 s1, s0  }
0xbd: {  	s0 =	sadd.s32 $0x8F2B, s0  }
0xbe: {  	[sflag:s0] =	ssyncadd.remote.s32 $0x1  }
0xbf: {  	_ =	sfence.sel $0xFFFF  }
0xc0: {  	[dreg:$0x0] =	wrdreg $0xFFFFFFFF;
	(pc) =	sbr.abs _section_cstart, $3  }
0xc1: {  	[dreg:$0x1] =	wrdreg $0xFFFFFFFF  }
0xc2: {  	_ =	task.clear_ibuf [dreg:s7], $0x2FFFF;
	_ =	strace $0x9FFFFFFF  }
0xc3: {  	(tm) =	ssettm $0x7FFFFFFF  }
tec
execute0_lowered:
.L_overlay_start_1:
0x0: {  	(tag) =	ssettag $0x1  }
0x1: {  	s1 =	rddreg [dreg:$0x0]  }
0x2: {  	s0 =	srdreg.scid;
	s2 =	rddreg [dreg:$0x1]  }
0x3: {  	s7 =	stileid.u32;
	s3 =	rddreg [dreg:$0x2];
	s4 =	simm.s32 $0x0  }
0x4: {  	s16 =	simm.s32 $0x7;
	s18 =	simm.s32 $0x50;
	s19 =	simm.s32 $0x4000  }
0x5: {  	s28 =	simm.s32 $0x4;
	s29 =	simm.s32 $0x2;
	s30 =	simm.s32 $0x5  }
0x6: {  	s31 =	simm.s32 $0x3;
	s0 =	sand.u32 $0x1, s0;
	s6 =	sshll.u32 s7, $0xE  }
0x7: {  	[smem:$0x7FF] =	sst s4;
	s8 =	sadd.s32 $0x22C00, s2;
	s11 =	smul.u32 $0x4E000, s7  }
0x8: {  	s13 =	smul.u32 $0x2700, s7;
	s23 =	sshll.u32 s7, $0x6;
	s17 =	sadd.s32 $0x138000, s3  }
0x9: {  	p0 =	sne.s32 s7, $0xF;
	s5 =	sshll.u32 s0, $0x12;
	_ =	strace $0x80000047  }
0xa: {  	[dreg:$0x4] =	wrdreg s8;
	s20 =	ssub.s32 $0x2, s0;
	s22 =	smul.u32 $0x27100, s0  }
0xb: {  	s0 =	smul.u32 $0x138800, s0;
	s8 =	sor.u32 $0x1C07, s23;
	s17 =	sshrl.u32 @!p0 s17, $0x3  }
0xc: {  	s23 =	simm.s32 $0xB880;
	s5 =	sor.u32 s6, s5;
	s6 =	sadd.s32 $0x2C00, s2  }
0xd: {  	s12 =	sshrl.u32 s20, $0x1;
	s21 =	sshrl.u32 s11, $0x2;
	s9 =	sshrl.u32 s5, $0x3  }
0xe: {  	s12 =	ssub.s32 s20, s12;
	s14 =	sadd.s32 s21, s3;
	s25 =	sadd.s32 s13, s22  }
0xf: {  	s0 =	sshrl.u32 s0, $0x3;
	s20 =	simm.s32 $0xB800;
	s22 =	simm.s32 $0x6800  }
0x10: {  	s10 =	sadd.s32 s9, s2;
	s2 =	sadd.s32 $0x25400, s2;
	s24 =	sadd.s32 s6, s9  }
0x11: {  	s26 =	smax.u32 s12, $0x1;
	s15 =	sshrl.u32 s14, $0x3;
	[dreg:$0x6] =	wrdreg s24  }
0x12: {  	s10 =	sadd.s32 $0x12C00, s10;
	s9 =	sadd.s32 s2, s25;
	[dreg:$0xa] =	wrdreg s26  }
0x13: {  	s0 =	sadd.s32 s2, s0;
	s25 =	simm.s32 $0xB900;
	[dreg:$0x5] =	wrdreg s10  }
0x14: {  	s26 =	simm.s32 $0x1;
	s10 =	sadd.s32 $0x10, s24;
	[dreg:$0x8] =	wrdreg s9  }
0x15: {  	s2 =	simm.s32 $0x6;
	s0 =	sadd.s32 $0x27000, s0;
	[dreg:$0x7] =	wrdreg s10  }
0x16: {  	s24 =	simm.s32 $0x9000;
	[dreg:$0x9] =	wrdreg s0;
	s0 =	simm.s32 $0x0  }
.LBB2_1:
0x17: {  	s7 =	rddreg [dreg:$0x4]  }
0x18: {  	[spmem:s15], [sflag:s8] =	dma.local [hbm:s7], $0x2700  }
0x19: {  	_ =	swait.ge [sflag:s16], $0x2700  }
0x1a: {  	[sflag:s16] =	ssyncset.done $0x0  }
0x1b: {  	s9 =	simm.s32 @!p0 $0x7;
	[sflag:s16] =	ssyncadd.s32 $0xFFFFD900  }
0x1c: {  	[spmem:s17], [sflag:s8] =	dma.local @!p0 [hbm:s7], $0x100  }
0x1d: {  	_ =	swait.ge @!p0 [sflag:s9], $0x100  }
0x1e: {  	[sflag:s9] =	ssyncset.done @!p0 $0x0  }
0x1f: {  	s13 =	rddreg [dreg:$0x5];
	[sflag:s9] =	ssyncadd.s32 @!p0 $0xFFFFFF00  }
0x20: {  	[tilespmem:s4], [sflag:$0x7] =	stream.linear.gather [hbm4b:s13+s4], $0x3E80, $0x38;
	[tilespmem:$0x1F200] =	vst v63  }
0x21: {  	_ =	swait.ge [sflag:s16], $0x3E80  }
0x22: {  	[sflag:s16] =	ssyncset.done $0x0  }
0x23: {  	[sflag:s16] =	ssyncadd.s32 $0xFFFFC180  }
0x24: {  	[bflag:$0x0] =	sbarrier.arrive $0xFFFF  }
0x25: {  	[tilespmem:s19], [sflag:$0x1] =	stream.indirect.gather [hbm4b:s1+s18], $0x80, s4, s18, $0xb8;
	[tilespmem:$0x1F200] =	vst v63  }
0x26: {  	s14 =	rddreg [dreg:$0x6]  }
0x27: {  	[tilespmem:s20], [sflag:$0x4] =	stream.linear.gather [hbm4b:s14+s4], $0x80, $0x38;
	[tilespmem:$0x1F200] =	vst v63  }
0x28: {  	s21 =	simm.s32 $0x80;
	s10 =	simm.s32 $0x100  }
0x29: {  	[tilespmem:s22], [sflag:$0x2] =	stream.indirect.gather [hbm4b:s1+s18], $0x80, s21, s18, $0xb8;
	[tilespmem:$0x1F200] =	vst v63  }
0x2a: {  	s11 =	sand.u32 $0xFC00, s10;
	s9 =	rddreg [dreg:$0x7]  }
0x2b: {  	[tilespmem:s23], [sflag:$0x5] =	stream.linear.gather [hbm4b:s9+s4], $0x80, $0x38;
	[tilespmem:$0x1F200] =	vst v63  }
0x2c: {  	s11 =	sadd.s32 s5, s11;
	s9 =	sand.u32 $0x380, s10  }
0x2d: {  	s9 =	sor.u32 s9, s11  }
0x2e: {  	s12 =	simm.s32 $0x100;
	s9 =	sshrl.u32 s9, $0x3  }
0x2f: {  	[tilespmem:s24], [sflag:$0x3] =	stream.indirect.gather [hbm4b:s1+s18], $0x80, s12, s18, $0xb8;
	[tilespmem:$0x1F200] =	vst v63  }
0x30: {  	s9 =	sadd.s32 s6, s9  }
0x31: {  	[tilespmem:s25], [sflag:$0x6] =	stream.linear.gather [hbm4b:s9+s4], $0x80, $0x38;
	[tilespmem:$0x1F200] =	vst v63  }
0x32: {  	_ =	swait.ge [sflag:s26], $0x2800  }
0x33: {  	[sflag:s26] =	ssyncset.done $0x0  }
0x34: {  	[sflag:s26] =	ssyncadd.s32 $0xFFFFD800  }
0x35: {  	_ =	swait.ge [sflag:s28], $0x80  }
0x36: {  	s13 =	simm.s32 $0x180;
	[sflag:s28] =	ssyncset.done $0x0  }
0x37: {  	s14 =	sand.u32 $0xFC00, s13;
	[sflag:s28] =	ssyncadd.s32 $0xFFFFFF80  }
0x38: {  	[spmem:s3] =	stream.indirect.scatter.add.f32 [tilespmem:s19], [sflag:$0x7], $0x80, s20, s18, $0xb8;
	[tilespmem:$0x1F200] =	vst v63  }
0x39: {  	s11 =	sadd.s32 s5, s14;
	s9 =	sand.u32 $0x380, s13;
	_ =	swait.ge [sflag:s16], $0x2800  }
0x3a: {  	s9 =	sor.u32 s9, s11;
	[sflag:s16] =	ssyncset.done $0x0  }
0x3b: {  	s12 =	simm.s32 $0x180;
	s9 =	sshrl.u32 s9, $0x3;
	[sflag:s16] =	ssyncadd.s32 $0xFFFFD800  }
0x3c: {  	[tilespmem:s19], [sflag:$0x1] =	stream.indirect.gather [hbm4b:s1+s18], $0x80, s12, s18, $0xb8;
	[tilespmem:$0x1F200] =	vst v63  }
0x3d: {  	s9 =	sadd.s32 s6, s9  }
0x3e: {  	[tilespmem:s20], [sflag:$0x4] =	stream.linear.gather [hbm4b:s9+s4], $0x80, $0x38;
	[tilespmem:$0x1F200] =	vst v63  }
0x3f: {  	_ =	swait.ge [sflag:s29], $0x2800  }
0x40: {  	[sflag:s29] =	ssyncset.done $0x0  }
0x41: {  	[sflag:s29] =	ssyncadd.s32 $0xFFFFD800  }
0x42: {  	_ =	swait.ge [sflag:s30], $0x80  }
0x43: {  	s21 =	simm.s32 $0x200;
	[sflag:s30] =	ssyncset.done $0x0  }
0x44: {  	s7 =	sand.u32 $0xFC00, s21;
	[sflag:s30] =	ssyncadd.s32 $0xFFFFFF80  }
0x45: {  	[spmem:s3] =	stream.indirect.scatter.add.f32 [tilespmem:s22], [sflag:$0x7], $0x80, s23, s18, $0xb8;
	[tilespmem:$0x1F200] =	vst v63  }
0x46: {  	s10 =	sand.u32 $0x380, s21;
	s11 =	sadd.s32 s5, s7;
	_ =	swait.ge [sflag:s16], $0x2800  }
0x47: {  	s11 =	sor.u32 s10, s11;
	[sflag:s16] =	ssyncset.done $0x0  }
0x48: {  	s11 =	sshrl.u32 s11, $0x3;
	[sflag:s16] =	ssyncadd.s32 $0xFFFFD800  }
0x49: {  	[tilespmem:s22], [sflag:$0x2] =	stream.indirect.gather [hbm4b:s1+s18], $0x80, s21, s18, $0xb8;
	[tilespmem:$0x1F200] =	vst v63  }
0x4a: {  	s13 =	sadd.s32 s6, s11  }
0x4b: {  	[tilespmem:s23], [sflag:$0x5] =	stream.linear.gather [hbm4b:s13+s4], $0x80, $0x38;
	[tilespmem:$0x1F200] =	vst v63  }
0x4c: {  	_ =	swait.ge [sflag:s31], $0x2800  }
0x4d: {  	[sflag:s31] =	ssyncset.done $0x0  }
0x4e: {  	[sflag:s31] =	ssyncadd.s32 $0xFFFFD800  }
0x4f: {  	s14 =	simm.s32 $0x280;
	s11 =	simm.s32 $0x500;
	_ =	swait.ge [sflag:s2], $0x80  }
0x50: {  	s12 =	sand.u32 $0xFC00, s14;
	s9 =	simm.s32 $0x380;
	[sflag:s2] =	ssyncset.done $0x0  }
0x51: {  	s21 =	simm.s32 $0x380;
	s13 =	sand.u32 $0x380, s14;
	[sflag:s2] =	ssyncadd.s32 $0xFFFFFF80  }
0x52: {  	[spmem:s3] =	stream.indirect.scatter.add.f32 [tilespmem:s24], [sflag:$0x7], $0x80, s25, s18, $0xb8;
	[tilespmem:$0x1F200] =	vst v63  }
.LBB2_2:
0x53: {  	s10 =	sadd.s32 s5, s12  }
0x54: {  	_ =	swait.ge [sflag:s16], $0x2800;
	s12 =	smov.u32 s11;
	s14 =	sadd.s32 $0x180, s11  }
0x55: {  	s7 =	sadd.s32 $0xFFFFFF00, s21;
	s10 =	sor.u32 s13, s10;
	[sflag:s16] =	ssyncset.done $0x0  }
0x56: {  	p1 =	sne.s32 s11, $0x3E00;
	s10 =	sshrl.u32 s10, $0x3;
	[sflag:s16] =	ssyncadd.s32 $0xFFFFD800  }
0x57: {  	[tilespmem:s24], [sflag:$0x3] =	stream.indirect.gather [hbm4b:s1+s18], $0x80, s7, s18, $0xb8;
	[tilespmem:$0x1F200] =	vst v63  }
0x58: {  	s7 =	sadd.s32 s6, s10  }
0x59: {  	[tilespmem:s25], [sflag:$0x6] =	stream.linear.gather [hbm4b:s7+s4], $0x80, $0x38;
	[tilespmem:$0x1F200] =	vst v63  }
0x5a: {  	_ =	swait.ge [sflag:s26], $0x2800  }
0x5b: {  	[sflag:s26] =	ssyncset.done $0x0  }
0x5c: {  	[sflag:s26] =	ssyncadd.s32 $0xFFFFD800  }
0x5d: {  	_ =	swait.ge [sflag:s28], $0x80  }
0x5e: {  	[sflag:s28] =	ssyncset.done $0x0  }
0x5f: {  	s7 =	sadd.s32 $0xFFFFFF80, s9;
	[sflag:s28] =	ssyncadd.s32 $0xFFFFFF80  }
0x60: {  	[spmem:s3] =	stream.indirect.scatter.add.f32 [tilespmem:s19], [sflag:$0x7], $0x80, s20, s18, $0xb8;
	[tilespmem:$0x1F200] =	vst v63  }
0x61: {  	s10 =	sand.u32 $0xFC00, s7;
	s7 =	sand.u32 $0x380, s7;
	_ =	swait.ge [sflag:s16], $0x2800  }
0x62: {  	s10 =	sadd.s32 s5, s10;
	[sflag:s16] =	ssyncset.done $0x0  }
0x63: {  	s11 =	sadd.s32 $0xFFFFFF80, s21;
	s7 =	sor.u32 s7, s10;
	[sflag:s16] =	ssyncadd.s32 $0xFFFFD800  }
0x64: {  	[tilespmem:s19], [sflag:$0x1] =	stream.indirect.gather [hbm4b:s1+s18], $0x80, s11, s18, $0xb8;
	[tilespmem:$0x1F200] =	vst v63  }
0x65: {  	s7 =	sshrl.u32 s7, $0x3  }
0x66: {  	s7 =	sadd.s32 s6, s7  }
0x67: {  	[tilespmem:s20], [sflag:$0x4] =	stream.linear.gather [hbm4b:s7+s4], $0x80, $0x38;
	[tilespmem:$0x1F200] =	vst v63  }
0x68: {  	_ =	swait.ge [sflag:s29], $0x2800  }
0x69: {  	[sflag:s29] =	ssyncset.done $0x0  }
0x6a: {  	[sflag:s29] =	ssyncadd.s32 $0xFFFFD800  }
0x6b: {  	_ =	swait.ge [sflag:s30], $0x80  }
0x6c: {  	[sflag:s30] =	ssyncset.done $0x0  }
0x6d: {  	s7 =	sand.u32 $0xFC00, s9;
	[sflag:s30] =	ssyncadd.s32 $0xFFFFFF80  }
0x6e: {  	[spmem:s3] =	stream.indirect.scatter.add.f32 [tilespmem:s22], [sflag:$0x7], $0x80, s23, s18, $0xb8;
	[tilespmem:$0x1F200] =	vst v63  }
0x6f: {  	s9 =	sand.u32 $0x380, s9;
	s7 =	sadd.s32 s5, s7;
	_ =	swait.ge [sflag:s16], $0x2800  }
0x70: {  	s7 =	sor.u32 s9, s7;
	s9 =	smov.u32 s12;
	[sflag:s16] =	ssyncset.done $0x0  }
0x71: {  	s7 =	sshrl.u32 s7, $0x3;
	[sflag:s16] =	ssyncadd.s32 $0xFFFFD800  }
0x72: {  	[tilespmem:s22], [sflag:$0x2] =	stream.indirect.gather [hbm4b:s1+s18], $0x80, s21, s18, $0xb8;
	[tilespmem:$0x1F200] =	vst v63  }
0x73: {  	s7 =	sadd.s32 s6, s7  }
0x74: {  	[tilespmem:s23], [sflag:$0x5] =	stream.linear.gather [hbm4b:s7+s4], $0x80, $0x38;
	[tilespmem:$0x1F200] =	vst v63  }
0x75: {  	_ =	swait.ge [sflag:s31], $0x2800  }
0x76: {  	[sflag:s31] =	ssyncset.done $0x0  }
.Ltmp0:
0x77: {  	[sflag:s31] =	ssyncadd.s32 $0xFFFFD800;
	(pc) =	sbr.rel @p1 .LBB2_2-.Ltmp0, $4  }
0x78: {  	s11 =	smov.u32 s14;
	_ =	swait.ge [sflag:s2], $0x80  }
0x79: {  	s21 =	sadd.s32 $0x180, s21;
	s7 =	sadd.s32 $0xFFFFFF00, s9;
	[sflag:s2] =	ssyncset.done $0x0  }
0x7a: {  	s12 =	sand.u32 $0xFC00, s7;
	s13 =	sand.u32 $0x380, s7;
	[sflag:s2] =	ssyncadd.s32 $0xFFFFFF80  }
0x7b: {  	[spmem:s3] =	stream.indirect.scatter.add.f32 [tilespmem:s24], [sflag:$0x7], $0x80, s25, s18, $0xb8;
	[tilespmem:$0x1F200] =	vst v63  }
0x7c: {  	s7 =	sadd.s32 s5, s12;
	_ =	swait.ge [sflag:s16], $0x2800  }
0x7d: {  	s7 =	sor.u32 s13, s7;
	[sflag:s16] =	ssyncset.done $0x0  }
0x7e: {  	s10 =	sadd.s32 $0xFFFFFF00, s21;
	s7 =	sshrl.u32 s7, $0x3;
	[sflag:s16] =	ssyncadd.s32 $0xFFFFD800  }
0x7f: {  	[tilespmem:s24], [sflag:$0x3] =	stream.indirect.gather [hbm4b:s1+s18], $0x80, s10, s18, $0xb8;
	[tilespmem:$0x1F200] =	vst v63  }
0x80: {  	s7 =	sadd.s32 s6, s7  }
0x81: {  	[tilespmem:s25], [sflag:$0x6] =	stream.linear.gather [hbm4b:s7+s4], $0x80, $0x38;
	[tilespmem:$0x1F200] =	vst v63  }
0x82: {  	_ =	swait.ge [sflag:s26], $0x2800  }
0x83: {  	[sflag:s26] =	ssyncset.done $0x0  }
0x84: {  	[sflag:s26] =	ssyncadd.s32 $0xFFFFD800  }
0x85: {  	_ =	swait.ge [sflag:s28], $0x80  }
0x86: {  	s13 =	sadd.s32 $0xFFFFFF80, s9;
	[sflag:s28] =	ssyncset.done $0x0  }
0x87: {  	s14 =	sand.u32 $0xFC00, s13;
	[sflag:s28] =	ssyncadd.s32 $0xFFFFFF80  }
0x88: {  	[spmem:s3] =	stream.indirect.scatter.add.f32 [tilespmem:s19], [sflag:$0x7], $0x80, s20, s18, $0xb8;
	[tilespmem:$0x1F200] =	vst v63  }
0x89: {  	s10 =	sadd.s32 s5, s14;
	s7 =	sand.u32 $0x380, s13;
	_ =	swait.ge [sflag:s16], $0x2800  }
0x8a: {  	s7 =	sor.u32 s7, s10;
	[sflag:s16] =	ssyncset.done $0x0  }
0x8b: {  	s11 =	sadd.s32 $0xFFFFFF80, s21;
	s7 =	sshrl.u32 s7, $0x3;
	[sflag:s16] =	ssyncadd.s32 $0xFFFFD800  }
0x8c: {  	[tilespmem:s19], [sflag:$0x1] =	stream.indirect.gather [hbm4b:s1+s18], $0x80, s11, s18, $0xb8;
	[tilespmem:$0x1F200] =	vst v63  }
0x8d: {  	s7 =	sadd.s32 s6, s7  }
0x8e: {  	[tilespmem:s20], [sflag:$0x4] =	stream.linear.gather [hbm4b:s7+s4], $0x80, $0x38;
	[tilespmem:$0x1F200] =	vst v63  }
0x8f: {  	_ =	swait.ge [sflag:s29], $0x2800  }
0x90: {  	[sflag:s29] =	ssyncset.done $0x0  }
0x91: {  	[sflag:s29] =	ssyncadd.s32 $0xFFFFD800  }
0x92: {  	_ =	swait.ge [sflag:s30], $0x80  }
0x93: {  	[sflag:s30] =	ssyncset.done $0x0  }
0x94: {  	s12 =	sand.u32 $0xFC00, s9;
	[sflag:s30] =	ssyncadd.s32 $0xFFFFFF80  }
0x95: {  	[spmem:s3] =	stream.indirect.scatter.add.f32 [tilespmem:s22], [sflag:$0x7], $0x80, s23, s18, $0xb8;
	[tilespmem:$0x1F200] =	vst v63  }
0x96: {  	s13 =	sand.u32 $0x380, s9;
	s7 =	sadd.s32 s5, s12;
	_ =	swait.ge [sflag:s16], $0x2800  }
0x97: {  	s7 =	sor.u32 s13, s7;
	[sflag:s16] =	ssyncset.done $0x0  }
0x98: {  	s7 =	sshrl.u32 s7, $0x3;
	[sflag:s16] =	ssyncadd.s32 $0xFFFFD800  }
0x99: {  	[tilespmem:s22], [sflag:$0x2] =	stream.indirect.gather [hbm4b:s1+s18], $0x80, s21, s18, $0xb8;
	[tilespmem:$0x1F200] =	vst v63  }
0x9a: {  	s7 =	sadd.s32 s6, s7  }
0x9b: {  	[tilespmem:s23], [sflag:$0x5] =	stream.linear.gather [hbm4b:s7+s4], $0x80, $0x38;
	[tilespmem:$0x1F200] =	vst v63  }
0x9c: {  	_ =	swait.ge [sflag:s31], $0x2800  }
0x9d: {  	[sflag:s31] =	ssyncset.done $0x0  }
0x9e: {  	[sflag:s31] =	ssyncadd.s32 $0xFFFFD800  }
0x9f: {  	_ =	swait.ge [sflag:s2], $0x80  }
0xa0: {  	[sflag:s2] =	ssyncset.done $0x0  }
0xa1: {  	[sflag:s2] =	ssyncadd.s32 $0xFFFFFF80  }
0xa2: {  	[spmem:s3] =	stream.indirect.scatter.add.f32 [tilespmem:s24], [sflag:$0x7], $0x80, s25, s18, $0xb8;
	[tilespmem:$0x1F200] =	vst v63  }
0xa3: {  	_ =	swait.ge [sflag:s16], $0x2800  }
0xa4: {  	[sflag:s16] =	ssyncset.done $0x0  }
0xa5: {  	[sflag:s16] =	ssyncadd.s32 $0xFFFFD800  }
0xa6: {  	_ =	swait.ge [sflag:s26], $0x2800  }
0xa7: {  	[sflag:s26] =	ssyncset.done $0x0  }
0xa8: {  	[sflag:s26] =	ssyncadd.s32 $0xFFFFD800  }
0xa9: {  	_ =	swait.ge [sflag:s28], $0x80  }
0xaa: {  	[sflag:s28] =	ssyncset.done $0x0  }
0xab: {  	[sflag:s28] =	ssyncadd.s32 $0xFFFFFF80  }
0xac: {  	[spmem:s3] =	stream.indirect.scatter.add.f32 [tilespmem:s19], [sflag:$0x7], $0x80, s20, s18, $0xb8;
	[tilespmem:$0x1F200] =	vst v63  }
0xad: {  	_ =	swait.ge [sflag:s16], $0x2800  }
0xae: {  	[sflag:s16] =	ssyncset.done $0x0  }
0xaf: {  	[sflag:s16] =	ssyncadd.s32 $0xFFFFD800  }
0xb0: {  	_ =	swait.ge [sflag:s29], $0x2800  }
0xb1: {  	[sflag:s29] =	ssyncset.done $0x0  }
0xb2: {  	[sflag:s29] =	ssyncadd.s32 $0xFFFFD800  }
0xb3: {  	_ =	swait.ge [sflag:s30], $0x80  }
0xb4: {  	[sflag:s30] =	ssyncset.done $0x0  }
0xb5: {  	[sflag:s30] =	ssyncadd.s32 $0xFFFFFF80  }
0xb6: {  	[spmem:s3] =	stream.indirect.scatter.add.f32 [tilespmem:s22], [sflag:$0x7], $0x80, s23, s18, $0xb8;
	[tilespmem:$0x1F200] =	vst v63  }
0xb7: {  	_ =	swait.ge [sflag:s16], $0x2800  }
0xb8: {  	[sflag:s16] =	ssyncset.done $0x0  }
0xb9: {  	[sflag:s16] =	ssyncadd.s32 $0xFFFFD800  }
0xba: {  	[bflag:$0x0] =	sbarrier.arrive $0xFFFF  }
0xbb: {  	s14 =	rddreg [dreg:$0x8]  }
0xbc: {  	[hbm:s14], [sflag:s8] =	dma.local [spmem:s15], $0x2700  }
0xbd: {  	_ =	swait.ge [sflag:s16], $0x2700  }
0xbe: {  	[sflag:s16] =	ssyncset.done $0x0  }
0xbf: {  	s7 =	rddreg [dreg:$0x9];
	[sflag:s16] =	ssyncadd.s32 $0xFFFFD900  }
0xc0: {  	[hbm:s7], [sflag:s8] =	dma.local @!p0 [spmem:s17], $0x100  }
0xc1: {  	s7 =	simm.s32 @!p0 $0x7  }
0xc2: {  	_ =	swait.ge @!p0 [sflag:s7], $0x100  }
0xc3: {  	s0 =	sadd.s32 $0x1, s0;
	s21 =	rddreg [dreg:$0xa]  }
0xc4: {  	p1 =	sne.s32 s0, s21  }
.Ltmp1:
0xc5: {  	_ = 	snop;
	(pc) =	sbr.rel @p1 .LBB2_1-.Ltmp1, $3  }
0xc6: {  	_ =	sdelay $0x1  }
0xc7: {  	[sflag:s7] =	ssyncset.done @!p0 $0x0  }
0xc8: {  	[sflag:s7] =	ssyncadd.s32 @!p0 $0xFFFFFF00  }
0xc9: {  	_ =	sfence.sel $0x180000  }
0xca: {  	[bflag:$0x0] =	sbarrier.arrive $0xFFFF  }
0xcb: {  	_ =	strace $0x90000047  }
0xcc: {  	s0 =	stileid.u32;
	[bflag:$0x2] =	sbarrier.arrive $0xFFFF  }
0xcd: {  	p0 =	sne.s32 s0, $0x0;
	s0 =	rddreg [dreg:$0x3]  }
0xce: {  	s0 =	sadd.s32 @!p0 $0x100000, s0  }
0xcf: {  	[sflag:s0] =	ssyncadd.tile.s32 @!p0 $0x1;
	_ =	shalt  }
.Lfunc_end2:
_tile_overlayer_lowered:
.L_overlay_start_2:
0xd0: {  	(tag) =	ssettag $0x2  }
0xd1: {  	s0 =	rddreg [dreg:$0x0];
	s2 =	stileid.u32  }
0xd2: {  	s1 =	rddreg [dreg:$0x1];
	p0 =	sne.s32 s2, $0x0  }
0xd3: {  	s3 =	rddreg [dreg:$0x2];
	[bflag:$0x3] =	sbarrier.arrive $0xFFFF;
	s2 =	simm.s32 @!p0 $0x1C07  }
0xd4: {  	[timem:s3], [sflag:s2] =	dma.local @!p0 [hbm:s0], s1  }
0xd5: {  	s0 =	simm.s32 @!p0 $0x7  }
0xd6: {  	_ =	swait.ge @!p0 [sflag:s0], s1  }
0xd7: {  	s1 =	ssub.s32 @!p0 $0x0, s1;
	[sflag:s0] =	ssyncset.done @!p0 $0x0  }
0xd8: {  	[sflag:s0] =	ssyncadd.s32 @!p0 s1  }
0xd9: {  	[bflag:$0x3] =	sbarrier.arrive $0xFFFF  }
0xda: {  	_ =	shalt  }

</sc_bundles>
